<compile_context>
chip_gen: v7x
topology: tpu7x:2x2x1
jax: 0.10.2.dev20260603
libtpu: 0.0.44.dev20260713+nightly
codegen_flags: <defaults>
</compile_context>

<pallas_src>
import functools

import jax
import jax.numpy as jnp
from jax import lax
from jax.experimental import pallas as pl
from jax.experimental.pallas import tpu as pltpu
from jax.experimental.pallas import tpu_sc as plsc

D0, D1, D2 = 480, 360, 32
D12 = D1 * D2
TBL = D0 * D1 * D2
TBL_P = TBL + 32
C = 32
NREAL = 200000

NC, NS = 2, 16
NW = NC * NS
RPT = 6400
NP = RPT * NW
RPS = NP // NS
NCOL = D0 * D1
CMSZ = 173056
CPS = CMSZ // NS
CAP = 512

TAP_AXIS = (0, 0, 1, 1, 2, 2)
TAP_D = (-1, 1, -1, 1, -1, 1)
TAP_DCC = (-D1, D1, -1, 1, 0, 0)
TAP_DZ = (0, 0, 0, 0, -1, 1)
DIMS = (D0, D1, D2)

_mesh = plsc.VectorSubcoreMesh(core_axis_name="c", subcore_axis_name="s")


def _wid():
    return lax.axis_index("s") * NC + lax.axis_index("c")


@functools.partial(
    pl.kernel,
    out_type=jax.ShapeDtypeStruct((TBL_P,), jnp.int32),
    mesh=_mesh,
    scratch_types=[
        pltpu.VMEM((RPT,), jnp.int32),
        pltpu.VMEM((RPT,), jnp.int32),
        pltpu.VMEM((RPT,), jnp.int32),
        pltpu.VMEM((RPT,), jnp.int32),
        pltpu.VMEM((RPT,), jnp.int32),
        pltpu.SemaphoreType.DMA,
    ],
)
def _sc_build_table(c0h, c1h, c2h, tableh, c0b, c1b, c2b, kb, vb, sem):
    base = _wid() * RPT
    iota = lax.iota(jnp.int32, 16)
    pltpu.sync_copy(c0h.at[pl.ds(base, RPT)], c0b)
    pltpu.sync_copy(c1h.at[pl.ds(base, RPT)], c1b)
    pltpu.sync_copy(c2h.at[pl.ds(base, RPT)], c2b)

    def body(i, _):
        o = i * 16
        sl = pl.ds(o, 16)
        kb[sl] = c0b[sl] * D12 + c1b[sl] * D2 + c2b[sl]
        vb[sl] = base + o + iota
        return _

    lax.fori_loop(0, RPT // 16, body, None)
    pltpu.async_copy(vb, tableh.at[kb], sem).wait()


@functools.partial(
    pl.kernel,
    out_type=[
        jax.ShapeDtypeStruct((6 * NP, C), jnp.float32),
        jax.ShapeDtypeStruct((6, NP), jnp.float32),
    ],
    mesh=_mesh,
    compiler_params=pltpu.CompilerParams(use_tc_tiling_on_sc=False,
                                         needs_layout_passes=False),
    scratch_types=[
        pltpu.VMEM_SHARED((CMSZ,), jnp.int32),
        pltpu.VMEM((RPS,), jnp.int32),
        pltpu.VMEM((RPS,), jnp.int32),
        pltpu.VMEM((RPS,), jnp.int32),
        pltpu.VMEM((RPS,), jnp.int32),
        pltpu.VMEM((RPS,), jnp.int32),
        pltpu.VMEM((RPT,), jnp.float32),
        pltpu.VMEM((CAP + 16,), jnp.int32),
        pltpu.VMEM((CAP + 16,), jnp.int32),
        pltpu.VMEM((CAP,), jnp.int32),
        pltpu.VMEM((CAP, C), jnp.float32),
        pltpu.SemaphoreType.DMA,
    ],
)
def _sc_gather(c0h, c1h, c2h, tableh, featsh, gh, mh,
               cmsk, c0b, c1b, c2b, ib, vb, mb, cpos, cnk, cgi, rows, sem):
    sid = lax.axis_index("s")
    wid = _wid()
    base = wid * RPT
    iota = lax.iota(jnp.int32, 16)

    def z16(i, _):
        ib[pl.ds(i * 16, 16)] = jnp.zeros((16,), jnp.int32)
        return _

    lax.fori_loop(0, CPS // 16, z16, None)
    pltpu.sync_copy(ib.at[pl.ds(0, CPS)], cmsk.at[pl.ds(sid * CPS, CPS)])
    plsc.subcore_barrier()

    pb = sid * RPS
    pltpu.sync_copy(c0h.at[pl.ds(pb, RPS)], c0b)
    pltpu.sync_copy(c1h.at[pl.ds(pb, RPS)], c1b)
    pltpu.sync_copy(c2h.at[pl.ds(pb, RPS)], c2b)

    def p1(i, _):
        sl = pl.ds(i * 16, 16)
        cc = c0b[sl] * D1 + c1b[sl]
        ok = cc < NCOL
        ib[sl] = jnp.where(ok, cc, NCOL + 8)
        vb[sl] = jnp.where(ok, jnp.int32(1) << c2b[sl], 0)
        return _

    lax.fori_loop(0, RPS // 16, p1, None)
    pltpu.sync_copy(vb, cmsk.at[ib], add=True)
    plsc.subcore_barrier()

    pltpu.sync_copy(c0h.at[pl.ds(base, RPT)], c0b.at[pl.ds(0, RPT)])
    pltpu.sync_copy(c1h.at[pl.ds(base, RPT)], c1b.at[pl.ds(0, RPT)])
    pltpu.sync_copy(c2h.at[pl.ds(base, RPT)], c2b.at[pl.ds(0, RPT)])

    for t in range(6):
        ax = TAP_AXIS[t]
        d = TAP_D[t]
        dcc = TAP_DCC[t]
        dz = TAP_DZ[t]
        dim = DIMS[ax]
        cab = (c0b, c1b, c2b)[ax]

        def pa(i, _):
            sl = pl.ds(i * 16, 16)
            cc = c0b[sl] * D1 + c1b[sl] + dcc
            ib[sl] = jnp.clip(cc, 0, NCOL - 1)
            return _

        lax.fori_loop(0, RPT // 16, pa, None)
        pltpu.async_copy(cmsk.at[ib.at[pl.ds(0, RPT)]], vb.at[pl.ds(0, RPT)],
                         sem).wait()

        def pf(i, _):
            sl = pl.ds(i * 16, 16)
            cpos[sl] = RPT + i * 16 + iota
            cnk[sl] = jnp.zeros((16,), jnp.int32)
            return _

        lax.fori_loop(0, (CAP + 16) // 16, pf, None)

        def pb_loop(i, off):
            o = i * 16
            sl = pl.ds(o, 16)
            ca = cab[sl] + d
            inb = (ca >= 0) & (ca < dim)
            real = (base + o + iota) < NREAL
            zc = jnp.clip(c2b[sl] + dz, 0, D2 - 1)
            bit = (vb[sl] >> zc) & 1
            ex = (bit == 1) & inb & real
            mb[sl] = ex.astype(jnp.float32)
            nk = (c0b[sl] * D1 + c1b[sl] + dcc) * D2 + zc
            pv = o + iota
            plsc.store_compressed(cpos.at[pl.ds(off, 16)], pv, mask=ex)
            plsc.store_compressed(cnk.at[pl.ds(off, 16)], nk, mask=ex)
            cnt = plsc.all_reduce_population_count(ex)
            return off + jnp.max(cnt)

        lax.fori_loop(0, RPT // 16, pb_loop, jnp.int32(0))
        pltpu.sync_copy(mb, mh.at[t, pl.ds(base, RPT)])
        pltpu.async_copy(tableh.at[cnk.at[pl.ds(0, CAP)]], cgi, sem).wait()

        def pc_loop(i, _):
            sl = pl.ds(i * 16, 16)
            jv = cgi[sl]
            cnk[sl] = jnp.clip(jv, 0, NREAL - 1)
            p = cpos[sl]
            isreal = p < RPT
            cgi[sl] = jnp.where(isreal, t * NP + base + p,
                                t * NP + NREAL + (p - RPT))
            return _

        lax.fori_loop(0, CAP // 16, pc_loop, None)
        pltpu.async_copy(featsh.at[cnk.at[pl.ds(0, CAP)]], rows, sem).wait()
        pltpu.async_copy(rows, gh.at[cgi], sem).wait()


BLK = 2048
NBLK = 100


def _tc_conv_body(f_ref, g_ref, m_ref, w_ref, out_ref, sum_ref, sq_ref,
                  acc_s, acc_q):
    i = pl.program_id(0)
    x = f_ref[...]
    g = g_ref[...]
    m = m_ref[...]
    parts = [jnp.where(m[t][:, None] > 0.5, g[t], 0.0) for t in range(6)]
    xcat = jnp.concatenate(parts + [x], axis=1)
    o = jnp.dot(xcat, w_ref[...], preferred_element_type=jnp.float32)
    out_ref[...] = o
    s = jnp.broadcast_to(jnp.sum(o, axis=0, keepdims=True), (8, 96))
    q = jnp.broadcast_to(jnp.sum(o * o, axis=0, keepdims=True), (8, 96))

    @pl.when(i == 0)
    def _():
        acc_s[...] = s
        acc_q[...] = q

    @pl.when(i > 0)
    def _():
        acc_s[...] += s
        acc_q[...] += q

    @pl.when(i == NBLK - 1)
    def _():
        sum_ref[...] = acc_s[...]
        sq_ref[...] = acc_q[...]


def _tc_final_body(o_ref, f_ref, sum_ref, sq_ref, g_ref, b_ref, out_ref):
    n = jnp.float32(NREAL)
    m = sum_ref[0:1, :] / n
    v = sq_ref[0:1, :] / n - m * m
    inv = lax.rsqrt(v + 1e-5)
    z = (o_ref[...] - m) * inv * g_ref[0:1, :] + b_ref[0:1, :]
    y = 1.0 / (1.0 + jnp.exp(-z))
    out_ref[...] = (y[:, 0:32] + y[:, 32:64] + y[:, 64:96]) * f_ref[...]


def kernel(feats, coords, W1, W2, W3, g1, b1, g2, b2, g3, b3):
    n = feats.shape[0]
    npad = NP - n
    ct = coords.T.astype(jnp.int32)
    padc = jnp.tile(jnp.array([[D0], [0], [16]], jnp.int32), (1, npad))
    ct = jnp.concatenate([ct, padc], axis=1)
    c0, c1, c2 = ct[0], ct[1], ct[2]
    fpad = jnp.concatenate([feats, jnp.zeros((npad, C), jnp.float32)], axis=0)

    Z = jnp.zeros((C, C), jnp.float32)
    rows = [
        jnp.concatenate([W1[0], Z, Z], 1),
        jnp.concatenate([W1[2], Z, Z], 1),
        jnp.concatenate([Z, W2[0], Z], 1),
        jnp.concatenate([Z, W2[2], Z], 1),
        jnp.concatenate([Z, Z, W3[0]], 1),
        jnp.concatenate([Z, Z, W3[2]], 1),
        jnp.concatenate([W1[1], W2[1], W3[1]], 1),
    ]
    wbig = jnp.concatenate(rows, axis=0)
    gcat = jnp.broadcast_to(jnp.concatenate([g1, g2, g3])[None, :], (8, 96))
    bcat = jnp.broadcast_to(jnp.concatenate([b1, b2, b3])[None, :], (8, 96))

    table = _sc_build_table(c0, c1, c2)
    gflat, mask6 = _sc_gather(c0, c1, c2, table, feats)
    g6 = gflat.reshape(6, NP, C)

    out96, sums, sqs = pl.pallas_call(
        _tc_conv_body,
        grid=(NBLK,),
        in_specs=[
            pl.BlockSpec((BLK, C), lambda i: (i, 0)),
            pl.BlockSpec((6, BLK, C), lambda i: (0, i, 0)),
            pl.BlockSpec((6, BLK), lambda i: (0, i)),
            pl.BlockSpec((224, 96), lambda i: (0, 0)),
        ],
        out_specs=[
            pl.BlockSpec((BLK, 96), lambda i: (i, 0)),
            pl.BlockSpec((8, 96), lambda i: (0, 0)),
            pl.BlockSpec((8, 96), lambda i: (0, 0)),
        ],
        out_shape=[
            jax.ShapeDtypeStruct((NP, 96), jnp.float32),
            jax.ShapeDtypeStruct((8, 96), jnp.float32),
            jax.ShapeDtypeStruct((8, 96), jnp.float32),
        ],
        scratch_shapes=[
            pltpu.VMEM((8, 96), jnp.float32),
            pltpu.VMEM((8, 96), jnp.float32),
        ],
    )(fpad, g6, mask6, wbig)

    out = pl.pallas_call(
        _tc_final_body,
        grid=(NBLK,),
        in_specs=[
            pl.BlockSpec((BLK, 96), lambda i: (i, 0)),
            pl.BlockSpec((BLK, C), lambda i: (i, 0)),
            pl.BlockSpec((8, 96), lambda i: (0, 0)),
            pl.BlockSpec((8, 96), lambda i: (0, 0)),
            pl.BlockSpec((8, 96), lambda i: (0, 0)),
            pl.BlockSpec((8, 96), lambda i: (0, 0)),
        ],
        out_specs=pl.BlockSpec((BLK, C), lambda i: (i, 0)),
        out_shape=jax.ShapeDtypeStruct((NP, C), jnp.float32),
    )(out96, fpad, sums, sqs, gcat, bcat)
    return out[:n]

# --- scband reference (transcript-rebuilt; emitter-appended) ---
"""Pipeline reference for scband-recon-block-15968688407225 (READ-ONLY COPY).

The authoritative reference and input builder live on the scoring server;
editing this copy changes nothing except your own understanding.
"""

import jax, jax.numpy as jnp
import numpy as np

D0, D1, D2 = 480, 360, 32
N = 200000
C = 32


def setup_inputs(seed: int = 0):
    key = jax.random.key(seed)
    k1, k2, k3, k4 = jax.random.split(key, 4)
    rng = np.random.default_rng(0)
    flat = rng.choice(D0 * D1 * D2, size=N, replace=False)
    c0 = flat // (D1 * D2)
    rem = flat % (D1 * D2)
    c1 = rem // D2
    c2 = rem % D2
    coords = jnp.asarray(np.stack([c0, c1, c2], axis=1).astype(np.int32))
    feats = jax.random.normal(k1, (N, C), dtype=jnp.float32)
    W1 = jax.random.normal(k2, (3, C, C), dtype=jnp.float32) * 0.1
    W2 = jax.random.normal(k3, (3, C, C), dtype=jnp.float32) * 0.1
    W3 = jax.random.normal(k4, (3, C, C), dtype=jnp.float32) * 0.1
    g1 = jnp.ones((C,), jnp.float32); b1 = jnp.zeros((C,), jnp.float32)
    g2 = jnp.ones((C,), jnp.float32); b2 = jnp.zeros((C,), jnp.float32)
    g3 = jnp.ones((C,), jnp.float32); b3 = jnp.zeros((C,), jnp.float32)
    return {"feats": feats, "coords": coords, "W1": W1, "W2": W2, "W3": W3,
            "g1": g1, "b1": b1, "g2": g2, "b2": b2, "g3": g3, "b3": b3}


def _build_table(coords):
    keys = coords[:, 0] * (D1 * D2) + coords[:, 1] * D2 + coords[:, 2]
    table = -jnp.ones((D0 * D1 * D2,), jnp.int32)
    return table.at[keys].set(jnp.arange(coords.shape[0], dtype=jnp.int32))


def _subm_conv_axis(feats, coords, table, axis, W):
    # submanifold 1D conv (kernel size 3) along the given spatial axis:
    # output only at active sites; contributions only from active neighbors.
    dims = (D0, D1, D2)
    out = jnp.zeros((feats.shape[0], W.shape[-1]), feats.dtype)
    for k, d in enumerate((-1, 0, 1)):
        ca = coords[:, axis] + d
        inb = (ca >= 0) & (ca < dims[axis])
        cac = jnp.clip(ca, 0, dims[axis] - 1)
        cs = [coords[:, 0], coords[:, 1], coords[:, 2]]
        cs[axis] = cac
        key = cs[0] * (D1 * D2) + cs[1] * D2 + cs[2]
        j = table[key]
        exists = inb & (j >= 0)
        jc = jnp.where(exists, j, 0)
        gath = jnp.where(exists[:, None], feats[jc], 0.0)
        out = out + gath @ W[k]
    return out


def _bn_sigmoid(x, g, b):
    # BatchNorm1d (training-mode batch stats, biased var, eps=1e-5) + Sigmoid
    m = jnp.mean(x, axis=0)
    v = jnp.var(x, axis=0)
    return jax.nn.sigmoid((x - m) / jnp.sqrt(v + 1e-5) * g + b)


def reference(feats, coords, W1, W2, W3, g1, b1, g2, b2, g3, b3):
    table = _build_table(coords)
    s1 = _bn_sigmoid(_subm_conv_axis(feats, coords, table, 0, W1), g1, b1)
    s2 = _bn_sigmoid(_subm_conv_axis(feats, coords, table, 1, W2), g2, b2)
    s3 = _bn_sigmoid(_subm_conv_axis(feats, coords, table, 2, W3), g3, b3)
    # Fsp.sparse_add on identical indice sets == elementwise feature add,
    # then gating multiply with the input features.
    return (s1 + s2 + s3) * feats

if __name__ == "__main__":
    import jax
    _d = setup_inputs()
    print(jax.jit(kernel)(*tuple(_d.values())))

</pallas_src>

<mosaic_0001>
#map = affine_map<(d0, d1) -> (0)>
module attributes {stable_mosaic.version = 14 : i64} {
  func.func @_sc_build_table(%arg0: i32, %arg1: i32, %arg2: memref<204800xi32, #tpu.memory_space<hbm>>, %arg3: memref<204800xi32, #tpu.memory_space<hbm>>, %arg4: memref<204800xi32, #tpu.memory_space<hbm>>, %arg5: memref<5529632xi32, #tpu.memory_space<hbm>>, %arg6: memref<6400xi32, #tpu.memory_space<vmem>>, %arg7: memref<6400xi32, #tpu.memory_space<vmem>>, %arg8: memref<6400xi32, #tpu.memory_space<vmem>>, %arg9: memref<6400xi32, #tpu.memory_space<vmem>>, %arg10: memref<6400xi32, #tpu.memory_space<vmem>>, %arg11: memref<!tpu.dma_semaphore, #tpu.memory_space<semaphore_mem>>) attributes {dimension_semantics = [#tpu.dimension_semantics<core_parallel>, #tpu.dimension_semantics<subcore_parallel>], iteration_bounds = array<i64: 2, 16>, scalar_prefetch = 0 : i64, scratch_operands = 6 : i64, tpu.core_type = #tpu.core_type<sc_vector_subcore>, window_params = [{transform_indices = #map}, {transform_indices = #map}, {transform_indices = #map}, {transform_indices = #map}]} {
    %mul3A = arith.constant 2 : i32
    %mul3A_0 = arith.muli %arg1, %mul3A : i32
    %add3A = arith.addi %mul3A_0, %arg0 : i32
    %mul3A_1 = arith.constant 6400 : i32
    %mul3A_2 = arith.muli %add3A, %mul3A_1 : i32
    %iota3A = tpu.iota {dimensions = array<i32: 0>} : vector<16xi32>
    "tpu.region"() ({
      %run_scoped3A = tpu.sem_alloc : memref<!tpu.dma_semaphore, #tpu.memory_space<semaphore_mem>>
      %dma_start3A_9 = tpu.memref_slice %arg2[%mul3A_2] : memref<204800xi32, #tpu.memory_space<hbm>> -> memref<6400xi32, #tpu.memory_space<hbm>>
      %dma_start3A_10 = tpu.memref_slice %arg2[%mul3A_2] : memref<204800xi32, #tpu.memory_space<hbm>> -> memref<6400xi32, #tpu.memory_space<hbm>>
      tpu.enqueue_dma source(%dma_start3A_10 : memref<6400xi32, #tpu.memory_space<hbm>>) target(%arg6 : memref<6400xi32, #tpu.memory_space<vmem>>) target_semaphore(%run_scoped3A : memref<!tpu.dma_semaphore, #tpu.memory_space<semaphore_mem>>)
      %dma_wait3A_11 = tpu.memref_slice %arg2[%mul3A_2] : memref<204800xi32, #tpu.memory_space<hbm>> -> memref<6400xi32, #tpu.memory_space<hbm>>
      %dma_wait3A_12 = tpu.memref_slice %arg2[%mul3A_2] : memref<204800xi32, #tpu.memory_space<hbm>> -> memref<6400xi32, #tpu.memory_space<hbm>>
      tpu.wait_dma2 semaphore(%run_scoped3A : memref<!tpu.dma_semaphore, #tpu.memory_space<semaphore_mem>>) src(%dma_wait3A_12 : memref<6400xi32, #tpu.memory_space<hbm>>) dst(%arg6 : memref<6400xi32, #tpu.memory_space<vmem>>)
      tpu.yield
    }) : () -> ()
    "tpu.region"() ({
      %run_scoped3A = tpu.sem_alloc : memref<!tpu.dma_semaphore, #tpu.memory_space<semaphore_mem>>
      %dma_start3A_9 = tpu.memref_slice %arg3[%mul3A_2] : memref<204800xi32, #tpu.memory_space<hbm>> -> memref<6400xi32, #tpu.memory_space<hbm>>
      %dma_start3A_10 = tpu.memref_slice %arg3[%mul3A_2] : memref<204800xi32, #tpu.memory_space<hbm>> -> memref<6400xi32, #tpu.memory_space<hbm>>
      tpu.enqueue_dma source(%dma_start3A_10 : memref<6400xi32, #tpu.memory_space<hbm>>) target(%arg7 : memref<6400xi32, #tpu.memory_space<vmem>>) target_semaphore(%run_scoped3A : memref<!tpu.dma_semaphore, #tpu.memory_space<semaphore_mem>>)
      %dma_wait3A_11 = tpu.memref_slice %arg3[%mul3A_2] : memref<204800xi32, #tpu.memory_space<hbm>> -> memref<6400xi32, #tpu.memory_space<hbm>>
      %dma_wait3A_12 = tpu.memref_slice %arg3[%mul3A_2] : memref<204800xi32, #tpu.memory_space<hbm>> -> memref<6400xi32, #tpu.memory_space<hbm>>
      tpu.wait_dma2 semaphore(%run_scoped3A : memref<!tpu.dma_semaphore, #tpu.memory_space<semaphore_mem>>) src(%dma_wait3A_12 : memref<6400xi32, #tpu.memory_space<hbm>>) dst(%arg7 : memref<6400xi32, #tpu.memory_space<vmem>>)
      tpu.yield
    }) : () -> ()
    "tpu.region"() ({
      %run_scoped3A = tpu.sem_alloc : memref<!tpu.dma_semaphore, #tpu.memory_space<semaphore_mem>>
      %dma_start3A_9 = tpu.memref_slice %arg4[%mul3A_2] : memref<204800xi32, #tpu.memory_space<hbm>> -> memref<6400xi32, #tpu.memory_space<hbm>>
      %dma_start3A_10 = tpu.memref_slice %arg4[%mul3A_2] : memref<204800xi32, #tpu.memory_space<hbm>> -> memref<6400xi32, #tpu.memory_space<hbm>>
      tpu.enqueue_dma source(%dma_start3A_10 : memref<6400xi32, #tpu.memory_space<hbm>>) target(%arg8 : memref<6400xi32, #tpu.memory_space<vmem>>) target_semaphore(%run_scoped3A : memref<!tpu.dma_semaphore, #tpu.memory_space<semaphore_mem>>)
      %dma_wait3A_11 = tpu.memref_slice %arg4[%mul3A_2] : memref<204800xi32, #tpu.memory_space<hbm>> -> memref<6400xi32, #tpu.memory_space<hbm>>
      %dma_wait3A_12 = tpu.memref_slice %arg4[%mul3A_2] : memref<204800xi32, #tpu.memory_space<hbm>> -> memref<6400xi32, #tpu.memory_space<hbm>>
      tpu.wait_dma2 semaphore(%run_scoped3A : memref<!tpu.dma_semaphore, #tpu.memory_space<semaphore_mem>>) src(%dma_wait3A_12 : memref<6400xi32, #tpu.memory_space<hbm>>) dst(%arg8 : memref<6400xi32, #tpu.memory_space<vmem>>)
      tpu.yield
    }) : () -> ()
    %scan3A = arith.constant 0 : i32
    %scan3A_3 = arith.constant 400 : i32
    %scan3A_4 = arith.addi %scan3A, %scan3A_3 : i32
    %scan3A_5 = arith.constant 1 : i32
    scf.for %scan3A_9 = %scan3A to %scan3A_4 step %scan3A_5  : i32 {
      %mul3A_10 = arith.constant 16 : i32
      %mul3A_11 = arith.muli %scan3A_9, %mul3A_10 : i32
      %get3A = arith.index_cast %mul3A_11 : i32 to index
      %get3A_12 = tpu.vector_load %arg6[%get3A] {strides = array<i32>} : memref<6400xi32, #tpu.memory_space<vmem>>, vector<16xi32>,
      %get3A_13 = vector.shape_cast %get3A_12 : vector<16xi32> to vector<16xi32>
      %mul3A_14 = arith.constant 11520 : i32
      %mul3A_15 = vector.broadcast %mul3A_14 : i32 to vector<16xi32>
      %mul3A_16 = arith.muli %get3A_13, %mul3A_15 : vector<16xi32>
      %get3A_17 = arith.index_cast %mul3A_11 : i32 to index
      %get3A_18 = tpu.vector_load %arg7[%get3A_17] {strides = array<i32>} : memref<6400xi32, #tpu.memory_space<vmem>>, vector<16xi32>,
      %get3A_19 = vector.shape_cast %get3A_18 : vector<16xi32> to vector<16xi32>
      %mul3A_20 = arith.constant 32 : i32
      %mul3A_21 = vector.broadcast %mul3A_20 : i32 to vector<16xi32>
      %mul3A_22 = arith.muli %get3A_19, %mul3A_21 : vector<16xi32>
      %add3A_23 = arith.addi %mul3A_16, %mul3A_22 : vector<16xi32>
      %get3A_24 = arith.index_cast %mul3A_11 : i32 to index
      %get3A_25 = tpu.vector_load %arg8[%get3A_24] {strides = array<i32>} : memref<6400xi32, #tpu.memory_space<vmem>>, vector<16xi32>,
      %get3A_26 = vector.shape_cast %get3A_25 : vector<16xi32> to vector<16xi32>
      %add3A_27 = arith.addi %add3A_23, %get3A_26 : vector<16xi32>
      %swap3A = arith.index_cast %mul3A_11 : i32 to index
      %swap3A_28 = tpu.vector_load %arg9[%swap3A] {strides = array<i32>} : memref<6400xi32, #tpu.memory_space<vmem>>, vector<16xi32>,
      %swap3A_29 = vector.shape_cast %swap3A_28 : vector<16xi32> to vector<16xi32>
      %swap3A_30 = vector.shape_cast %add3A_27 : vector<16xi32> to vector<16xi32>
      tpu.vector_store %arg9[%swap3A], %swap3A_30 {strides = array<i32>} : memref<6400xi32, #tpu.memory_space<vmem>>, vector<16xi32>,
      %add3A_31 = arith.addi %mul3A_2, %mul3A_11 : i32
      %add3A_32 = vector.broadcast %add3A_31 : i32 to vector<16xi32>
      %add3A_33 = arith.addi %add3A_32, %iota3A : vector<16xi32>
      %swap3A_34 = arith.index_cast %mul3A_11 : i32 to index
      %swap3A_35 = tpu.vector_load %arg10[%swap3A_34] {strides = array<i32>} : memref<6400xi32, #tpu.memory_space<vmem>>, vector<16xi32>,
      %swap3A_36 = vector.shape_cast %swap3A_35 : vector<16xi32> to vector<16xi32>
      %swap3A_37 = vector.shape_cast %add3A_33 : vector<16xi32> to vector<16xi32>
      tpu.vector_store %arg10[%swap3A_34], %swap3A_37 {strides = array<i32>} : memref<6400xi32, #tpu.memory_space<vmem>>, vector<16xi32>,
    }
    %scan3A_6 = arith.constant 400 : i32
    %dma_start3A = arith.constant 0 : i32
    %dma_start3A_7 = tpu.memref_slice %arg5[%dma_start3A] : memref<5529632xi32, #tpu.memory_space<hbm>> -> memref<5529632xi32, #tpu.memory_space<hbm>>
    tpu.enqueue_indirect_dma source(%arg10 : memref<6400xi32, #tpu.memory_space<vmem>>) target(%dma_start3A_7 : memref<5529632xi32, #tpu.memory_space<hbm>>) offsets(%arg9 : memref<6400xi32, #tpu.memory_space<vmem>>) semaphore(%arg11 : memref<!tpu.dma_semaphore, #tpu.memory_space<semaphore_mem>>)
    %dma_wait3A = arith.constant 0 : i32
    %dma_wait3A_8 = tpu.memref_slice %arg5[%dma_wait3A] : memref<5529632xi32, #tpu.memory_space<hbm>> -> memref<5529632xi32, #tpu.memory_space<hbm>>
    tpu.wait_indirect_dma semaphore(%arg11 : memref<!tpu.dma_semaphore, #tpu.memory_space<semaphore_mem>>) src(%arg10 : memref<6400xi32, #tpu.memory_space<vmem>>) dst(%dma_wait3A_8 : memref<5529632xi32, #tpu.memory_space<hbm>>)
    return
  }
}

#map = affine_map<(d0, d1) -> (0)>
#map1 = affine_map<(d0, d1) -> (0, 0)>
module attributes {stable_mosaic.version = 14 : i64} {
  func.func @_sc_gather(%arg0: i32, %arg1: i32, %arg2: memref<204800xi32, #tpu.memory_space<hbm>>, %arg3: memref<204800xi32, #tpu.memory_space<hbm>>, %arg4: memref<204800xi32, #tpu.memory_space<hbm>>, %arg5: memref<5529632xi32, #tpu.memory_space<hbm>>, %arg6: memref<200000x32xf32, #tpu.memory_space<hbm>>, %arg7: memref<1228800x32xf32, #tpu.memory_space<hbm>>, %arg8: memref<6x204800xf32, #tpu.memory_space<hbm>>, %arg9: memref<173056xi32, #tpu.memory_space<vmem_shared>>, %arg10: memref<12800xi32, #tpu.memory_space<vmem>>, %arg11: memref<12800xi32, #tpu.memory_space<vmem>>, %arg12: memref<12800xi32, #tpu.memory_space<vmem>>, %arg13: memref<12800xi32, #tpu.memory_space<vmem>>, %arg14: memref<12800xi32, #tpu.memory_space<vmem>>, %arg15: memref<6400xf32, #tpu.memory_space<vmem>>, %arg16: memref<528xi32, #tpu.memory_space<vmem>>, %arg17: memref<528xi32, #tpu.memory_space<vmem>>, %arg18: memref<512xi32, #tpu.memory_space<vmem>>, %arg19: memref<512x32xf32, #tpu.memory_space<vmem>>, %arg20: memref<!tpu.dma_semaphore, #tpu.memory_space<semaphore_mem>>) attributes {dimension_semantics = [#tpu.dimension_semantics<core_parallel>, #tpu.dimension_semantics<subcore_parallel>], iteration_bounds = array<i64: 2, 16>, scalar_prefetch = 0 : i64, scratch_operands = 12 : i64, tpu.core_type = #tpu.core_type<sc_vector_subcore>, window_params = [{transform_indices = #map}, {transform_indices = #map}, {transform_indices = #map}, {transform_indices = #map}, {transform_indices = #map1}, {transform_indices = #map1}, {transform_indices = #map1}]} {
    %mul3A = arith.constant 2 : i32
    %mul3A_0 = arith.muli %arg1, %mul3A : i32
    %add3A = arith.addi %mul3A_0, %arg0 : i32
    %mul3A_1 = arith.constant 6400 : i32
    %mul3A_2 = arith.muli %add3A, %mul3A_1 : i32
    %iota3A = tpu.iota {dimensions = array<i32: 0>} : vector<16xi32>
    %scan3A = arith.constant 0 : i32
    %scan3A_3 = arith.constant 676 : i32
    %scan3A_4 = arith.addi %scan3A, %scan3A_3 : i32
    %scan3A_5 = arith.constant 1 : i32
    scf.for %scan3A_368 = %scan3A to %scan3A_4 step %scan3A_5  : i32 {
      %broadcast_in_dim3A = arith.constant 0 : i32
      %broadcast_in_dim3A_369 = vector.broadcast %broadcast_in_dim3A : i32 to vector<16xi32>
      %mul3A_370 = arith.constant 16 : i32
      %mul3A_371 = arith.muli %scan3A_368, %mul3A_370 : i32
      %swap3A = arith.index_cast %mul3A_371 : i32 to index
      %swap3A_372 = tpu.vector_load %arg13[%swap3A] {strides = array<i32>} : memref<12800xi32, #tpu.memory_space<vmem>>, vector<16xi32>,
      tpu.vector_store %arg13[%swap3A], %broadcast_in_dim3A_369 {strides = array<i32>} : memref<12800xi32, #tpu.memory_space<vmem>>, vector<16xi32>,
    }
    %scan3A_6 = arith.constant 676 : i32
    %mul3A_7 = arith.constant 10816 : i32
    %mul3A_8 = arith.muli %arg1, %mul3A_7 : i32
    "tpu.region"() ({
      %run_scoped3A_368 = tpu.sem_alloc : memref<!tpu.dma_semaphore, #tpu.memory_space<semaphore_mem>>
      %dma_start3A_369 = arith.constant 0 : i32
      %dma_start3A_370 = tpu.memref_slice %arg13[%dma_start3A_369] : memref<12800xi32, #tpu.memory_space<vmem>> -> memref<10816xi32, #tpu.memory_space<vmem>>
      %dma_start3A_371 = tpu.memref_slice %arg9[%mul3A_8] : memref<173056xi32, #tpu.memory_space<vmem_shared>> -> memref<10816xi32, #tpu.memory_space<vmem_shared>>
      %dma_start3A_372 = tpu.memref_slice %arg9[%mul3A_8] : memref<173056xi32, #tpu.memory_space<vmem_shared>> -> memref<10816xi32, #tpu.memory_space<vmem_shared>>
      %dma_start3A_373 = arith.constant 0 : i32
      %dma_start3A_374 = tpu.memref_slice %arg13[%dma_start3A_373] : memref<12800xi32, #tpu.memory_space<vmem>> -> memref<10816xi32, #tpu.memory_space<vmem>>
      tpu.enqueue_dma source(%dma_start3A_374 : memref<10816xi32, #tpu.memory_space<vmem>>) target(%dma_start3A_372 : memref<10816xi32, #tpu.memory_space<vmem_shared>>) target_semaphore(%run_scoped3A_368 : memref<!tpu.dma_semaphore, #tpu.memory_space<semaphore_mem>>)
      %dma_wait3A_375 = arith.constant 0 : i32
      %dma_wait3A_376 = tpu.memref_slice %arg13[%dma_wait3A_375] : memref<12800xi32, #tpu.memory_space<vmem>> -> memref<10816xi32, #tpu.memory_space<vmem>>
      %dma_wait3A_377 = tpu.memref_slice %arg9[%mul3A_8] : memref<173056xi32, #tpu.memory_space<vmem_shared>> -> memref<10816xi32, #tpu.memory_space<vmem_shared>>
      %dma_wait3A_378 = tpu.memref_slice %arg9[%mul3A_8] : memref<173056xi32, #tpu.memory_space<vmem_shared>> -> memref<10816xi32, #tpu.memory_space<vmem_shared>>
      %dma_wait3A_379 = arith.constant 0 : i32
      %dma_wait3A_380 = tpu.memref_slice %arg13[%dma_wait3A_379] : memref<12800xi32, #tpu.memory_space<vmem>> -> memref<10816xi32, #tpu.memory_space<vmem>>
      tpu.wait_dma2 semaphore(%run_scoped3A_368 : memref<!tpu.dma_semaphore, #tpu.memory_space<semaphore_mem>>) src(%dma_wait3A_380 : memref<10816xi32, #tpu.memory_space<vmem>>) dst(%dma_wait3A_378 : memref<10816xi32, #tpu.memory_space<vmem_shared>>)
      tpu.yield
    }) : () -> ()
    %barrier3A = arith.constant 0 : index
    tpu.barrier barrier_id(%barrier3A)
    %mul3A_9 = arith.constant 12800 : i32
    %mul3A_10 = arith.muli %arg1, %mul3A_9 : i32
    "tpu.region"() ({
      %run_scoped3A_368 = tpu.sem_alloc : memref<!tpu.dma_semaphore, #tpu.memory_space<semaphore_mem>>
      %dma_start3A_369 = tpu.memref_slice %arg2[%mul3A_10] : memref<204800xi32, #tpu.memory_space<hbm>> -> memref<12800xi32, #tpu.memory_space<hbm>>
      %dma_start3A_370 = tpu.memref_slice %arg2[%mul3A_10] : memref<204800xi32, #tpu.memory_space<hbm>> -> memref<12800xi32, #tpu.memory_space<hbm>>
      tpu.enqueue_dma source(%dma_start3A_370 : memref<12800xi32, #tpu.memory_space<hbm>>) target(%arg10 : memref<12800xi32, #tpu.memory_space<vmem>>) target_semaphore(%run_scoped3A_368 : memref<!tpu.dma_semaphore, #tpu.memory_space<semaphore_mem>>)
      %dma_wait3A_371 = tpu.memref_slice %arg2[%mul3A_10] : memref<204800xi32, #tpu.memory_space<hbm>> -> memref<12800xi32, #tpu.memory_space<hbm>>
      %dma_wait3A_372 = tpu.memref_slice %arg2[%mul3A_10] : memref<204800xi32, #tpu.memory_space<hbm>> -> memref<12800xi32, #tpu.memory_space<hbm>>
      tpu.wait_dma2 semaphore(%run_scoped3A_368 : memref<!tpu.dma_semaphore, #tpu.memory_space<semaphore_mem>>) src(%dma_wait3A_372 : memref<12800xi32, #tpu.memory_space<hbm>>) dst(%arg10 : memref<12800xi32, #tpu.memory_space<vmem>>)
      tpu.yield
    }) : () -> ()
    "tpu.region"() ({
      %run_scoped3A_368 = tpu.sem_alloc : memref<!tpu.dma_semaphore, #tpu.memory_space<semaphore_mem>>
      %dma_start3A_369 = tpu.memref_slice %arg3[%mul3A_10] : memref<204800xi32, #tpu.memory_space<hbm>> -> memref<12800xi32, #tpu.memory_space<hbm>>
      %dma_start3A_370 = tpu.memref_slice %arg3[%mul3A_10] : memref<204800xi32, #tpu.memory_space<hbm>> -> memref<12800xi32, #tpu.memory_space<hbm>>
      tpu.enqueue_dma source(%dma_start3A_370 : memref<12800xi32, #tpu.memory_space<hbm>>) target(%arg11 : memref<12800xi32, #tpu.memory_space<vmem>>) target_semaphore(%run_scoped3A_368 : memref<!tpu.dma_semaphore, #tpu.memory_space<semaphore_mem>>)
      %dma_wait3A_371 = tpu.memref_slice %arg3[%mul3A_10] : memref<204800xi32, #tpu.memory_space<hbm>> -> memref<12800xi32, #tpu.memory_space<hbm>>
      %dma_wait3A_372 = tpu.memref_slice %arg3[%mul3A_10] : memref<204800xi32, #tpu.memory_space<hbm>> -> memref<12800xi32, #tpu.memory_space<hbm>>
      tpu.wait_dma2 semaphore(%run_scoped3A_368 : memref<!tpu.dma_semaphore, #tpu.memory_space<semaphore_mem>>) src(%dma_wait3A_372 : memref<12800xi32, #tpu.memory_space<hbm>>) dst(%arg11 : memref<12800xi32, #tpu.memory_space<vmem>>)
      tpu.yield
    }) : () -> ()
    "tpu.region"() ({
      %run_scoped3A_368 = tpu.sem_alloc : memref<!tpu.dma_semaphore, #tpu.memory_space<semaphore_mem>>
      %dma_start3A_369 = tpu.memref_slice %arg4[%mul3A_10] : memref<204800xi32, #tpu.memory_space<hbm>> -> memref<12800xi32, #tpu.memory_space<hbm>>
      %dma_start3A_370 = tpu.memref_slice %arg4[%mul3A_10] : memref<204800xi32, #tpu.memory_space<hbm>> -> memref<12800xi32, #tpu.memory_space<hbm>>
      tpu.enqueue_dma source(%dma_start3A_370 : memref<12800xi32, #tpu.memory_space<hbm>>) target(%arg12 : memref<12800xi32, #tpu.memory_space<vmem>>) target_semaphore(%run_scoped3A_368 : memref<!tpu.dma_semaphore, #tpu.memory_space<semaphore_mem>>)
      %dma_wait3A_371 = tpu.memref_slice %arg4[%mul3A_10] : memref<204800xi32, #tpu.memory_space<hbm>> -> memref<12800xi32, #tpu.memory_space<hbm>>
      %dma_wait3A_372 = tpu.memref_slice %arg4[%mul3A_10] : memref<204800xi32, #tpu.memory_space<hbm>> -> memref<12800xi32, #tpu.memory_space<hbm>>
      tpu.wait_dma2 semaphore(%run_scoped3A_368 : memref<!tpu.dma_semaphore, #tpu.memory_space<semaphore_mem>>) src(%dma_wait3A_372 : memref<12800xi32, #tpu.memory_space<hbm>>) dst(%arg12 : memref<12800xi32, #tpu.memory_space<vmem>>)
      tpu.yield
    }) : () -> ()
    %scan3A_11 = arith.constant 0 : i32
    %scan3A_12 = arith.constant 800 : i32
    %scan3A_13 = arith.addi %scan3A_11, %scan3A_12 : i32
    %scan3A_14 = arith.constant 1 : i32
    scf.for %scan3A_368 = %scan3A_11 to %scan3A_13 step %scan3A_14  : i32 {
      %mul3A_369 = arith.constant 16 : i32
      %mul3A_370 = arith.muli %scan3A_368, %mul3A_369 : i32
      %get3A = arith.index_cast %mul3A_370 : i32 to index
      %get3A_371 = tpu.vector_load %arg10[%get3A] {strides = array<i32>} : memref<12800xi32, #tpu.memory_space<vmem>>, vector<16xi32>,
      %mul3A_372 = arith.constant 360 : i32
      %mul3A_373 = vector.broadcast %mul3A_372 : i32 to vector<16xi32>
      %mul3A_374 = arith.muli %get3A_371, %mul3A_373 : vector<16xi32>
      %get3A_375 = arith.index_cast %mul3A_370 : i32 to index
      %get3A_376 = tpu.vector_load %arg11[%get3A_375] {strides = array<i32>} : memref<12800xi32, #tpu.memory_space<vmem>>, vector<16xi32>,
      %add3A_377 = arith.addi %mul3A_374, %get3A_376 : vector<16xi32>
      %lt3A = arith.constant 172800 : i32
      %lt3A_378 = vector.broadcast %lt3A : i32 to vector<16xi32>
      %lt3A_379 = arith.cmpi slt, %add3A_377, %lt3A_378 : vector<16xi32>
      %jit3A = arith.constant 172808 : i32
      %broadcast_in_dim3A = vector.broadcast %jit3A : i32 to vector<16xi32>
      %select_n3A = arith.select %lt3A_379, %add3A_377, %broadcast_in_dim3A : vector<16xi1>, vector<16xi32>
      %swap3A = arith.index_cast %mul3A_370 : i32 to index
      %swap3A_380 = tpu.vector_load %arg13[%swap3A] {strides = array<i32>} : memref<12800xi32, #tpu.memory_space<vmem>>, vector<16xi32>,
      tpu.vector_store %arg13[%swap3A], %select_n3A {strides = array<i32>} : memref<12800xi32, #tpu.memory_space<vmem>>, vector<16xi32>,
      %get3A_381 = arith.index_cast %mul3A_370 : i32 to index
      %get3A_382 = tpu.vector_load %arg12[%get3A_381] {strides = array<i32>} : memref<12800xi32, #tpu.memory_space<vmem>>, vector<16xi32>,
      %shift_left3A = arith.constant 1 : i32
      %shift_left3A_383 = vector.broadcast %shift_left3A : i32 to vector<16xi32>
      %shift_left3A_384 = arith.shli %shift_left3A_383, %get3A_382 : vector<16xi32>
      %jit3A_385 = arith.constant 0 : i32
      %broadcast_in_dim3A_386 = vector.broadcast %jit3A_385 : i32 to vector<16xi32>
      %select_n3A_387 = arith.select %lt3A_379, %shift_left3A_384, %broadcast_in_dim3A_386 : vector<16xi1>, vector<16xi32>
      %swap3A_388 = arith.index_cast %mul3A_370 : i32 to index
      %swap3A_389 = tpu.vector_load %arg14[%swap3A_388] {strides = array<i32>} : memref<12800xi32, #tpu.memory_space<vmem>>, vector<16xi32>,
      tpu.vector_store %arg14[%swap3A_388], %select_n3A_387 {strides = array<i32>} : memref<12800xi32, #tpu.memory_space<vmem>>, vector<16xi32>,
    }
    %scan3A_15 = arith.constant 800 : i32
    "tpu.region"() ({
      %run_scoped3A_368 = tpu.sem_alloc : memref<!tpu.dma_semaphore, #tpu.memory_space<semaphore_mem>>
      %dma_start3A_369 = arith.constant 0 : i32
      %dma_start3A_370 = tpu.memref_slice %arg9[%dma_start3A_369] : memref<173056xi32, #tpu.memory_space<vmem_shared>> -> memref<173056xi32, #tpu.memory_space<vmem_shared>>
      tpu.enqueue_indirect_dma source(%arg14 : memref<12800xi32, #tpu.memory_space<vmem>>) target(%dma_start3A_370 : memref<173056xi32, #tpu.memory_space<vmem_shared>>) offsets(%arg13 : memref<12800xi32, #tpu.memory_space<vmem>>) semaphore(%run_scoped3A_368 : memref<!tpu.dma_semaphore, #tpu.memory_space<semaphore_mem>>) {add = true}
      %dma_wait3A_371 = arith.constant 0 : i32
      %dma_wait3A_372 = tpu.memref_slice %arg9[%dma_wait3A_371] : memref<173056xi32, #tpu.memory_space<vmem_shared>> -> memref<173056xi32, #tpu.memory_space<vmem_shared>>
      tpu.wait_indirect_dma semaphore(%run_scoped3A_368 : memref<!tpu.dma_semaphore, #tpu.memory_space<semaphore_mem>>) src(%arg14 : memref<12800xi32, #tpu.memory_space<vmem>>) dst(%dma_wait3A_372 : memref<173056xi32, #tpu.memory_space<vmem_shared>>)
      tpu.yield
    }) : () -> ()
    %barrier3A_16 = arith.constant 0 : index
    tpu.barrier barrier_id(%barrier3A_16)
    "tpu.region"() ({
      %run_scoped3A_368 = tpu.sem_alloc : memref<!tpu.dma_semaphore, #tpu.memory_space<semaphore_mem>>
      %dma_start3A_369 = arith.constant 0 : i32
      %dma_start3A_370 = tpu.memref_slice %arg10[%dma_start3A_369] : memref<12800xi32, #tpu.memory_space<vmem>> -> memref<6400xi32, #tpu.memory_space<vmem>>
      %dma_start3A_371 = tpu.memref_slice %arg2[%mul3A_2] : memref<204800xi32, #tpu.memory_space<hbm>> -> memref<6400xi32, #tpu.memory_space<hbm>>
      %dma_start3A_372 = arith.constant 0 : i32
      %dma_start3A_373 = tpu.memref_slice %arg10[%dma_start3A_372] : memref<12800xi32, #tpu.memory_space<vmem>> -> memref<6400xi32, #tpu.memory_space<vmem>>
      %dma_start3A_374 = tpu.memref_slice %arg2[%mul3A_2] : memref<204800xi32, #tpu.memory_space<hbm>> -> memref<6400xi32, #tpu.memory_space<hbm>>
      tpu.enqueue_dma source(%dma_start3A_374 : memref<6400xi32, #tpu.memory_space<hbm>>) target(%dma_start3A_373 : memref<6400xi32, #tpu.memory_space<vmem>>) target_semaphore(%run_scoped3A_368 : memref<!tpu.dma_semaphore, #tpu.memory_space<semaphore_mem>>)
      %dma_wait3A_375 = arith.constant 0 : i32
      %dma_wait3A_376 = tpu.memref_slice %arg10[%dma_wait3A_375] : memref<12800xi32, #tpu.memory_space<vmem>> -> memref<6400xi32, #tpu.memory_space<vmem>>
      %dma_wait3A_377 = tpu.memref_slice %arg2[%mul3A_2] : memref<204800xi32, #tpu.memory_space<hbm>> -> memref<6400xi32, #tpu.memory_space<hbm>>
      %dma_wait3A_378 = arith.constant 0 : i32
      %dma_wait3A_379 = tpu.memref_slice %arg10[%dma_wait3A_378] : memref<12800xi32, #tpu.memory_space<vmem>> -> memref<6400xi32, #tpu.memory_space<vmem>>
      %dma_wait3A_380 = tpu.memref_slice %arg2[%mul3A_2] : memref<204800xi32, #tpu.memory_space<hbm>> -> memref<6400xi32, #tpu.memory_space<hbm>>
      tpu.wait_dma2 semaphore(%run_scoped3A_368 : memref<!tpu.dma_semaphore, #tpu.memory_space<semaphore_mem>>) src(%dma_wait3A_380 : memref<6400xi32, #tpu.memory_space<hbm>>) dst(%dma_wait3A_379 : memref<6400xi32, #tpu.memory_space<vmem>>)
      tpu.yield
    }) : () -> ()
    "tpu.region"() ({
      %run_scoped3A_368 = tpu.sem_alloc : memref<!tpu.dma_semaphore, #tpu.memory_space<semaphore_mem>>
      %dma_start3A_369 = arith.constant 0 : i32
      %dma_start3A_370 = tpu.memref_slice %arg11[%dma_start3A_369] : memref<12800xi32, #tpu.memory_space<vmem>> -> memref<6400xi32, #tpu.memory_space<vmem>>
      %dma_start3A_371 = tpu.memref_slice %arg3[%mul3A_2] : memref<204800xi32, #tpu.memory_space<hbm>> -> memref<6400xi32, #tpu.memory_space<hbm>>
      %dma_start3A_372 = arith.constant 0 : i32
      %dma_start3A_373 = tpu.memref_slice %arg11[%dma_start3A_372] : memref<12800xi32, #tpu.memory_space<vmem>> -> memref<6400xi32, #tpu.memory_space<vmem>>
      %dma_start3A_374 = tpu.memref_slice %arg3[%mul3A_2] : memref<204800xi32, #tpu.memory_space<hbm>> -> memref<6400xi32, #tpu.memory_space<hbm>>
      tpu.enqueue_dma source(%dma_start3A_374 : memref<6400xi32, #tpu.memory_space<hbm>>) target(%dma_start3A_373 : memref<6400xi32, #tpu.memory_space<vmem>>) target_semaphore(%run_scoped3A_368 : memref<!tpu.dma_semaphore, #tpu.memory_space<semaphore_mem>>)
      %dma_wait3A_375 = arith.constant 0 : i32
      %dma_wait3A_376 = tpu.memref_slice %arg11[%dma_wait3A_375] : memref<12800xi32, #tpu.memory_space<vmem>> -> memref<6400xi32, #tpu.memory_space<vmem>>
      %dma_wait3A_377 = tpu.memref_slice %arg3[%mul3A_2] : memref<204800xi32, #tpu.memory_space<hbm>> -> memref<6400xi32, #tpu.memory_space<hbm>>
      %dma_wait3A_378 = arith.constant 0 : i32
      %dma_wait3A_379 = tpu.memref_slice %arg11[%dma_wait3A_378] : memref<12800xi32, #tpu.memory_space<vmem>> -> memref<6400xi32, #tpu.memory_space<vmem>>
      %dma_wait3A_380 = tpu.memref_slice %arg3[%mul3A_2] : memref<204800xi32, #tpu.memory_space<hbm>> -> memref<6400xi32, #tpu.memory_space<hbm>>
      tpu.wait_dma2 semaphore(%run_scoped3A_368 : memref<!tpu.dma_semaphore, #tpu.memory_space<semaphore_mem>>) src(%dma_wait3A_380 : memref<6400xi32, #tpu.memory_space<hbm>>) dst(%dma_wait3A_379 : memref<6400xi32, #tpu.memory_space<vmem>>)
      tpu.yield
    }) : () -> ()
    "tpu.region"() ({
      %run_scoped3A_368 = tpu.sem_alloc : memref<!tpu.dma_semaphore, #tpu.memory_space<semaphore_mem>>
      %dma_start3A_369 = arith.constant 0 : i32
      %dma_start3A_370 = tpu.memref_slice %arg12[%dma_start3A_369] : memref<12800xi32, #tpu.memory_space<vmem>> -> memref<6400xi32, #tpu.memory_space<vmem>>
      %dma_start3A_371 = tpu.memref_slice %arg4[%mul3A_2] : memref<204800xi32, #tpu.memory_space<hbm>> -> memref<6400xi32, #tpu.memory_space<hbm>>
      %dma_start3A_372 = arith.constant 0 : i32
      %dma_start3A_373 = tpu.memref_slice %arg12[%dma_start3A_372] : memref<12800xi32, #tpu.memory_space<vmem>> -> memref<6400xi32, #tpu.memory_space<vmem>>
      %dma_start3A_374 = tpu.memref_slice %arg4[%mul3A_2] : memref<204800xi32, #tpu.memory_space<hbm>> -> memref<6400xi32, #tpu.memory_space<hbm>>
      tpu.enqueue_dma source(%dma_start3A_374 : memref<6400xi32, #tpu.memory_space<hbm>>) target(%dma_start3A_373 : memref<6400xi32, #tpu.memory_space<vmem>>) target_semaphore(%run_scoped3A_368 : memref<!tpu.dma_semaphore, #tpu.memory_space<semaphore_mem>>)
      %dma_wait3A_375 = arith.constant 0 : i32
      %dma_wait3A_376 = tpu.memref_slice %arg12[%dma_wait3A_375] : memref<12800xi32, #tpu.memory_space<vmem>> -> memref<6400xi32, #tpu.memory_space<vmem>>
      %dma_wait3A_377 = tpu.memref_slice %arg4[%mul3A_2] : memref<204800xi32, #tpu.memory_space<hbm>> -> memref<6400xi32, #tpu.memory_space<hbm>>
      %dma_wait3A_378 = arith.constant 0 : i32
      %dma_wait3A_379 = tpu.memref_slice %arg12[%dma_wait3A_378] : memref<12800xi32, #tpu.memory_space<vmem>> -> memref<6400xi32, #tpu.memory_space<vmem>>
      %dma_wait3A_380 = tpu.memref_slice %arg4[%mul3A_2] : memref<204800xi32, #tpu.memory_space<hbm>> -> memref<6400xi32, #tpu.memory_space<hbm>>
      tpu.wait_dma2 semaphore(%run_scoped3A_368 : memref<!tpu.dma_semaphore, #tpu.memory_space<semaphore_mem>>) src(%dma_wait3A_380 : memref<6400xi32, #tpu.memory_space<hbm>>) dst(%dma_wait3A_379 : memref<6400xi32, #tpu.memory_space<vmem>>)
      tpu.yield
    }) : () -> ()
    %scan3A_17 = arith.constant 0 : i32
    %scan3A_18 = arith.constant 400 : i32
    %scan3A_19 = arith.addi %scan3A_17, %scan3A_18 : i32
    %scan3A_20 = arith.constant 1 : i32
    scf.for %scan3A_368 = %scan3A_17 to %scan3A_19 step %scan3A_20  : i32 {
      %mul3A_369 = arith.constant 16 : i32
      %mul3A_370 = arith.muli %scan3A_368, %mul3A_369 : i32
      %get3A = arith.index_cast %mul3A_370 : i32 to index
      %get3A_371 = tpu.vector_load %arg10[%get3A] {strides = array<i32>} : memref<12800xi32, #tpu.memory_space<vmem>>, vector<16xi32>,
      %mul3A_372 = arith.constant 360 : i32
      %mul3A_373 = vector.broadcast %mul3A_372 : i32 to vector<16xi32>
      %mul3A_374 = arith.muli %get3A_371, %mul3A_373 : vector<16xi32>
      %get3A_375 = arith.index_cast %mul3A_370 : i32 to index
      %get3A_376 = tpu.vector_load %arg11[%get3A_375] {strides = array<i32>} : memref<12800xi32, #tpu.memory_space<vmem>>, vector<16xi32>,
      %add3A_377 = arith.addi %mul3A_374, %get3A_376 : vector<16xi32>
      %add3A_378 = arith.constant -360 : i32
      %add3A_379 = vector.broadcast %add3A_378 : i32 to vector<16xi32>
      %add3A_380 = arith.addi %add3A_377, %add3A_379 : vector<16xi32>
      %jit3A = arith.constant 0 : i32
      %jit3A_381 = arith.constant 172799 : i32
      %max3A = vector.broadcast %jit3A : i32 to vector<16xi32>
      %max3A_382 = arith.maxsi %max3A, %add3A_380 : vector<16xi32>
      %min3A = vector.broadcast %jit3A_381 : i32 to vector<16xi32>
      %min3A_383 = arith.minsi %min3A, %max3A_382 : vector<16xi32>
      %swap3A = arith.index_cast %mul3A_370 : i32 to index
      %swap3A_384 = tpu.vector_load %arg13[%swap3A] {strides = array<i32>} : memref<12800xi32, #tpu.memory_space<vmem>>, vector<16xi32>,
      tpu.vector_store %arg13[%swap3A], %min3A_383 {strides = array<i32>} : memref<12800xi32, #tpu.memory_space<vmem>>, vector<16xi32>,
    }
    %scan3A_21 = arith.constant 400 : i32
    %dma_start3A = arith.constant 0 : i32
    %dma_start3A_22 = tpu.memref_slice %arg14[%dma_start3A] : memref<12800xi32, #tpu.memory_space<vmem>> -> memref<6400xi32, #tpu.memory_space<vmem>>
    %dma_start3A_23 = arith.constant 0 : i32
    %dma_start3A_24 = tpu.memref_slice %arg13[%dma_start3A_23] : memref<12800xi32, #tpu.memory_space<vmem>> -> memref<6400xi32, #tpu.memory_space<vmem>>
    %dma_start3A_25 = arith.constant 0 : i32
    %dma_start3A_26 = tpu.memref_slice %arg9[%dma_start3A_25] : memref<173056xi32, #tpu.memory_space<vmem_shared>> -> memref<173056xi32, #tpu.memory_space<vmem_shared>>
    tpu.enqueue_indirect_dma source(%dma_start3A_26 : memref<173056xi32, #tpu.memory_space<vmem_shared>>) target(%dma_start3A_22 : memref<6400xi32, #tpu.memory_space<vmem>>) offsets(%dma_start3A_24 : memref<6400xi32, #tpu.memory_space<vmem>>) semaphore(%arg20 : memref<!tpu.dma_semaphore, #tpu.memory_space<semaphore_mem>>)
    %dma_wait3A = arith.constant 0 : i32
    %dma_wait3A_27 = tpu.memref_slice %arg14[%dma_wait3A] : memref<12800xi32, #tpu.memory_space<vmem>> -> memref<6400xi32, #tpu.memory_space<vmem>>
    %dma_wait3A_28 = arith.constant 0 : i32
    %dma_wait3A_29 = tpu.memref_slice %arg13[%dma_wait3A_28] : memref<12800xi32, #tpu.memory_space<vmem>> -> memref<6400xi32, #tpu.memory_space<vmem>>
    %dma_wait3A_30 = arith.constant 0 : i32
    %dma_wait3A_31 = tpu.memref_slice %arg9[%dma_wait3A_30] : memref<173056xi32, #tpu.memory_space<vmem_shared>> -> memref<173056xi32, #tpu.memory_space<vmem_shared>>
    tpu.wait_indirect_dma semaphore(%arg20 : memref<!tpu.dma_semaphore, #tpu.memory_space<semaphore_mem>>) src(%dma_wait3A_31 : memref<173056xi32, #tpu.memory_space<vmem_shared>>) dst(%dma_wait3A_27 : memref<6400xi32, #tpu.memory_space<vmem>>)
    %scan3A_32 = arith.constant 0 : i32
    %scan3A_33 = arith.constant 33 : i32
    %scan3A_34 = arith.addi %scan3A_32, %scan3A_33 : i32
    %scan3A_35 = arith.constant 1 : i32
    scf.for %scan3A_368 = %scan3A_32 to %scan3A_34 step %scan3A_35  : i32 {
      %mul3A_369 = arith.constant 16 : i32
      %mul3A_370 = arith.muli %scan3A_368, %mul3A_369 : i32
      %mul3A_371 = arith.constant 16 : i32
      %mul3A_372 = arith.muli %scan3A_368, %mul3A_371 : i32
      %add3A_373 = arith.constant 6400 : i32
      %add3A_374 = arith.addi %add3A_373, %mul3A_372 : i32
      %add3A_375 = vector.broadcast %add3A_374 : i32 to vector<16xi32>
      %add3A_376 = arith.addi %add3A_375, %iota3A : vector<16xi32>
      %swap3A = arith.index_cast %mul3A_370 : i32 to index
      %swap3A_377 = tpu.vector_load %arg16[%swap3A] {strides = array<i32>} : memref<528xi32, #tpu.memory_space<vmem>>, vector<16xi32>,
      tpu.vector_store %arg16[%swap3A], %add3A_376 {strides = array<i32>} : memref<528xi32, #tpu.memory_space<vmem>>, vector<16xi32>,
      %broadcast_in_dim3A = arith.constant 0 : i32
      %broadcast_in_dim3A_378 = vector.broadcast %broadcast_in_dim3A : i32 to vector<16xi32>
      %swap3A_379 = arith.index_cast %mul3A_370 : i32 to index
      %swap3A_380 = tpu.vector_load %arg17[%swap3A_379] {strides = array<i32>} : memref<528xi32, #tpu.memory_space<vmem>>, vector<16xi32>,
      tpu.vector_store %arg17[%swap3A_379], %broadcast_in_dim3A_378 {strides = array<i32>} : memref<528xi32, #tpu.memory_space<vmem>>, vector<16xi32>,
    }
    %scan3A_36 = arith.constant 33 : i32
    %scan3A_37 = arith.constant 0 : i32
    %scan3A_38 = arith.constant 0 : i32
    %scan3A_39 = arith.constant 400 : i32
    %scan3A_40 = arith.addi %scan3A_38, %scan3A_39 : i32
    %scan3A_41 = arith.constant 1 : i32
    %scan3A_42 = scf.for %scan3A_368 = %scan3A_38 to %scan3A_40 step %scan3A_41 iter_args(%scan3A_369 = %scan3A_37) -> (i32)  : i32 {
      %mul3A_370 = arith.constant 16 : i32
      %mul3A_371 = arith.muli %scan3A_368, %mul3A_370 : i32
      %get3A = arith.index_cast %mul3A_371 : i32 to index
      %get3A_372 = tpu.vector_load %arg10[%get3A] {strides = array<i32>} : memref<12800xi32, #tpu.memory_space<vmem>>, vector<16xi32>,
      %add3A_373 = arith.constant -1 : i32
      %add3A_374 = vector.broadcast %add3A_373 : i32 to vector<16xi32>
      %add3A_375 = arith.addi %get3A_372, %add3A_374 : vector<16xi32>
      %ge3A = arith.constant 0 : i32
      %ge3A_376 = vector.broadcast %ge3A : i32 to vector<16xi32>
      %ge3A_377 = arith.cmpi sge, %add3A_375, %ge3A_376 : vector<16xi32>
      %lt3A = arith.constant 480 : i32
      %lt3A_378 = vector.broadcast %lt3A : i32 to vector<16xi32>
      %lt3A_379 = arith.cmpi slt, %add3A_375, %lt3A_378 : vector<16xi32>
      %and3A = arith.andi %ge3A_377, %lt3A_379 : vector<16xi1>
      %add3A_380 = arith.addi %mul3A_2, %mul3A_371 : i32
      %add3A_381 = vector.broadcast %add3A_380 : i32 to vector<16xi32>
      %add3A_382 = arith.addi %add3A_381, %iota3A : vector<16xi32>
      %lt3A_383 = arith.constant 200000 : i32
      %lt3A_384 = vector.broadcast %lt3A_383 : i32 to vector<16xi32>
      %lt3A_385 = arith.cmpi slt, %add3A_382, %lt3A_384 : vector<16xi32>
      %get3A_386 = arith.index_cast %mul3A_371 : i32 to index
      %get3A_387 = tpu.vector_load %arg12[%get3A_386] {strides = array<i32>} : memref<12800xi32, #tpu.memory_space<vmem>>, vector<16xi32>,
      %add3A_388 = arith.constant 0 : i32
      %add3A_389 = vector.broadcast %add3A_388 : i32 to vector<16xi32>
      %add3A_390 = arith.addi %get3A_387, %add3A_389 : vector<16xi32>
      %jit3A = arith.constant 0 : i32
      %jit3A_391 = arith.constant 31 : i32
      %max3A = vector.broadcast %jit3A : i32 to vector<16xi32>
      %max3A_392 = arith.maxsi %max3A, %add3A_390 : vector<16xi32>
      %min3A = vector.broadcast %jit3A_391 : i32 to vector<16xi32>
      %min3A_393 = arith.minsi %min3A, %max3A_392 : vector<16xi32>
      %get3A_394 = arith.index_cast %mul3A_371 : i32 to index
      %get3A_395 = tpu.vector_load %arg14[%get3A_394] {strides = array<i32>} : memref<12800xi32, #tpu.memory_space<vmem>>, vector<16xi32>,
      %shift_right_arithmetic3A = arith.shrsi %get3A_395, %min3A_393 : vector<16xi32>
      %and3A_396 = arith.constant 1 : i32
      %and3A_397 = vector.broadcast %and3A_396 : i32 to vector<16xi32>
      %and3A_398 = arith.andi %shift_right_arithmetic3A, %and3A_397 : vector<16xi32>
      %eq3A = arith.constant 1 : i32
      %eq3A_399 = vector.broadcast %eq3A : i32 to vector<16xi32>
      %eq3A_400 = arith.cmpi eq, %and3A_398, %eq3A_399 : vector<16xi32>
      %and3A_401 = arith.andi %eq3A_400, %and3A : vector<16xi1>
      %and3A_402 = arith.andi %and3A_401, %lt3A_385 : vector<16xi1>
      %convert_element_type3A = arith.extui %and3A_402 : vector<16xi1> to vector<16xi32>
      %convert_element_type3A_403 = arith.sitofp %convert_element_type3A : vector<16xi32> to vector<16xf32>
      %swap3A = arith.index_cast %mul3A_371 : i32 to index
      %swap3A_404 = tpu.vector_load %arg15[%swap3A] {strides = array<i32>} : memref<6400xf32, #tpu.memory_space<vmem>>, vector<16xf32>,
      tpu.vector_store %arg15[%swap3A], %convert_element_type3A_403 {strides = array<i32>} : memref<6400xf32, #tpu.memory_space<vmem>>, vector<16xf32>,
      %get3A_405 = arith.index_cast %mul3A_371 : i32 to index
      %get3A_406 = tpu.vector_load %arg10[%get3A_405] {strides = array<i32>} : memref<12800xi32, #tpu.memory_space<vmem>>, vector<16xi32>,
      %mul3A_407 = arith.constant 360 : i32
      %mul3A_408 = vector.broadcast %mul3A_407 : i32 to vector<16xi32>
      %mul3A_409 = arith.muli %get3A_406, %mul3A_408 : vector<16xi32>
      %get3A_410 = arith.index_cast %mul3A_371 : i32 to index
      %get3A_411 = tpu.vector_load %arg11[%get3A_410] {strides = array<i32>} : memref<12800xi32, #tpu.memory_space<vmem>>, vector<16xi32>,
      %add3A_412 = arith.addi %mul3A_409, %get3A_411 : vector<16xi32>
      %add3A_413 = arith.constant -360 : i32
      %add3A_414 = vector.broadcast %add3A_413 : i32 to vector<16xi32>
      %add3A_415 = arith.addi %add3A_412, %add3A_414 : vector<16xi32>
      %mul3A_416 = arith.constant 32 : i32
      %mul3A_417 = vector.broadcast %mul3A_416 : i32 to vector<16xi32>
      %mul3A_418 = arith.muli %add3A_415, %mul3A_417 : vector<16xi32>
      %add3A_419 = arith.addi %mul3A_418, %min3A_393 : vector<16xi32>
      %add3A_420 = vector.broadcast %mul3A_371 : i32 to vector<16xi32>
      %add3A_421 = arith.addi %add3A_420, %iota3A : vector<16xi32>
      %swap3A_422 = arith.index_cast %scan3A_369 : i32 to index
      %swap3A_423 = tpu.vector_load %arg16[%swap3A_422] masked %and3A_402 {strides = array<i32>} : memref<528xi32, #tpu.memory_space<vmem>>, vector<16xi32>, vector<16xi1>
      tpu.vector_store %arg16[%swap3A_422], %add3A_421 masked %and3A_402 {strides = array<i32>} : memref<528xi32, #tpu.memory_space<vmem>>, vector<16xi32>, vector<16xi1>
      %swap3A_424 = arith.index_cast %scan3A_369 : i32 to index
      %swap3A_425 = tpu.vector_load %arg17[%swap3A_424] masked %and3A_402 {strides = array<i32>} : memref<528xi32, #tpu.memory_space<vmem>>, vector<16xi32>, vector<16xi1>
      tpu.vector_store %arg17[%swap3A_424], %add3A_419 masked %and3A_402 {strides = array<i32>} : memref<528xi32, #tpu.memory_space<vmem>>, vector<16xi32>, vector<16xi1>
      %all_reduce_population_count3A = tpu.all_reduce %and3A_402 {dim = 0 : i64, kind = #tpu.reduction_kind<sum>} : vector<16xi1> -> vector<16xi32>
      %reduce_max3A = arith.constant true
      %reduce_max3A_426 = vector.broadcast %reduce_max3A : i1 to vector<16xi1>
      %reduce_max3A_427 = arith.constant -2147483648 : i32
      %reduce_max3A_428 = vector.broadcast %reduce_max3A_427 : i32 to vector<16xi32>
      %reduce_max3A_429 = arith.xori %all_reduce_population_count3A, %reduce_max3A_428 : vector<16xi32>
      %reduce_max3A_430 = tpu.scan <max>, %reduce_max3A_429 masked %reduce_max3A_426 : vector<16xi32>, vector<16xi1> -> vector<16xi32>
      %reduce_max3A_431 = arith.xori %reduce_max3A_430, %reduce_max3A_428 : vector<16xi32>
      %reduce_max3A_432 = vector.extract %reduce_max3A_431[15] : i32 from vector<16xi32>
      %add3A_433 = arith.addi %scan3A_369, %reduce_max3A_432 : i32
      scf.yield %add3A_433 : i32
    }
    %scan3A_43 = arith.constant 400 : i32
    %run_scoped3A = arith.constant 0 : i32
    "tpu.region"() ({
      %run_scoped3A_368 = tpu.sem_alloc : memref<!tpu.dma_semaphore, #tpu.memory_space<semaphore_mem>>
      %dma_start3A_369 = tpu.memref_slice %arg8[%run_scoped3A, %mul3A_2] : memref<6x204800xf32, #tpu.memory_space<hbm>> -> memref<1x6400xf32, #tpu.memory_space<hbm>>
      %dma_start3A_370 = tpu.memref_squeeze %dma_start3A_369 : memref<1x6400xf32, #tpu.memory_space<hbm>> -> memref<6400xf32, #tpu.memory_space<hbm>>
      %dma_start3A_371 = tpu.memref_slice %arg8[%run_scoped3A, %mul3A_2] : memref<6x204800xf32, #tpu.memory_space<hbm>> -> memref<1x6400xf32, #tpu.memory_space<hbm>>
      %dma_start3A_372 = tpu.memref_squeeze %dma_start3A_371 : memref<1x6400xf32, #tpu.memory_space<hbm>> -> memref<6400xf32, #tpu.memory_space<hbm>>
      tpu.enqueue_dma source(%arg15 : memref<6400xf32, #tpu.memory_space<vmem>>) target(%dma_start3A_372 : memref<6400xf32, #tpu.memory_space<hbm>>) target_semaphore(%run_scoped3A_368 : memref<!tpu.dma_semaphore, #tpu.memory_space<semaphore_mem>>)
      %dma_wait3A_373 = tpu.memref_slice %arg8[%run_scoped3A, %mul3A_2] : memref<6x204800xf32, #tpu.memory_space<hbm>> -> memref<1x6400xf32, #tpu.memory_space<hbm>>
      %dma_wait3A_374 = tpu.memref_squeeze %dma_wait3A_373 : memref<1x6400xf32, #tpu.memory_space<hbm>> -> memref<6400xf32, #tpu.memory_space<hbm>>
      %dma_wait3A_375 = tpu.memref_slice %arg8[%run_scoped3A, %mul3A_2] : memref<6x204800xf32, #tpu.memory_space<hbm>> -> memref<1x6400xf32, #tpu.memory_space<hbm>>
      %dma_wait3A_376 = tpu.memref_squeeze %dma_wait3A_375 : memref<1x6400xf32, #tpu.memory_space<hbm>> -> memref<6400xf32, #tpu.memory_space<hbm>>
      tpu.wait_dma2 semaphore(%run_scoped3A_368 : memref<!tpu.dma_semaphore, #tpu.memory_space<semaphore_mem>>) src(%arg15 : memref<6400xf32, #tpu.memory_space<vmem>>) dst(%dma_wait3A_376 : memref<6400xf32, #tpu.memory_space<hbm>>)
      tpu.yield
    }) : () -> ()
    %dma_start3A_44 = arith.constant 0 : i32
    %dma_start3A_45 = tpu.memref_slice %arg17[%dma_start3A_44] : memref<528xi32, #tpu.memory_space<vmem>> -> memref<512xi32, #tpu.memory_space<vmem>>
    %dma_start3A_46 = arith.constant 0 : i32
    %dma_start3A_47 = tpu.memref_slice %arg5[%dma_start3A_46] : memref<5529632xi32, #tpu.memory_space<hbm>> -> memref<5529632xi32, #tpu.memory_space<hbm>>
    tpu.enqueue_indirect_dma source(%dma_start3A_47 : memref<5529632xi32, #tpu.memory_space<hbm>>) target(%arg18 : memref<512xi32, #tpu.memory_space<vmem>>) offsets(%dma_start3A_45 : memref<512xi32, #tpu.memory_space<vmem>>) semaphore(%arg20 : memref<!tpu.dma_semaphore, #tpu.memory_space<semaphore_mem>>)
    %dma_wait3A_48 = arith.constant 0 : i32
    %dma_wait3A_49 = tpu.memref_slice %arg17[%dma_wait3A_48] : memref<528xi32, #tpu.memory_space<vmem>> -> memref<512xi32, #tpu.memory_space<vmem>>
    %dma_wait3A_50 = arith.constant 0 : i32
    %dma_wait3A_51 = tpu.memref_slice %arg5[%dma_wait3A_50] : memref<5529632xi32, #tpu.memory_space<hbm>> -> memref<5529632xi32, #tpu.memory_space<hbm>>
    tpu.wait_indirect_dma semaphore(%arg20 : memref<!tpu.dma_semaphore, #tpu.memory_space<semaphore_mem>>) src(%dma_wait3A_51 : memref<5529632xi32, #tpu.memory_space<hbm>>) dst(%arg18 : memref<512xi32, #tpu.memory_space<vmem>>)
    %scan3A_52 = arith.constant 0 : i32
    %scan3A_53 = arith.constant 32 : i32
    %scan3A_54 = arith.addi %scan3A_52, %scan3A_53 : i32
    %scan3A_55 = arith.constant 1 : i32
    scf.for %scan3A_368 = %scan3A_52 to %scan3A_54 step %scan3A_55  : i32 {
      %mul3A_369 = arith.constant 16 : i32
      %mul3A_370 = arith.muli %scan3A_368, %mul3A_369 : i32
      %get3A = arith.index_cast %mul3A_370 : i32 to index
      %get3A_371 = tpu.vector_load %arg18[%get3A] {strides = array<i32>} : memref<512xi32, #tpu.memory_space<vmem>>, vector<16xi32>,
      %jit3A = arith.constant 0 : i32
      %jit3A_372 = arith.constant 199999 : i32
      %max3A = vector.broadcast %jit3A : i32 to vector<16xi32>
      %max3A_373 = arith.maxsi %max3A, %get3A_371 : vector<16xi32>
      %min3A = vector.broadcast %jit3A_372 : i32 to vector<16xi32>
      %min3A_374 = arith.minsi %min3A, %max3A_373 : vector<16xi32>
      %swap3A = arith.index_cast %mul3A_370 : i32 to index
      %swap3A_375 = tpu.vector_load %arg17[%swap3A] {strides = array<i32>} : memref<528xi32, #tpu.memory_space<vmem>>, vector<16xi32>,
      tpu.vector_store %arg17[%swap3A], %min3A_374 {strides = array<i32>} : memref<528xi32, #tpu.memory_space<vmem>>, vector<16xi32>,
      %get3A_376 = arith.index_cast %mul3A_370 : i32 to index
      %get3A_377 = tpu.vector_load %arg16[%get3A_376] {strides = array<i32>} : memref<528xi32, #tpu.memory_space<vmem>>, vector<16xi32>,
      %lt3A = arith.constant 6400 : i32
      %lt3A_378 = vector.broadcast %lt3A : i32 to vector<16xi32>
      %lt3A_379 = arith.cmpi slt, %get3A_377, %lt3A_378 : vector<16xi32>
      %add3A_380 = arith.constant 0 : i32
      %add3A_381 = arith.addi %add3A_380, %mul3A_2 : i32
      %add3A_382 = vector.broadcast %add3A_381 : i32 to vector<16xi32>
      %add3A_383 = arith.addi %add3A_382, %get3A_377 : vector<16xi32>
      %sub3A = arith.constant 6400 : i32
      %sub3A_384 = vector.broadcast %sub3A : i32 to vector<16xi32>
      %sub3A_385 = arith.subi %get3A_377, %sub3A_384 : vector<16xi32>
      %add3A_386 = arith.constant 200000 : i32
      %add3A_387 = vector.broadcast %add3A_386 : i32 to vector<16xi32>
      %add3A_388 = arith.addi %add3A_387, %sub3A_385 : vector<16xi32>
      %select_n3A = arith.select %lt3A_379, %add3A_383, %add3A_388 : vector<16xi1>, vector<16xi32>
      %swap3A_389 = arith.index_cast %mul3A_370 : i32 to index
      %swap3A_390 = tpu.vector_load %arg18[%swap3A_389] {strides = array<i32>} : memref<512xi32, #tpu.memory_space<vmem>>, vector<16xi32>,
      tpu.vector_store %arg18[%swap3A_389], %select_n3A {strides = array<i32>} : memref<512xi32, #tpu.memory_space<vmem>>, vector<16xi32>,
    }
    %scan3A_56 = arith.constant 32 : i32
    %dma_start3A_57 = arith.constant 0 : i32
    %dma_start3A_58 = tpu.memref_slice %arg17[%dma_start3A_57] : memref<528xi32, #tpu.memory_space<vmem>> -> memref<512xi32, #tpu.memory_space<vmem>>
    %dma_start3A_59 = arith.constant 0 : i32
    %dma_start3A_60 = arith.constant 0 : i32
    %dma_start3A_61 = tpu.memref_slice %arg6[%dma_start3A_59, %dma_start3A_60] : memref<200000x32xf32, #tpu.memory_space<hbm>> -> memref<200000x32xf32, #tpu.memory_space<hbm>>
    tpu.enqueue_indirect_dma source(%dma_start3A_61 : memref<200000x32xf32, #tpu.memory_space<hbm>>) target(%arg19 : memref<512x32xf32, #tpu.memory_space<vmem>>) offsets(%dma_start3A_58 : memref<512xi32, #tpu.memory_space<vmem>>) semaphore(%arg20 : memref<!tpu.dma_semaphore, #tpu.memory_space<semaphore_mem>>)
    %dma_wait3A_62 = arith.constant 0 : i32
    %dma_wait3A_63 = tpu.memref_slice %arg17[%dma_wait3A_62] : memref<528xi32, #tpu.memory_space<vmem>> -> memref<512xi32, #tpu.memory_space<vmem>>
    %dma_wait3A_64 = arith.constant 0 : i32
    %dma_wait3A_65 = arith.constant 0 : i32
    %dma_wait3A_66 = tpu.memref_slice %arg6[%dma_wait3A_64, %dma_wait3A_65] : memref<200000x32xf32, #tpu.memory_space<hbm>> -> memref<200000x32xf32, #tpu.memory_space<hbm>>
    tpu.wait_indirect_dma semaphore(%arg20 : memref<!tpu.dma_semaphore, #tpu.memory_space<semaphore_mem>>) src(%dma_wait3A_66 : memref<200000x32xf32, #tpu.memory_space<hbm>>) dst(%arg19 : memref<512x32xf32, #tpu.memory_space<vmem>>)
    %dma_start3A_67 = arith.constant 0 : i32
    %dma_start3A_68 = arith.constant 0 : i32
    %dma_start3A_69 = tpu.memref_slice %arg7[%dma_start3A_67, %dma_start3A_68] : memref<1228800x32xf32, #tpu.memory_space<hbm>> -> memref<1228800x32xf32, #tpu.memory_space<hbm>>
    tpu.enqueue_indirect_dma source(%arg19 : memref<512x32xf32, #tpu.memory_space<vmem>>) target(%dma_start3A_69 : memref<1228800x32xf32, #tpu.memory_space<hbm>>) offsets(%arg18 : memref<512xi32, #tpu.memory_space<vmem>>) semaphore(%arg20 : memref<!tpu.dma_semaphore, #tpu.memory_space<semaphore_mem>>)
    %dma_wait3A_70 = arith.constant 0 : i32
    %dma_wait3A_71 = arith.constant 0 : i32
    %dma_wait3A_72 = tpu.memref_slice %arg7[%dma_wait3A_70, %dma_wait3A_71] : memref<1228800x32xf32, #tpu.memory_space<hbm>> -> memref<1228800x32xf32, #tpu.memory_space<hbm>>
    tpu.wait_indirect_dma semaphore(%arg20 : memref<!tpu.dma_semaphore, #tpu.memory_space<semaphore_mem>>) src(%arg19 : memref<512x32xf32, #tpu.memory_space<vmem>>) dst(%dma_wait3A_72 : memref<1228800x32xf32, #tpu.memory_space<hbm>>)
    %scan3A_73 = arith.constant 0 : i32
    %scan3A_74 = arith.constant 400 : i32
    %scan3A_75 = arith.addi %scan3A_73, %scan3A_74 : i32
    %scan3A_76 = arith.constant 1 : i32
    scf.for %scan3A_368 = %scan3A_73 to %scan3A_75 step %scan3A_76  : i32 {
      %mul3A_369 = arith.constant 16 : i32
      %mul3A_370 = arith.muli %scan3A_368, %mul3A_369 : i32
      %get3A = arith.index_cast %mul3A_370 : i32 to index
      %get3A_371 = tpu.vector_load %arg10[%get3A] {strides = array<i32>} : memref<12800xi32, #tpu.memory_space<vmem>>, vector<16xi32>,
      %mul3A_372 = arith.constant 360 : i32
      %mul3A_373 = vector.broadcast %mul3A_372 : i32 to vector<16xi32>
      %mul3A_374 = arith.muli %get3A_371, %mul3A_373 : vector<16xi32>
      %get3A_375 = arith.index_cast %mul3A_370 : i32 to index
      %get3A_376 = tpu.vector_load %arg11[%get3A_375] {strides = array<i32>} : memref<12800xi32, #tpu.memory_space<vmem>>, vector<16xi32>,
      %add3A_377 = arith.addi %mul3A_374, %get3A_376 : vector<16xi32>
      %add3A_378 = arith.constant 360 : i32
      %add3A_379 = vector.broadcast %add3A_378 : i32 to vector<16xi32>
      %add3A_380 = arith.addi %add3A_377, %add3A_379 : vector<16xi32>
      %jit3A = arith.constant 0 : i32
      %jit3A_381 = arith.constant 172799 : i32
      %max3A = vector.broadcast %jit3A : i32 to vector<16xi32>
      %max3A_382 = arith.maxsi %max3A, %add3A_380 : vector<16xi32>
      %min3A = vector.broadcast %jit3A_381 : i32 to vector<16xi32>
      %min3A_383 = arith.minsi %min3A, %max3A_382 : vector<16xi32>
      %swap3A = arith.index_cast %mul3A_370 : i32 to index
      %swap3A_384 = tpu.vector_load %arg13[%swap3A] {strides = array<i32>} : memref<12800xi32, #tpu.memory_space<vmem>>, vector<16xi32>,
      tpu.vector_store %arg13[%swap3A], %min3A_383 {strides = array<i32>} : memref<12800xi32, #tpu.memory_space<vmem>>, vector<16xi32>,
    }
    %scan3A_77 = arith.constant 400 : i32
    %dma_start3A_78 = arith.constant 0 : i32
    %dma_start3A_79 = tpu.memref_slice %arg14[%dma_start3A_78] : memref<12800xi32, #tpu.memory_space<vmem>> -> memref<6400xi32, #tpu.memory_space<vmem>>
    %dma_start3A_80 = arith.constant 0 : i32
    %dma_start3A_81 = tpu.memref_slice %arg13[%dma_start3A_80] : memref<12800xi32, #tpu.memory_space<vmem>> -> memref<6400xi32, #tpu.memory_space<vmem>>
    %dma_start3A_82 = arith.constant 0 : i32
    %dma_start3A_83 = tpu.memref_slice %arg9[%dma_start3A_82] : memref<173056xi32, #tpu.memory_space<vmem_shared>> -> memref<173056xi32, #tpu.memory_space<vmem_shared>>
    tpu.enqueue_indirect_dma source(%dma_start3A_83 : memref<173056xi32, #tpu.memory_space<vmem_shared>>) target(%dma_start3A_79 : memref<6400xi32, #tpu.memory_space<vmem>>) offsets(%dma_start3A_81 : memref<6400xi32, #tpu.memory_space<vmem>>) semaphore(%arg20 : memref<!tpu.dma_semaphore, #tpu.memory_space<semaphore_mem>>)
    %dma_wait3A_84 = arith.constant 0 : i32
    %dma_wait3A_85 = tpu.memref_slice %arg14[%dma_wait3A_84] : memref<12800xi32, #tpu.memory_space<vmem>> -> memref<6400xi32, #tpu.memory_space<vmem>>
    %dma_wait3A_86 = arith.constant 0 : i32
    %dma_wait3A_87 = tpu.memref_slice %arg13[%dma_wait3A_86] : memref<12800xi32, #tpu.memory_space<vmem>> -> memref<6400xi32, #tpu.memory_space<vmem>>
    %dma_wait3A_88 = arith.constant 0 : i32
    %dma_wait3A_89 = tpu.memref_slice %arg9[%dma_wait3A_88] : memref<173056xi32, #tpu.memory_space<vmem_shared>> -> memref<173056xi32, #tpu.memory_space<vmem_shared>>
    tpu.wait_indirect_dma semaphore(%arg20 : memref<!tpu.dma_semaphore, #tpu.memory_space<semaphore_mem>>) src(%dma_wait3A_89 : memref<173056xi32, #tpu.memory_space<vmem_shared>>) dst(%dma_wait3A_85 : memref<6400xi32, #tpu.memory_space<vmem>>)
    %scan3A_90 = arith.constant 0 : i32
    %scan3A_91 = arith.constant 33 : i32
    %scan3A_92 = arith.addi %scan3A_90, %scan3A_91 : i32
    %scan3A_93 = arith.constant 1 : i32
    scf.for %scan3A_368 = %scan3A_90 to %scan3A_92 step %scan3A_93  : i32 {
      %mul3A_369 = arith.constant 16 : i32
      %mul3A_370 = arith.muli %scan3A_368, %mul3A_369 : i32
      %mul3A_371 = arith.constant 16 : i32
      %mul3A_372 = arith.muli %scan3A_368, %mul3A_371 : i32
      %add3A_373 = arith.constant 6400 : i32
      %add3A_374 = arith.addi %add3A_373, %mul3A_372 : i32
      %add3A_375 = vector.broadcast %add3A_374 : i32 to vector<16xi32>
      %add3A_376 = arith.addi %add3A_375, %iota3A : vector<16xi32>
      %swap3A = arith.index_cast %mul3A_370 : i32 to index
      %swap3A_377 = tpu.vector_load %arg16[%swap3A] {strides = array<i32>} : memref<528xi32, #tpu.memory_space<vmem>>, vector<16xi32>,
      tpu.vector_store %arg16[%swap3A], %add3A_376 {strides = array<i32>} : memref<528xi32, #tpu.memory_space<vmem>>, vector<16xi32>,
      %broadcast_in_dim3A = arith.constant 0 : i32
      %broadcast_in_dim3A_378 = vector.broadcast %broadcast_in_dim3A : i32 to vector<16xi32>
      %swap3A_379 = arith.index_cast %mul3A_370 : i32 to index
      %swap3A_380 = tpu.vector_load %arg17[%swap3A_379] {strides = array<i32>} : memref<528xi32, #tpu.memory_space<vmem>>, vector<16xi32>,
      tpu.vector_store %arg17[%swap3A_379], %broadcast_in_dim3A_378 {strides = array<i32>} : memref<528xi32, #tpu.memory_space<vmem>>, vector<16xi32>,
    }
    %scan3A_94 = arith.constant 33 : i32
    %scan3A_95 = arith.constant 0 : i32
    %scan3A_96 = arith.constant 0 : i32
    %scan3A_97 = arith.constant 400 : i32
    %scan3A_98 = arith.addi %scan3A_96, %scan3A_97 : i32
    %scan3A_99 = arith.constant 1 : i32
    %scan3A_100 = scf.for %scan3A_368 = %scan3A_96 to %scan3A_98 step %scan3A_99 iter_args(%scan3A_369 = %scan3A_95) -> (i32)  : i32 {
      %mul3A_370 = arith.constant 16 : i32
      %mul3A_371 = arith.muli %scan3A_368, %mul3A_370 : i32
      %get3A = arith.index_cast %mul3A_371 : i32 to index
      %get3A_372 = tpu.vector_load %arg10[%get3A] {strides = array<i32>} : memref<12800xi32, #tpu.memory_space<vmem>>, vector<16xi32>,
      %add3A_373 = arith.constant 1 : i32
      %add3A_374 = vector.broadcast %add3A_373 : i32 to vector<16xi32>
      %add3A_375 = arith.addi %get3A_372, %add3A_374 : vector<16xi32>
      %ge3A = arith.constant 0 : i32
      %ge3A_376 = vector.broadcast %ge3A : i32 to vector<16xi32>
      %ge3A_377 = arith.cmpi sge, %add3A_375, %ge3A_376 : vector<16xi32>
      %lt3A = arith.constant 480 : i32
      %lt3A_378 = vector.broadcast %lt3A : i32 to vector<16xi32>
      %lt3A_379 = arith.cmpi slt, %add3A_375, %lt3A_378 : vector<16xi32>
      %and3A = arith.andi %ge3A_377, %lt3A_379 : vector<16xi1>
      %add3A_380 = arith.addi %mul3A_2, %mul3A_371 : i32
      %add3A_381 = vector.broadcast %add3A_380 : i32 to vector<16xi32>
      %add3A_382 = arith.addi %add3A_381, %iota3A : vector<16xi32>
      %lt3A_383 = arith.constant 200000 : i32
      %lt3A_384 = vector.broadcast %lt3A_383 : i32 to vector<16xi32>
      %lt3A_385 = arith.cmpi slt, %add3A_382, %lt3A_384 : vector<16xi32>
      %get3A_386 = arith.index_cast %mul3A_371 : i32 to index
      %get3A_387 = tpu.vector_load %arg12[%get3A_386] {strides = array<i32>} : memref<12800xi32, #tpu.memory_space<vmem>>, vector<16xi32>,
      %add3A_388 = arith.constant 0 : i32
      %add3A_389 = vector.broadcast %add3A_388 : i32 to vector<16xi32>
      %add3A_390 = arith.addi %get3A_387, %add3A_389 : vector<16xi32>
      %jit3A = arith.constant 0 : i32
      %jit3A_391 = arith.constant 31 : i32
      %max3A = vector.broadcast %jit3A : i32 to vector<16xi32>
      %max3A_392 = arith.maxsi %max3A, %add3A_390 : vector<16xi32>
      %min3A = vector.broadcast %jit3A_391 : i32 to vector<16xi32>
      %min3A_393 = arith.minsi %min3A, %max3A_392 : vector<16xi32>
      %get3A_394 = arith.index_cast %mul3A_371 : i32 to index
      %get3A_395 = tpu.vector_load %arg14[%get3A_394] {strides = array<i32>} : memref<12800xi32, #tpu.memory_space<vmem>>, vector<16xi32>,
      %shift_right_arithmetic3A = arith.shrsi %get3A_395, %min3A_393 : vector<16xi32>
      %and3A_396 = arith.constant 1 : i32
      %and3A_397 = vector.broadcast %and3A_396 : i32 to vector<16xi32>
      %and3A_398 = arith.andi %shift_right_arithmetic3A, %and3A_397 : vector<16xi32>
      %eq3A = arith.constant 1 : i32
      %eq3A_399 = vector.broadcast %eq3A : i32 to vector<16xi32>
      %eq3A_400 = arith.cmpi eq, %and3A_398, %eq3A_399 : vector<16xi32>
      %and3A_401 = arith.andi %eq3A_400, %and3A : vector<16xi1>
      %and3A_402 = arith.andi %and3A_401, %lt3A_385 : vector<16xi1>
      %convert_element_type3A = arith.extui %and3A_402 : vector<16xi1> to vector<16xi32>
      %convert_element_type3A_403 = arith.sitofp %convert_element_type3A : vector<16xi32> to vector<16xf32>
      %swap3A = arith.index_cast %mul3A_371 : i32 to index
      %swap3A_404 = tpu.vector_load %arg15[%swap3A] {strides = array<i32>} : memref<6400xf32, #tpu.memory_space<vmem>>, vector<16xf32>,
      tpu.vector_store %arg15[%swap3A], %convert_element_type3A_403 {strides = array<i32>} : memref<6400xf32, #tpu.memory_space<vmem>>, vector<16xf32>,
      %get3A_405 = arith.index_cast %mul3A_371 : i32 to index
      %get3A_406 = tpu.vector_load %arg10[%get3A_405] {strides = array<i32>} : memref<12800xi32, #tpu.memory_space<vmem>>, vector<16xi32>,
      %mul3A_407 = arith.constant 360 : i32
      %mul3A_408 = vector.broadcast %mul3A_407 : i32 to vector<16xi32>
      %mul3A_409 = arith.muli %get3A_406, %mul3A_408 : vector<16xi32>
      %get3A_410 = arith.index_cast %mul3A_371 : i32 to index
      %get3A_411 = tpu.vector_load %arg11[%get3A_410] {strides = array<i32>} : memref<12800xi32, #tpu.memory_space<vmem>>, vector<16xi32>,
      %add3A_412 = arith.addi %mul3A_409, %get3A_411 : vector<16xi32>
      %add3A_413 = arith.constant 360 : i32
      %add3A_414 = vector.broadcast %add3A_413 : i32 to vector<16xi32>
      %add3A_415 = arith.addi %add3A_412, %add3A_414 : vector<16xi32>
      %mul3A_416 = arith.constant 32 : i32
      %mul3A_417 = vector.broadcast %mul3A_416 : i32 to vector<16xi32>
      %mul3A_418 = arith.muli %add3A_415, %mul3A_417 : vector<16xi32>
      %add3A_419 = arith.addi %mul3A_418, %min3A_393 : vector<16xi32>
      %add3A_420 = vector.broadcast %mul3A_371 : i32 to vector<16xi32>
      %add3A_421 = arith.addi %add3A_420, %iota3A : vector<16xi32>
      %swap3A_422 = arith.index_cast %scan3A_369 : i32 to index
      %swap3A_423 = tpu.vector_load %arg16[%swap3A_422] masked %and3A_402 {strides = array<i32>} : memref<528xi32, #tpu.memory_space<vmem>>, vector<16xi32>, vector<16xi1>
      tpu.vector_store %arg16[%swap3A_422], %add3A_421 masked %and3A_402 {strides = array<i32>} : memref<528xi32, #tpu.memory_space<vmem>>, vector<16xi32>, vector<16xi1>
      %swap3A_424 = arith.index_cast %scan3A_369 : i32 to index
      %swap3A_425 = tpu.vector_load %arg17[%swap3A_424] masked %and3A_402 {strides = array<i32>} : memref<528xi32, #tpu.memory_space<vmem>>, vector<16xi32>, vector<16xi1>
      tpu.vector_store %arg17[%swap3A_424], %add3A_419 masked %and3A_402 {strides = array<i32>} : memref<528xi32, #tpu.memory_space<vmem>>, vector<16xi32>, vector<16xi1>
      %all_reduce_population_count3A = tpu.all_reduce %and3A_402 {dim = 0 : i64, kind = #tpu.reduction_kind<sum>} : vector<16xi1> -> vector<16xi32>
      %reduce_max3A = arith.constant true
      %reduce_max3A_426 = vector.broadcast %reduce_max3A : i1 to vector<16xi1>
      %reduce_max3A_427 = arith.constant -2147483648 : i32
      %reduce_max3A_428 = vector.broadcast %reduce_max3A_427 : i32 to vector<16xi32>
      %reduce_max3A_429 = arith.xori %all_reduce_population_count3A, %reduce_max3A_428 : vector<16xi32>
      %reduce_max3A_430 = tpu.scan <max>, %reduce_max3A_429 masked %reduce_max3A_426 : vector<16xi32>, vector<16xi1> -> vector<16xi32>
      %reduce_max3A_431 = arith.xori %reduce_max3A_430, %reduce_max3A_428 : vector<16xi32>
      %reduce_max3A_432 = vector.extract %reduce_max3A_431[15] : i32 from vector<16xi32>
      %add3A_433 = arith.addi %scan3A_369, %reduce_max3A_432 : i32
      scf.yield %add3A_433 : i32
    }
    %scan3A_101 = arith.constant 400 : i32
    %run_scoped3A_102 = arith.constant 1 : i32
    "tpu.region"() ({
      %run_scoped3A_368 = tpu.sem_alloc : memref<!tpu.dma_semaphore, #tpu.memory_space<semaphore_mem>>
      %dma_start3A_369 = tpu.memref_slice %arg8[%run_scoped3A_102, %mul3A_2] : memref<6x204800xf32, #tpu.memory_space<hbm>> -> memref<1x6400xf32, #tpu.memory_space<hbm>>
      %dma_start3A_370 = tpu.memref_squeeze %dma_start3A_369 : memref<1x6400xf32, #tpu.memory_space<hbm>> -> memref<6400xf32, #tpu.memory_space<hbm>>
      %dma_start3A_371 = tpu.memref_slice %arg8[%run_scoped3A_102, %mul3A_2] : memref<6x204800xf32, #tpu.memory_space<hbm>> -> memref<1x6400xf32, #tpu.memory_space<hbm>>
      %dma_start3A_372 = tpu.memref_squeeze %dma_start3A_371 : memref<1x6400xf32, #tpu.memory_space<hbm>> -> memref<6400xf32, #tpu.memory_space<hbm>>
      tpu.enqueue_dma source(%arg15 : memref<6400xf32, #tpu.memory_space<vmem>>) target(%dma_start3A_372 : memref<6400xf32, #tpu.memory_space<hbm>>) target_semaphore(%run_scoped3A_368 : memref<!tpu.dma_semaphore, #tpu.memory_space<semaphore_mem>>)
      %dma_wait3A_373 = tpu.memref_slice %arg8[%run_scoped3A_102, %mul3A_2] : memref<6x204800xf32, #tpu.memory_space<hbm>> -> memref<1x6400xf32, #tpu.memory_space<hbm>>
      %dma_wait3A_374 = tpu.memref_squeeze %dma_wait3A_373 : memref<1x6400xf32, #tpu.memory_space<hbm>> -> memref<6400xf32, #tpu.memory_space<hbm>>
      %dma_wait3A_375 = tpu.memref_slice %arg8[%run_scoped3A_102, %mul3A_2] : memref<6x204800xf32, #tpu.memory_space<hbm>> -> memref<1x6400xf32, #tpu.memory_space<hbm>>
      %dma_wait3A_376 = tpu.memref_squeeze %dma_wait3A_375 : memref<1x6400xf32, #tpu.memory_space<hbm>> -> memref<6400xf32, #tpu.memory_space<hbm>>
      tpu.wait_dma2 semaphore(%run_scoped3A_368 : memref<!tpu.dma_semaphore, #tpu.memory_space<semaphore_mem>>) src(%arg15 : memref<6400xf32, #tpu.memory_space<vmem>>) dst(%dma_wait3A_376 : memref<6400xf32, #tpu.memory_space<hbm>>)
      tpu.yield
    }) : () -> ()
    %dma_start3A_103 = arith.constant 0 : i32
    %dma_start3A_104 = tpu.memref_slice %arg17[%dma_start3A_103] : memref<528xi32, #tpu.memory_space<vmem>> -> memref<512xi32, #tpu.memory_space<vmem>>
    %dma_start3A_105 = arith.constant 0 : i32
    %dma_start3A_106 = tpu.memref_slice %arg5[%dma_start3A_105] : memref<5529632xi32, #tpu.memory_space<hbm>> -> memref<5529632xi32, #tpu.memory_space<hbm>>
    tpu.enqueue_indirect_dma source(%dma_start3A_106 : memref<5529632xi32, #tpu.memory_space<hbm>>) target(%arg18 : memref<512xi32, #tpu.memory_space<vmem>>) offsets(%dma_start3A_104 : memref<512xi32, #tpu.memory_space<vmem>>) semaphore(%arg20 : memref<!tpu.dma_semaphore, #tpu.memory_space<semaphore_mem>>)
    %dma_wait3A_107 = arith.constant 0 : i32
    %dma_wait3A_108 = tpu.memref_slice %arg17[%dma_wait3A_107] : memref<528xi32, #tpu.memory_space<vmem>> -> memref<512xi32, #tpu.memory_space<vmem>>
    %dma_wait3A_109 = arith.constant 0 : i32
    %dma_wait3A_110 = tpu.memref_slice %arg5[%dma_wait3A_109] : memref<5529632xi32, #tpu.memory_space<hbm>> -> memref<5529632xi32, #tpu.memory_space<hbm>>
    tpu.wait_indirect_dma semaphore(%arg20 : memref<!tpu.dma_semaphore, #tpu.memory_space<semaphore_mem>>) src(%dma_wait3A_110 : memref<5529632xi32, #tpu.memory_space<hbm>>) dst(%arg18 : memref<512xi32, #tpu.memory_space<vmem>>)
    %scan3A_111 = arith.constant 0 : i32
    %scan3A_112 = arith.constant 32 : i32
    %scan3A_113 = arith.addi %scan3A_111, %scan3A_112 : i32
    %scan3A_114 = arith.constant 1 : i32
    scf.for %scan3A_368 = %scan3A_111 to %scan3A_113 step %scan3A_114  : i32 {
      %mul3A_369 = arith.constant 16 : i32
      %mul3A_370 = arith.muli %scan3A_368, %mul3A_369 : i32
      %get3A = arith.index_cast %mul3A_370 : i32 to index
      %get3A_371 = tpu.vector_load %arg18[%get3A] {strides = array<i32>} : memref<512xi32, #tpu.memory_space<vmem>>, vector<16xi32>,
      %jit3A = arith.constant 0 : i32
      %jit3A_372 = arith.constant 199999 : i32
      %max3A = vector.broadcast %jit3A : i32 to vector<16xi32>
      %max3A_373 = arith.maxsi %max3A, %get3A_371 : vector<16xi32>
      %min3A = vector.broadcast %jit3A_372 : i32 to vector<16xi32>
      %min3A_374 = arith.minsi %min3A, %max3A_373 : vector<16xi32>
      %swap3A = arith.index_cast %mul3A_370 : i32 to index
      %swap3A_375 = tpu.vector_load %arg17[%swap3A] {strides = array<i32>} : memref<528xi32, #tpu.memory_space<vmem>>, vector<16xi32>,
      tpu.vector_store %arg17[%swap3A], %min3A_374 {strides = array<i32>} : memref<528xi32, #tpu.memory_space<vmem>>, vector<16xi32>,
      %get3A_376 = arith.index_cast %mul3A_370 : i32 to index
      %get3A_377 = tpu.vector_load %arg16[%get3A_376] {strides = array<i32>} : memref<528xi32, #tpu.memory_space<vmem>>, vector<16xi32>,
      %lt3A = arith.constant 6400 : i32
      %lt3A_378 = vector.broadcast %lt3A : i32 to vector<16xi32>
      %lt3A_379 = arith.cmpi slt, %get3A_377, %lt3A_378 : vector<16xi32>
      %add3A_380 = arith.constant 204800 : i32
      %add3A_381 = arith.addi %add3A_380, %mul3A_2 : i32
      %add3A_382 = vector.broadcast %add3A_381 : i32 to vector<16xi32>
      %add3A_383 = arith.addi %add3A_382, %get3A_377 : vector<16xi32>
      %sub3A = arith.constant 6400 : i32
      %sub3A_384 = vector.broadcast %sub3A : i32 to vector<16xi32>
      %sub3A_385 = arith.subi %get3A_377, %sub3A_384 : vector<16xi32>
      %add3A_386 = arith.constant 404800 : i32
      %add3A_387 = vector.broadcast %add3A_386 : i32 to vector<16xi32>
      %add3A_388 = arith.addi %add3A_387, %sub3A_385 : vector<16xi32>
      %select_n3A = arith.select %lt3A_379, %add3A_383, %add3A_388 : vector<16xi1>, vector<16xi32>
      %swap3A_389 = arith.index_cast %mul3A_370 : i32 to index
      %swap3A_390 = tpu.vector_load %arg18[%swap3A_389] {strides = array<i32>} : memref<512xi32, #tpu.memory_space<vmem>>, vector<16xi32>,
      tpu.vector_store %arg18[%swap3A_389], %select_n3A {strides = array<i32>} : memref<512xi32, #tpu.memory_space<vmem>>, vector<16xi32>,
    }
    %scan3A_115 = arith.constant 32 : i32
    %dma_start3A_116 = arith.constant 0 : i32
    %dma_start3A_117 = tpu.memref_slice %arg17[%dma_start3A_116] : memref<528xi32, #tpu.memory_space<vmem>> -> memref<512xi32, #tpu.memory_space<vmem>>
    %dma_start3A_118 = arith.constant 0 : i32
    %dma_start3A_119 = arith.constant 0 : i32
    %dma_start3A_120 = tpu.memref_slice %arg6[%dma_start3A_118, %dma_start3A_119] : memref<200000x32xf32, #tpu.memory_space<hbm>> -> memref<200000x32xf32, #tpu.memory_space<hbm>>
    tpu.enqueue_indirect_dma source(%dma_start3A_120 : memref<200000x32xf32, #tpu.memory_space<hbm>>) target(%arg19 : memref<512x32xf32, #tpu.memory_space<vmem>>) offsets(%dma_start3A_117 : memref<512xi32, #tpu.memory_space<vmem>>) semaphore(%arg20 : memref<!tpu.dma_semaphore, #tpu.memory_space<semaphore_mem>>)
    %dma_wait3A_121 = arith.constant 0 : i32
    %dma_wait3A_122 = tpu.memref_slice %arg17[%dma_wait3A_121] : memref<528xi32, #tpu.memory_space<vmem>> -> memref<512xi32, #tpu.memory_space<vmem>>
    %dma_wait3A_123 = arith.constant 0 : i32
    %dma_wait3A_124 = arith.constant 0 : i32
    %dma_wait3A_125 = tpu.memref_slice %arg6[%dma_wait3A_123, %dma_wait3A_124] : memref<200000x32xf32, #tpu.memory_space<hbm>> -> memref<200000x32xf32, #tpu.memory_space<hbm>>
    tpu.wait_indirect_dma semaphore(%arg20 : memref<!tpu.dma_semaphore, #tpu.memory_space<semaphore_mem>>) src(%dma_wait3A_125 : memref<200000x32xf32, #tpu.memory_space<hbm>>) dst(%arg19 : memref<512x32xf32, #tpu.memory_space<vmem>>)
    %dma_start3A_126 = arith.constant 0 : i32
    %dma_start3A_127 = arith.constant 0 : i32
    %dma_start3A_128 = tpu.memref_slice %arg7[%dma_start3A_126, %dma_start3A_127] : memref<1228800x32xf32, #tpu.memory_space<hbm>> -> memref<1228800x32xf32, #tpu.memory_space<hbm>>
    tpu.enqueue_indirect_dma source(%arg19 : memref<512x32xf32, #tpu.memory_space<vmem>>) target(%dma_start3A_128 : memref<1228800x32xf32, #tpu.memory_space<hbm>>) offsets(%arg18 : memref<512xi32, #tpu.memory_space<vmem>>) semaphore(%arg20 : memref<!tpu.dma_semaphore, #tpu.memory_space<semaphore_mem>>)
    %dma_wait3A_129 = arith.constant 0 : i32
    %dma_wait3A_130 = arith.constant 0 : i32
    %dma_wait3A_131 = tpu.memref_slice %arg7[%dma_wait3A_129, %dma_wait3A_130] : memref<1228800x32xf32, #tpu.memory_space<hbm>> -> memref<1228800x32xf32, #tpu.memory_space<hbm>>
    tpu.wait_indirect_dma semaphore(%arg20 : memref<!tpu.dma_semaphore, #tpu.memory_space<semaphore_mem>>) src(%arg19 : memref<512x32xf32, #tpu.memory_space<vmem>>) dst(%dma_wait3A_131 : memref<1228800x32xf32, #tpu.memory_space<hbm>>)
    %scan3A_132 = arith.constant 0 : i32
    %scan3A_133 = arith.constant 400 : i32
    %scan3A_134 = arith.addi %scan3A_132, %scan3A_133 : i32
    %scan3A_135 = arith.constant 1 : i32
    scf.for %scan3A_368 = %scan3A_132 to %scan3A_134 step %scan3A_135  : i32 {
      %mul3A_369 = arith.constant 16 : i32
      %mul3A_370 = arith.muli %scan3A_368, %mul3A_369 : i32
      %get3A = arith.index_cast %mul3A_370 : i32 to index
      %get3A_371 = tpu.vector_load %arg10[%get3A] {strides = array<i32>} : memref<12800xi32, #tpu.memory_space<vmem>>, vector<16xi32>,
      %mul3A_372 = arith.constant 360 : i32
      %mul3A_373 = vector.broadcast %mul3A_372 : i32 to vector<16xi32>
      %mul3A_374 = arith.muli %get3A_371, %mul3A_373 : vector<16xi32>
      %get3A_375 = arith.index_cast %mul3A_370 : i32 to index
      %get3A_376 = tpu.vector_load %arg11[%get3A_375] {strides = array<i32>} : memref<12800xi32, #tpu.memory_space<vmem>>, vector<16xi32>,
      %add3A_377 = arith.addi %mul3A_374, %get3A_376 : vector<16xi32>
      %add3A_378 = arith.constant -1 : i32
      %add3A_379 = vector.broadcast %add3A_378 : i32 to vector<16xi32>
      %add3A_380 = arith.addi %add3A_377, %add3A_379 : vector<16xi32>
      %jit3A = arith.constant 0 : i32
      %jit3A_381 = arith.constant 172799 : i32
      %max3A = vector.broadcast %jit3A : i32 to vector<16xi32>
      %max3A_382 = arith.maxsi %max3A, %add3A_380 : vector<16xi32>
      %min3A = vector.broadcast %jit3A_381 : i32 to vector<16xi32>
      %min3A_383 = arith.minsi %min3A, %max3A_382 : vector<16xi32>
      %swap3A = arith.index_cast %mul3A_370 : i32 to index
      %swap3A_384 = tpu.vector_load %arg13[%swap3A] {strides = array<i32>} : memref<12800xi32, #tpu.memory_space<vmem>>, vector<16xi32>,
      tpu.vector_store %arg13[%swap3A], %min3A_383 {strides = array<i32>} : memref<12800xi32, #tpu.memory_space<vmem>>, vector<16xi32>,
    }
    %scan3A_136 = arith.constant 400 : i32
    %dma_start3A_137 = arith.constant 0 : i32
    %dma_start3A_138 = tpu.memref_slice %arg14[%dma_start3A_137] : memref<12800xi32, #tpu.memory_space<vmem>> -> memref<6400xi32, #tpu.memory_space<vmem>>
    %dma_start3A_139 = arith.constant 0 : i32
    %dma_start3A_140 = tpu.memref_slice %arg13[%dma_start3A_139] : memref<12800xi32, #tpu.memory_space<vmem>> -> memref<6400xi32, #tpu.memory_space<vmem>>
    %dma_start3A_141 = arith.constant 0 : i32
    %dma_start3A_142 = tpu.memref_slice %arg9[%dma_start3A_141] : memref<173056xi32, #tpu.memory_space<vmem_shared>> -> memref<173056xi32, #tpu.memory_space<vmem_shared>>
    tpu.enqueue_indirect_dma source(%dma_start3A_142 : memref<173056xi32, #tpu.memory_space<vmem_shared>>) target(%dma_start3A_138 : memref<6400xi32, #tpu.memory_space<vmem>>) offsets(%dma_start3A_140 : memref<6400xi32, #tpu.memory_space<vmem>>) semaphore(%arg20 : memref<!tpu.dma_semaphore, #tpu.memory_space<semaphore_mem>>)
    %dma_wait3A_143 = arith.constant 0 : i32
    %dma_wait3A_144 = tpu.memref_slice %arg14[%dma_wait3A_143] : memref<12800xi32, #tpu.memory_space<vmem>> -> memref<6400xi32, #tpu.memory_space<vmem>>
    %dma_wait3A_145 = arith.constant 0 : i32
    %dma_wait3A_146 = tpu.memref_slice %arg13[%dma_wait3A_145] : memref<12800xi32, #tpu.memory_space<vmem>> -> memref<6400xi32, #tpu.memory_space<vmem>>
    %dma_wait3A_147 = arith.constant 0 : i32
    %dma_wait3A_148 = tpu.memref_slice %arg9[%dma_wait3A_147] : memref<173056xi32, #tpu.memory_space<vmem_shared>> -> memref<173056xi32, #tpu.memory_space<vmem_shared>>
    tpu.wait_indirect_dma semaphore(%arg20 : memref<!tpu.dma_semaphore, #tpu.memory_space<semaphore_mem>>) src(%dma_wait3A_148 : memref<173056xi32, #tpu.memory_space<vmem_shared>>) dst(%dma_wait3A_144 : memref<6400xi32, #tpu.memory_space<vmem>>)
    %scan3A_149 = arith.constant 0 : i32
    %scan3A_150 = arith.constant 33 : i32
    %scan3A_151 = arith.addi %scan3A_149, %scan3A_150 : i32
    %scan3A_152 = arith.constant 1 : i32
    scf.for %scan3A_368 = %scan3A_149 to %scan3A_151 step %scan3A_152  : i32 {
      %mul3A_369 = arith.constant 16 : i32
      %mul3A_370 = arith.muli %scan3A_368, %mul3A_369 : i32
      %mul3A_371 = arith.constant 16 : i32
      %mul3A_372 = arith.muli %scan3A_368, %mul3A_371 : i32
      %add3A_373 = arith.constant 6400 : i32
      %add3A_374 = arith.addi %add3A_373, %mul3A_372 : i32
      %add3A_375 = vector.broadcast %add3A_374 : i32 to vector<16xi32>
      %add3A_376 = arith.addi %add3A_375, %iota3A : vector<16xi32>
      %swap3A = arith.index_cast %mul3A_370 : i32 to index
      %swap3A_377 = tpu.vector_load %arg16[%swap3A] {strides = array<i32>} : memref<528xi32, #tpu.memory_space<vmem>>, vector<16xi32>,
      tpu.vector_store %arg16[%swap3A], %add3A_376 {strides = array<i32>} : memref<528xi32, #tpu.memory_space<vmem>>, vector<16xi32>,
      %broadcast_in_dim3A = arith.constant 0 : i32
      %broadcast_in_dim3A_378 = vector.broadcast %broadcast_in_dim3A : i32 to vector<16xi32>
      %swap3A_379 = arith.index_cast %mul3A_370 : i32 to index
      %swap3A_380 = tpu.vector_load %arg17[%swap3A_379] {strides = array<i32>} : memref<528xi32, #tpu.memory_space<vmem>>, vector<16xi32>,
      tpu.vector_store %arg17[%swap3A_379], %broadcast_in_dim3A_378 {strides = array<i32>} : memref<528xi32, #tpu.memory_space<vmem>>, vector<16xi32>,
    }
    %scan3A_153 = arith.constant 33 : i32
    %scan3A_154 = arith.constant 0 : i32
    %scan3A_155 = arith.constant 0 : i32
    %scan3A_156 = arith.constant 400 : i32
    %scan3A_157 = arith.addi %scan3A_155, %scan3A_156 : i32
    %scan3A_158 = arith.constant 1 : i32
    %scan3A_159 = scf.for %scan3A_368 = %scan3A_155 to %scan3A_157 step %scan3A_158 iter_args(%scan3A_369 = %scan3A_154) -> (i32)  : i32 {
      %mul3A_370 = arith.constant 16 : i32
      %mul3A_371 = arith.muli %scan3A_368, %mul3A_370 : i32
      %get3A = arith.index_cast %mul3A_371 : i32 to index
      %get3A_372 = tpu.vector_load %arg11[%get3A] {strides = array<i32>} : memref<12800xi32, #tpu.memory_space<vmem>>, vector<16xi32>,
      %add3A_373 = arith.constant -1 : i32
      %add3A_374 = vector.broadcast %add3A_373 : i32 to vector<16xi32>
      %add3A_375 = arith.addi %get3A_372, %add3A_374 : vector<16xi32>
      %ge3A = arith.constant 0 : i32
      %ge3A_376 = vector.broadcast %ge3A : i32 to vector<16xi32>
      %ge3A_377 = arith.cmpi sge, %add3A_375, %ge3A_376 : vector<16xi32>
      %lt3A = arith.constant 360 : i32
      %lt3A_378 = vector.broadcast %lt3A : i32 to vector<16xi32>
      %lt3A_379 = arith.cmpi slt, %add3A_375, %lt3A_378 : vector<16xi32>
      %and3A = arith.andi %ge3A_377, %lt3A_379 : vector<16xi1>
      %add3A_380 = arith.addi %mul3A_2, %mul3A_371 : i32
      %add3A_381 = vector.broadcast %add3A_380 : i32 to vector<16xi32>
      %add3A_382 = arith.addi %add3A_381, %iota3A : vector<16xi32>
      %lt3A_383 = arith.constant 200000 : i32
      %lt3A_384 = vector.broadcast %lt3A_383 : i32 to vector<16xi32>
      %lt3A_385 = arith.cmpi slt, %add3A_382, %lt3A_384 : vector<16xi32>
      %get3A_386 = arith.index_cast %mul3A_371 : i32 to index
      %get3A_387 = tpu.vector_load %arg12[%get3A_386] {strides = array<i32>} : memref<12800xi32, #tpu.memory_space<vmem>>, vector<16xi32>,
      %add3A_388 = arith.constant 0 : i32
      %add3A_389 = vector.broadcast %add3A_388 : i32 to vector<16xi32>
      %add3A_390 = arith.addi %get3A_387, %add3A_389 : vector<16xi32>
      %jit3A = arith.constant 0 : i32
      %jit3A_391 = arith.constant 31 : i32
      %max3A = vector.broadcast %jit3A : i32 to vector<16xi32>
      %max3A_392 = arith.maxsi %max3A, %add3A_390 : vector<16xi32>
      %min3A = vector.broadcast %jit3A_391 : i32 to vector<16xi32>
      %min3A_393 = arith.minsi %min3A, %max3A_392 : vector<16xi32>
      %get3A_394 = arith.index_cast %mul3A_371 : i32 to index
      %get3A_395 = tpu.vector_load %arg14[%get3A_394] {strides = array<i32>} : memref<12800xi32, #tpu.memory_space<vmem>>, vector<16xi32>,
      %shift_right_arithmetic3A = arith.shrsi %get3A_395, %min3A_393 : vector<16xi32>
      %and3A_396 = arith.constant 1 : i32
      %and3A_397 = vector.broadcast %and3A_396 : i32 to vector<16xi32>
      %and3A_398 = arith.andi %shift_right_arithmetic3A, %and3A_397 : vector<16xi32>
      %eq3A = arith.constant 1 : i32
      %eq3A_399 = vector.broadcast %eq3A : i32 to vector<16xi32>
      %eq3A_400 = arith.cmpi eq, %and3A_398, %eq3A_399 : vector<16xi32>
      %and3A_401 = arith.andi %eq3A_400, %and3A : vector<16xi1>
      %and3A_402 = arith.andi %and3A_401, %lt3A_385 : vector<16xi1>
      %convert_element_type3A = arith.extui %and3A_402 : vector<16xi1> to vector<16xi32>
      %convert_element_type3A_403 = arith.sitofp %convert_element_type3A : vector<16xi32> to vector<16xf32>
      %swap3A = arith.index_cast %mul3A_371 : i32 to index
      %swap3A_404 = tpu.vector_load %arg15[%swap3A] {strides = array<i32>} : memref<6400xf32, #tpu.memory_space<vmem>>, vector<16xf32>,
      tpu.vector_store %arg15[%swap3A], %convert_element_type3A_403 {strides = array<i32>} : memref<6400xf32, #tpu.memory_space<vmem>>, vector<16xf32>,
      %get3A_405 = arith.index_cast %mul3A_371 : i32 to index
      %get3A_406 = tpu.vector_load %arg10[%get3A_405] {strides = array<i32>} : memref<12800xi32, #tpu.memory_space<vmem>>, vector<16xi32>,
      %mul3A_407 = arith.constant 360 : i32
      %mul3A_408 = vector.broadcast %mul3A_407 : i32 to vector<16xi32>
      %mul3A_409 = arith.muli %get3A_406, %mul3A_408 : vector<16xi32>
      %get3A_410 = arith.index_cast %mul3A_371 : i32 to index
      %get3A_411 = tpu.vector_load %arg11[%get3A_410] {strides = array<i32>} : memref<12800xi32, #tpu.memory_space<vmem>>, vector<16xi32>,
      %add3A_412 = arith.addi %mul3A_409, %get3A_411 : vector<16xi32>
      %add3A_413 = arith.constant -1 : i32
      %add3A_414 = vector.broadcast %add3A_413 : i32 to vector<16xi32>
      %add3A_415 = arith.addi %add3A_412, %add3A_414 : vector<16xi32>
      %mul3A_416 = arith.constant 32 : i32
      %mul3A_417 = vector.broadcast %mul3A_416 : i32 to vector<16xi32>
      %mul3A_418 = arith.muli %add3A_415, %mul3A_417 : vector<16xi32>
      %add3A_419 = arith.addi %mul3A_418, %min3A_393 : vector<16xi32>
      %add3A_420 = vector.broadcast %mul3A_371 : i32 to vector<16xi32>
      %add3A_421 = arith.addi %add3A_420, %iota3A : vector<16xi32>
      %swap3A_422 = arith.index_cast %scan3A_369 : i32 to index
      %swap3A_423 = tpu.vector_load %arg16[%swap3A_422] masked %and3A_402 {strides = array<i32>} : memref<528xi32, #tpu.memory_space<vmem>>, vector<16xi32>, vector<16xi1>
      tpu.vector_store %arg16[%swap3A_422], %add3A_421 masked %and3A_402 {strides = array<i32>} : memref<528xi32, #tpu.memory_space<vmem>>, vector<16xi32>, vector<16xi1>
      %swap3A_424 = arith.index_cast %scan3A_369 : i32 to index
      %swap3A_425 = tpu.vector_load %arg17[%swap3A_424] masked %and3A_402 {strides = array<i32>} : memref<528xi32, #tpu.memory_space<vmem>>, vector<16xi32>, vector<16xi1>
      tpu.vector_store %arg17[%swap3A_424], %add3A_419 masked %and3A_402 {strides = array<i32>} : memref<528xi32, #tpu.memory_space<vmem>>, vector<16xi32>, vector<16xi1>
      %all_reduce_population_count3A = tpu.all_reduce %and3A_402 {dim = 0 : i64, kind = #tpu.reduction_kind<sum>} : vector<16xi1> -> vector<16xi32>
      %reduce_max3A = arith.constant true
      %reduce_max3A_426 = vector.broadcast %reduce_max3A : i1 to vector<16xi1>
      %reduce_max3A_427 = arith.constant -2147483648 : i32
      %reduce_max3A_428 = vector.broadcast %reduce_max3A_427 : i32 to vector<16xi32>
      %reduce_max3A_429 = arith.xori %all_reduce_population_count3A, %reduce_max3A_428 : vector<16xi32>
      %reduce_max3A_430 = tpu.scan <max>, %reduce_max3A_429 masked %reduce_max3A_426 : vector<16xi32>, vector<16xi1> -> vector<16xi32>
      %reduce_max3A_431 = arith.xori %reduce_max3A_430, %reduce_max3A_428 : vector<16xi32>
      %reduce_max3A_432 = vector.extract %reduce_max3A_431[15] : i32 from vector<16xi32>
      %add3A_433 = arith.addi %scan3A_369, %reduce_max3A_432 : i32
      scf.yield %add3A_433 : i32
    }
    %scan3A_160 = arith.constant 400 : i32
    %run_scoped3A_161 = arith.constant 2 : i32
    "tpu.region"() ({
      %run_scoped3A_368 = tpu.sem_alloc : memref<!tpu.dma_semaphore, #tpu.memory_space<semaphore_mem>>
      %dma_start3A_369 = tpu.memref_slice %arg8[%run_scoped3A_161, %mul3A_2] : memref<6x204800xf32, #tpu.memory_space<hbm>> -> memref<1x6400xf32, #tpu.memory_space<hbm>>
      %dma_start3A_370 = tpu.memref_squeeze %dma_start3A_369 : memref<1x6400xf32, #tpu.memory_space<hbm>> -> memref<6400xf32, #tpu.memory_space<hbm>>
      %dma_start3A_371 = tpu.memref_slice %arg8[%run_scoped3A_161, %mul3A_2] : memref<6x204800xf32, #tpu.memory_space<hbm>> -> memref<1x6400xf32, #tpu.memory_space<hbm>>
      %dma_start3A_372 = tpu.memref_squeeze %dma_start3A_371 : memref<1x6400xf32, #tpu.memory_space<hbm>> -> memref<6400xf32, #tpu.memory_space<hbm>>
      tpu.enqueue_dma source(%arg15 : memref<6400xf32, #tpu.memory_space<vmem>>) target(%dma_start3A_372 : memref<6400xf32, #tpu.memory_space<hbm>>) target_semaphore(%run_scoped3A_368 : memref<!tpu.dma_semaphore, #tpu.memory_space<semaphore_mem>>)
      %dma_wait3A_373 = tpu.memref_slice %arg8[%run_scoped3A_161, %mul3A_2] : memref<6x204800xf32, #tpu.memory_space<hbm>> -> memref<1x6400xf32, #tpu.memory_space<hbm>>
      %dma_wait3A_374 = tpu.memref_squeeze %dma_wait3A_373 : memref<1x6400xf32, #tpu.memory_space<hbm>> -> memref<6400xf32, #tpu.memory_space<hbm>>
      %dma_wait3A_375 = tpu.memref_slice %arg8[%run_scoped3A_161, %mul3A_2] : memref<6x204800xf32, #tpu.memory_space<hbm>> -> memref<1x6400xf32, #tpu.memory_space<hbm>>
      %dma_wait3A_376 = tpu.memref_squeeze %dma_wait3A_375 : memref<1x6400xf32, #tpu.memory_space<hbm>> -> memref<6400xf32, #tpu.memory_space<hbm>>
      tpu.wait_dma2 semaphore(%run_scoped3A_368 : memref<!tpu.dma_semaphore, #tpu.memory_space<semaphore_mem>>) src(%arg15 : memref<6400xf32, #tpu.memory_space<vmem>>) dst(%dma_wait3A_376 : memref<6400xf32, #tpu.memory_space<hbm>>)
      tpu.yield
    }) : () -> ()
    %dma_start3A_162 = arith.constant 0 : i32
    %dma_start3A_163 = tpu.memref_slice %arg17[%dma_start3A_162] : memref<528xi32, #tpu.memory_space<vmem>> -> memref<512xi32, #tpu.memory_space<vmem>>
    %dma_start3A_164 = arith.constant 0 : i32
    %dma_start3A_165 = tpu.memref_slice %arg5[%dma_start3A_164] : memref<5529632xi32, #tpu.memory_space<hbm>> -> memref<5529632xi32, #tpu.memory_space<hbm>>
    tpu.enqueue_indirect_dma source(%dma_start3A_165 : memref<5529632xi32, #tpu.memory_space<hbm>>) target(%arg18 : memref<512xi32, #tpu.memory_space<vmem>>) offsets(%dma_start3A_163 : memref<512xi32, #tpu.memory_space<vmem>>) semaphore(%arg20 : memref<!tpu.dma_semaphore, #tpu.memory_space<semaphore_mem>>)
    %dma_wait3A_166 = arith.constant 0 : i32
    %dma_wait3A_167 = tpu.memref_slice %arg17[%dma_wait3A_166] : memref<528xi32, #tpu.memory_space<vmem>> -> memref<512xi32, #tpu.memory_space<vmem>>
    %dma_wait3A_168 = arith.constant 0 : i32
    %dma_wait3A_169 = tpu.memref_slice %arg5[%dma_wait3A_168] : memref<5529632xi32, #tpu.memory_space<hbm>> -> memref<5529632xi32, #tpu.memory_space<hbm>>
    tpu.wait_indirect_dma semaphore(%arg20 : memref<!tpu.dma_semaphore, #tpu.memory_space<semaphore_mem>>) src(%dma_wait3A_169 : memref<5529632xi32, #tpu.memory_space<hbm>>) dst(%arg18 : memref<512xi32, #tpu.memory_space<vmem>>)
    %scan3A_170 = arith.constant 0 : i32
    %scan3A_171 = arith.constant 32 : i32
    %scan3A_172 = arith.addi %scan3A_170, %scan3A_171 : i32
    %scan3A_173 = arith.constant 1 : i32
    scf.for %scan3A_368 = %scan3A_170 to %scan3A_172 step %scan3A_173  : i32 {
      %mul3A_369 = arith.constant 16 : i32
      %mul3A_370 = arith.muli %scan3A_368, %mul3A_369 : i32
      %get3A = arith.index_cast %mul3A_370 : i32 to index
      %get3A_371 = tpu.vector_load %arg18[%get3A] {strides = array<i32>} : memref<512xi32, #tpu.memory_space<vmem>>, vector<16xi32>,
      %jit3A = arith.constant 0 : i32
      %jit3A_372 = arith.constant 199999 : i32
      %max3A = vector.broadcast %jit3A : i32 to vector<16xi32>
      %max3A_373 = arith.maxsi %max3A, %get3A_371 : vector<16xi32>
      %min3A = vector.broadcast %jit3A_372 : i32 to vector<16xi32>
      %min3A_374 = arith.minsi %min3A, %max3A_373 : vector<16xi32>
      %swap3A = arith.index_cast %mul3A_370 : i32 to index
      %swap3A_375 = tpu.vector_load %arg17[%swap3A] {strides = array<i32>} : memref<528xi32, #tpu.memory_space<vmem>>, vector<16xi32>,
      tpu.vector_store %arg17[%swap3A], %min3A_374 {strides = array<i32>} : memref<528xi32, #tpu.memory_space<vmem>>, vector<16xi32>,
      %get3A_376 = arith.index_cast %mul3A_370 : i32 to index
      %get3A_377 = tpu.vector_load %arg16[%get3A_376] {strides = array<i32>} : memref<528xi32, #tpu.memory_space<vmem>>, vector<16xi32>,
      %lt3A = arith.constant 6400 : i32
      %lt3A_378 = vector.broadcast %lt3A : i32 to vector<16xi32>
      %lt3A_379 = arith.cmpi slt, %get3A_377, %lt3A_378 : vector<16xi32>
      %add3A_380 = arith.constant 409600 : i32
      %add3A_381 = arith.addi %add3A_380, %mul3A_2 : i32
      %add3A_382 = vector.broadcast %add3A_381 : i32 to vector<16xi32>
      %add3A_383 = arith.addi %add3A_382, %get3A_377 : vector<16xi32>
      %sub3A = arith.constant 6400 : i32
      %sub3A_384 = vector.broadcast %sub3A : i32 to vector<16xi32>
      %sub3A_385 = arith.subi %get3A_377, %sub3A_384 : vector<16xi32>
      %add3A_386 = arith.constant 609600 : i32
      %add3A_387 = vector.broadcast %add3A_386 : i32 to vector<16xi32>
      %add3A_388 = arith.addi %add3A_387, %sub3A_385 : vector<16xi32>
      %select_n3A = arith.select %lt3A_379, %add3A_383, %add3A_388 : vector<16xi1>, vector<16xi32>
      %swap3A_389 = arith.index_cast %mul3A_370 : i32 to index
      %swap3A_390 = tpu.vector_load %arg18[%swap3A_389] {strides = array<i32>} : memref<512xi32, #tpu.memory_space<vmem>>, vector<16xi32>,
      tpu.vector_store %arg18[%swap3A_389], %select_n3A {strides = array<i32>} : memref<512xi32, #tpu.memory_space<vmem>>, vector<16xi32>,
    }
    %scan3A_174 = arith.constant 32 : i32
    %dma_start3A_175 = arith.constant 0 : i32
    %dma_start3A_176 = tpu.memref_slice %arg17[%dma_start3A_175] : memref<528xi32, #tpu.memory_space<vmem>> -> memref<512xi32, #tpu.memory_space<vmem>>
    %dma_start3A_177 = arith.constant 0 : i32
    %dma_start3A_178 = arith.constant 0 : i32
    %dma_start3A_179 = tpu.memref_slice %arg6[%dma_start3A_177, %dma_start3A_178] : memref<200000x32xf32, #tpu.memory_space<hbm>> -> memref<200000x32xf32, #tpu.memory_space<hbm>>
    tpu.enqueue_indirect_dma source(%dma_start3A_179 : memref<200000x32xf32, #tpu.memory_space<hbm>>) target(%arg19 : memref<512x32xf32, #tpu.memory_space<vmem>>) offsets(%dma_start3A_176 : memref<512xi32, #tpu.memory_space<vmem>>) semaphore(%arg20 : memref<!tpu.dma_semaphore, #tpu.memory_space<semaphore_mem>>)
    %dma_wait3A_180 = arith.constant 0 : i32
    %dma_wait3A_181 = tpu.memref_slice %arg17[%dma_wait3A_180] : memref<528xi32, #tpu.memory_space<vmem>> -> memref<512xi32, #tpu.memory_space<vmem>>
    %dma_wait3A_182 = arith.constant 0 : i32
    %dma_wait3A_183 = arith.constant 0 : i32
    %dma_wait3A_184 = tpu.memref_slice %arg6[%dma_wait3A_182, %dma_wait3A_183] : memref<200000x32xf32, #tpu.memory_space<hbm>> -> memref<200000x32xf32, #tpu.memory_space<hbm>>
    tpu.wait_indirect_dma semaphore(%arg20 : memref<!tpu.dma_semaphore, #tpu.memory_space<semaphore_mem>>) src(%dma_wait3A_184 : memref<200000x32xf32, #tpu.memory_space<hbm>>) dst(%arg19 : memref<512x32xf32, #tpu.memory_space<vmem>>)
    %dma_start3A_185 = arith.constant 0 : i32
    %dma_start3A_186 = arith.constant 0 : i32
    %dma_start3A_187 = tpu.memref_slice %arg7[%dma_start3A_185, %dma_start3A_186] : memref<1228800x32xf32, #tpu.memory_space<hbm>> -> memref<1228800x32xf32, #tpu.memory_space<hbm>>
    tpu.enqueue_indirect_dma source(%arg19 : memref<512x32xf32, #tpu.memory_space<vmem>>) target(%dma_start3A_187 : memref<1228800x32xf32, #tpu.memory_space<hbm>>) offsets(%arg18 : memref<512xi32, #tpu.memory_space<vmem>>) semaphore(%arg20 : memref<!tpu.dma_semaphore, #tpu.memory_space<semaphore_mem>>)
    %dma_wait3A_188 = arith.constant 0 : i32
    %dma_wait3A_189 = arith.constant 0 : i32
    %dma_wait3A_190 = tpu.memref_slice %arg7[%dma_wait3A_188, %dma_wait3A_189] : memref<1228800x32xf32, #tpu.memory_space<hbm>> -> memref<1228800x32xf32, #tpu.memory_space<hbm>>
    tpu.wait_indirect_dma semaphore(%arg20 : memref<!tpu.dma_semaphore, #tpu.memory_space<semaphore_mem>>) src(%arg19 : memref<512x32xf32, #tpu.memory_space<vmem>>) dst(%dma_wait3A_190 : memref<1228800x32xf32, #tpu.memory_space<hbm>>)
    %scan3A_191 = arith.constant 0 : i32
    %scan3A_192 = arith.constant 400 : i32
    %scan3A_193 = arith.addi %scan3A_191, %scan3A_192 : i32
    %scan3A_194 = arith.constant 1 : i32
    scf.for %scan3A_368 = %scan3A_191 to %scan3A_193 step %scan3A_194  : i32 {
      %mul3A_369 = arith.constant 16 : i32
      %mul3A_370 = arith.muli %scan3A_368, %mul3A_369 : i32
      %get3A = arith.index_cast %mul3A_370 : i32 to index
      %get3A_371 = tpu.vector_load %arg10[%get3A] {strides = array<i32>} : memref<12800xi32, #tpu.memory_space<vmem>>, vector<16xi32>,
      %mul3A_372 = arith.constant 360 : i32
      %mul3A_373 = vector.broadcast %mul3A_372 : i32 to vector<16xi32>
      %mul3A_374 = arith.muli %get3A_371, %mul3A_373 : vector<16xi32>
      %get3A_375 = arith.index_cast %mul3A_370 : i32 to index
      %get3A_376 = tpu.vector_load %arg11[%get3A_375] {strides = array<i32>} : memref<12800xi32, #tpu.memory_space<vmem>>, vector<16xi32>,
      %add3A_377 = arith.addi %mul3A_374, %get3A_376 : vector<16xi32>
      %add3A_378 = arith.constant 1 : i32
      %add3A_379 = vector.broadcast %add3A_378 : i32 to vector<16xi32>
      %add3A_380 = arith.addi %add3A_377, %add3A_379 : vector<16xi32>
      %jit3A = arith.constant 0 : i32
      %jit3A_381 = arith.constant 172799 : i32
      %max3A = vector.broadcast %jit3A : i32 to vector<16xi32>
      %max3A_382 = arith.maxsi %max3A, %add3A_380 : vector<16xi32>
      %min3A = vector.broadcast %jit3A_381 : i32 to vector<16xi32>
      %min3A_383 = arith.minsi %min3A, %max3A_382 : vector<16xi32>
      %swap3A = arith.index_cast %mul3A_370 : i32 to index
      %swap3A_384 = tpu.vector_load %arg13[%swap3A] {strides = array<i32>} : memref<12800xi32, #tpu.memory_space<vmem>>, vector<16xi32>,
      tpu.vector_store %arg13[%swap3A], %min3A_383 {strides = array<i32>} : memref<12800xi32, #tpu.memory_space<vmem>>, vector<16xi32>,
    }
    %scan3A_195 = arith.constant 400 : i32
    %dma_start3A_196 = arith.constant 0 : i32
    %dma_start3A_197 = tpu.memref_slice %arg14[%dma_start3A_196] : memref<12800xi32, #tpu.memory_space<vmem>> -> memref<6400xi32, #tpu.memory_space<vmem>>
    %dma_start3A_198 = arith.constant 0 : i32
    %dma_start3A_199 = tpu.memref_slice %arg13[%dma_start3A_198] : memref<12800xi32, #tpu.memory_space<vmem>> -> memref<6400xi32, #tpu.memory_space<vmem>>
    %dma_start3A_200 = arith.constant 0 : i32
    %dma_start3A_201 = tpu.memref_slice %arg9[%dma_start3A_200] : memref<173056xi32, #tpu.memory_space<vmem_shared>> -> memref<173056xi32, #tpu.memory_space<vmem_shared>>
    tpu.enqueue_indirect_dma source(%dma_start3A_201 : memref<173056xi32, #tpu.memory_space<vmem_shared>>) target(%dma_start3A_197 : memref<6400xi32, #tpu.memory_space<vmem>>) offsets(%dma_start3A_199 : memref<6400xi32, #tpu.memory_space<vmem>>) semaphore(%arg20 : memref<!tpu.dma_semaphore, #tpu.memory_space<semaphore_mem>>)
    %dma_wait3A_202 = arith.constant 0 : i32
    %dma_wait3A_203 = tpu.memref_slice %arg14[%dma_wait3A_202] : memref<12800xi32, #tpu.memory_space<vmem>> -> memref<6400xi32, #tpu.memory_space<vmem>>
    %dma_wait3A_204 = arith.constant 0 : i32
    %dma_wait3A_205 = tpu.memref_slice %arg13[%dma_wait3A_204] : memref<12800xi32, #tpu.memory_space<vmem>> -> memref<6400xi32, #tpu.memory_space<vmem>>
    %dma_wait3A_206 = arith.constant 0 : i32
    %dma_wait3A_207 = tpu.memref_slice %arg9[%dma_wait3A_206] : memref<173056xi32, #tpu.memory_space<vmem_shared>> -> memref<173056xi32, #tpu.memory_space<vmem_shared>>
    tpu.wait_indirect_dma semaphore(%arg20 : memref<!tpu.dma_semaphore, #tpu.memory_space<semaphore_mem>>) src(%dma_wait3A_207 : memref<173056xi32, #tpu.memory_space<vmem_shared>>) dst(%dma_wait3A_203 : memref<6400xi32, #tpu.memory_space<vmem>>)
    %scan3A_208 = arith.constant 0 : i32
    %scan3A_209 = arith.constant 33 : i32
    %scan3A_210 = arith.addi %scan3A_208, %scan3A_209 : i32
    %scan3A_211 = arith.constant 1 : i32
    scf.for %scan3A_368 = %scan3A_208 to %scan3A_210 step %scan3A_211  : i32 {
      %mul3A_369 = arith.constant 16 : i32
      %mul3A_370 = arith.muli %scan3A_368, %mul3A_369 : i32
      %mul3A_371 = arith.constant 16 : i32
      %mul3A_372 = arith.muli %scan3A_368, %mul3A_371 : i32
      %add3A_373 = arith.constant 6400 : i32
      %add3A_374 = arith.addi %add3A_373, %mul3A_372 : i32
      %add3A_375 = vector.broadcast %add3A_374 : i32 to vector<16xi32>
      %add3A_376 = arith.addi %add3A_375, %iota3A : vector<16xi32>
      %swap3A = arith.index_cast %mul3A_370 : i32 to index
      %swap3A_377 = tpu.vector_load %arg16[%swap3A] {strides = array<i32>} : memref<528xi32, #tpu.memory_space<vmem>>, vector<16xi32>,
      tpu.vector_store %arg16[%swap3A], %add3A_376 {strides = array<i32>} : memref<528xi32, #tpu.memory_space<vmem>>, vector<16xi32>,
      %broadcast_in_dim3A = arith.constant 0 : i32
      %broadcast_in_dim3A_378 = vector.broadcast %broadcast_in_dim3A : i32 to vector<16xi32>
      %swap3A_379 = arith.index_cast %mul3A_370 : i32 to index
      %swap3A_380 = tpu.vector_load %arg17[%swap3A_379] {strides = array<i32>} : memref<528xi32, #tpu.memory_space<vmem>>, vector<16xi32>,
      tpu.vector_store %arg17[%swap3A_379], %broadcast_in_dim3A_378 {strides = array<i32>} : memref<528xi32, #tpu.memory_space<vmem>>, vector<16xi32>,
    }
    %scan3A_212 = arith.constant 33 : i32
    %scan3A_213 = arith.constant 0 : i32
    %scan3A_214 = arith.constant 0 : i32
    %scan3A_215 = arith.constant 400 : i32
    %scan3A_216 = arith.addi %scan3A_214, %scan3A_215 : i32
    %scan3A_217 = arith.constant 1 : i32
    %scan3A_218 = scf.for %scan3A_368 = %scan3A_214 to %scan3A_216 step %scan3A_217 iter_args(%scan3A_369 = %scan3A_213) -> (i32)  : i32 {
      %mul3A_370 = arith.constant 16 : i32
      %mul3A_371 = arith.muli %scan3A_368, %mul3A_370 : i32
      %get3A = arith.index_cast %mul3A_371 : i32 to index
      %get3A_372 = tpu.vector_load %arg11[%get3A] {strides = array<i32>} : memref<12800xi32, #tpu.memory_space<vmem>>, vector<16xi32>,
      %add3A_373 = arith.constant 1 : i32
      %add3A_374 = vector.broadcast %add3A_373 : i32 to vector<16xi32>
      %add3A_375 = arith.addi %get3A_372, %add3A_374 : vector<16xi32>
      %ge3A = arith.constant 0 : i32
      %ge3A_376 = vector.broadcast %ge3A : i32 to vector<16xi32>
      %ge3A_377 = arith.cmpi sge, %add3A_375, %ge3A_376 : vector<16xi32>
      %lt3A = arith.constant 360 : i32
      %lt3A_378 = vector.broadcast %lt3A : i32 to vector<16xi32>
      %lt3A_379 = arith.cmpi slt, %add3A_375, %lt3A_378 : vector<16xi32>
      %and3A = arith.andi %ge3A_377, %lt3A_379 : vector<16xi1>
      %add3A_380 = arith.addi %mul3A_2, %mul3A_371 : i32
      %add3A_381 = vector.broadcast %add3A_380 : i32 to vector<16xi32>
      %add3A_382 = arith.addi %add3A_381, %iota3A : vector<16xi32>
      %lt3A_383 = arith.constant 200000 : i32
      %lt3A_384 = vector.broadcast %lt3A_383 : i32 to vector<16xi32>
      %lt3A_385 = arith.cmpi slt, %add3A_382, %lt3A_384 : vector<16xi32>
      %get3A_386 = arith.index_cast %mul3A_371 : i32 to index
      %get3A_387 = tpu.vector_load %arg12[%get3A_386] {strides = array<i32>} : memref<12800xi32, #tpu.memory_space<vmem>>, vector<16xi32>,
      %add3A_388 = arith.constant 0 : i32
      %add3A_389 = vector.broadcast %add3A_388 : i32 to vector<16xi32>
      %add3A_390 = arith.addi %get3A_387, %add3A_389 : vector<16xi32>
      %jit3A = arith.constant 0 : i32
      %jit3A_391 = arith.constant 31 : i32
      %max3A = vector.broadcast %jit3A : i32 to vector<16xi32>
      %max3A_392 = arith.maxsi %max3A, %add3A_390 : vector<16xi32>
      %min3A = vector.broadcast %jit3A_391 : i32 to vector<16xi32>
      %min3A_393 = arith.minsi %min3A, %max3A_392 : vector<16xi32>
      %get3A_394 = arith.index_cast %mul3A_371 : i32 to index
      %get3A_395 = tpu.vector_load %arg14[%get3A_394] {strides = array<i32>} : memref<12800xi32, #tpu.memory_space<vmem>>, vector<16xi32>,
      %shift_right_arithmetic3A = arith.shrsi %get3A_395, %min3A_393 : vector<16xi32>
      %and3A_396 = arith.constant 1 : i32
      %and3A_397 = vector.broadcast %and3A_396 : i32 to vector<16xi32>
      %and3A_398 = arith.andi %shift_right_arithmetic3A, %and3A_397 : vector<16xi32>
      %eq3A = arith.constant 1 : i32
      %eq3A_399 = vector.broadcast %eq3A : i32 to vector<16xi32>
      %eq3A_400 = arith.cmpi eq, %and3A_398, %eq3A_399 : vector<16xi32>
      %and3A_401 = arith.andi %eq3A_400, %and3A : vector<16xi1>
      %and3A_402 = arith.andi %and3A_401, %lt3A_385 : vector<16xi1>
      %convert_element_type3A = arith.extui %and3A_402 : vector<16xi1> to vector<16xi32>
      %convert_element_type3A_403 = arith.sitofp %convert_element_type3A : vector<16xi32> to vector<16xf32>
      %swap3A = arith.index_cast %mul3A_371 : i32 to index
      %swap3A_404 = tpu.vector_load %arg15[%swap3A] {strides = array<i32>} : memref<6400xf32, #tpu.memory_space<vmem>>, vector<16xf32>,
      tpu.vector_store %arg15[%swap3A], %convert_element_type3A_403 {strides = array<i32>} : memref<6400xf32, #tpu.memory_space<vmem>>, vector<16xf32>,
      %get3A_405 = arith.index_cast %mul3A_371 : i32 to index
      %get3A_406 = tpu.vector_load %arg10[%get3A_405] {strides = array<i32>} : memref<12800xi32, #tpu.memory_space<vmem>>, vector<16xi32>,
      %mul3A_407 = arith.constant 360 : i32
      %mul3A_408 = vector.broadcast %mul3A_407 : i32 to vector<16xi32>
      %mul3A_409 = arith.muli %get3A_406, %mul3A_408 : vector<16xi32>
      %get3A_410 = arith.index_cast %mul3A_371 : i32 to index
      %get3A_411 = tpu.vector_load %arg11[%get3A_410] {strides = array<i32>} : memref<12800xi32, #tpu.memory_space<vmem>>, vector<16xi32>,
      %add3A_412 = arith.addi %mul3A_409, %get3A_411 : vector<16xi32>
      %add3A_413 = arith.constant 1 : i32
      %add3A_414 = vector.broadcast %add3A_413 : i32 to vector<16xi32>
      %add3A_415 = arith.addi %add3A_412, %add3A_414 : vector<16xi32>
      %mul3A_416 = arith.constant 32 : i32
      %mul3A_417 = vector.broadcast %mul3A_416 : i32 to vector<16xi32>
      %mul3A_418 = arith.muli %add3A_415, %mul3A_417 : vector<16xi32>
      %add3A_419 = arith.addi %mul3A_418, %min3A_393 : vector<16xi32>
      %add3A_420 = vector.broadcast %mul3A_371 : i32 to vector<16xi32>
      %add3A_421 = arith.addi %add3A_420, %iota3A : vector<16xi32>
      %swap3A_422 = arith.index_cast %scan3A_369 : i32 to index
      %swap3A_423 = tpu.vector_load %arg16[%swap3A_422] masked %and3A_402 {strides = array<i32>} : memref<528xi32, #tpu.memory_space<vmem>>, vector<16xi32>, vector<16xi1>
      tpu.vector_store %arg16[%swap3A_422], %add3A_421 masked %and3A_402 {strides = array<i32>} : memref<528xi32, #tpu.memory_space<vmem>>, vector<16xi32>, vector<16xi1>
      %swap3A_424 = arith.index_cast %scan3A_369 : i32 to index
      %swap3A_425 = tpu.vector_load %arg17[%swap3A_424] masked %and3A_402 {strides = array<i32>} : memref<528xi32, #tpu.memory_space<vmem>>, vector<16xi32>, vector<16xi1>
      tpu.vector_store %arg17[%swap3A_424], %add3A_419 masked %and3A_402 {strides = array<i32>} : memref<528xi32, #tpu.memory_space<vmem>>, vector<16xi32>, vector<16xi1>
      %all_reduce_population_count3A = tpu.all_reduce %and3A_402 {dim = 0 : i64, kind = #tpu.reduction_kind<sum>} : vector<16xi1> -> vector<16xi32>
      %reduce_max3A = arith.constant true
      %reduce_max3A_426 = vector.broadcast %reduce_max3A : i1 to vector<16xi1>
      %reduce_max3A_427 = arith.constant -2147483648 : i32
      %reduce_max3A_428 = vector.broadcast %reduce_max3A_427 : i32 to vector<16xi32>
      %reduce_max3A_429 = arith.xori %all_reduce_population_count3A, %reduce_max3A_428 : vector<16xi32>
      %reduce_max3A_430 = tpu.scan <max>, %reduce_max3A_429 masked %reduce_max3A_426 : vector<16xi32>, vector<16xi1> -> vector<16xi32>
      %reduce_max3A_431 = arith.xori %reduce_max3A_430, %reduce_max3A_428 : vector<16xi32>
      %reduce_max3A_432 = vector.extract %reduce_max3A_431[15] : i32 from vector<16xi32>
      %add3A_433 = arith.addi %scan3A_369, %reduce_max3A_432 : i32
      scf.yield %add3A_433 : i32
    }
    %scan3A_219 = arith.constant 400 : i32
    %run_scoped3A_220 = arith.constant 3 : i32
    "tpu.region"() ({
      %run_scoped3A_368 = tpu.sem_alloc : memref<!tpu.dma_semaphore, #tpu.memory_space<semaphore_mem>>
      %dma_start3A_369 = tpu.memref_slice %arg8[%run_scoped3A_220, %mul3A_2] : memref<6x204800xf32, #tpu.memory_space<hbm>> -> memref<1x6400xf32, #tpu.memory_space<hbm>>
      %dma_start3A_370 = tpu.memref_squeeze %dma_start3A_369 : memref<1x6400xf32, #tpu.memory_space<hbm>> -> memref<6400xf32, #tpu.memory_space<hbm>>
      %dma_start3A_371 = tpu.memref_slice %arg8[%run_scoped3A_220, %mul3A_2] : memref<6x204800xf32, #tpu.memory_space<hbm>> -> memref<1x6400xf32, #tpu.memory_space<hbm>>
      %dma_start3A_372 = tpu.memref_squeeze %dma_start3A_371 : memref<1x6400xf32, #tpu.memory_space<hbm>> -> memref<6400xf32, #tpu.memory_space<hbm>>
      tpu.enqueue_dma source(%arg15 : memref<6400xf32, #tpu.memory_space<vmem>>) target(%dma_start3A_372 : memref<6400xf32, #tpu.memory_space<hbm>>) target_semaphore(%run_scoped3A_368 : memref<!tpu.dma_semaphore, #tpu.memory_space<semaphore_mem>>)
      %dma_wait3A_373 = tpu.memref_slice %arg8[%run_scoped3A_220, %mul3A_2] : memref<6x204800xf32, #tpu.memory_space<hbm>> -> memref<1x6400xf32, #tpu.memory_space<hbm>>
      %dma_wait3A_374 = tpu.memref_squeeze %dma_wait3A_373 : memref<1x6400xf32, #tpu.memory_space<hbm>> -> memref<6400xf32, #tpu.memory_space<hbm>>
      %dma_wait3A_375 = tpu.memref_slice %arg8[%run_scoped3A_220, %mul3A_2] : memref<6x204800xf32, #tpu.memory_space<hbm>> -> memref<1x6400xf32, #tpu.memory_space<hbm>>
      %dma_wait3A_376 = tpu.memref_squeeze %dma_wait3A_375 : memref<1x6400xf32, #tpu.memory_space<hbm>> -> memref<6400xf32, #tpu.memory_space<hbm>>
      tpu.wait_dma2 semaphore(%run_scoped3A_368 : memref<!tpu.dma_semaphore, #tpu.memory_space<semaphore_mem>>) src(%arg15 : memref<6400xf32, #tpu.memory_space<vmem>>) dst(%dma_wait3A_376 : memref<6400xf32, #tpu.memory_space<hbm>>)
      tpu.yield
    }) : () -> ()
    %dma_start3A_221 = arith.constant 0 : i32
    %dma_start3A_222 = tpu.memref_slice %arg17[%dma_start3A_221] : memref<528xi32, #tpu.memory_space<vmem>> -> memref<512xi32, #tpu.memory_space<vmem>>
    %dma_start3A_223 = arith.constant 0 : i32
    %dma_start3A_224 = tpu.memref_slice %arg5[%dma_start3A_223] : memref<5529632xi32, #tpu.memory_space<hbm>> -> memref<5529632xi32, #tpu.memory_space<hbm>>
    tpu.enqueue_indirect_dma source(%dma_start3A_224 : memref<5529632xi32, #tpu.memory_space<hbm>>) target(%arg18 : memref<512xi32, #tpu.memory_space<vmem>>) offsets(%dma_start3A_222 : memref<512xi32, #tpu.memory_space<vmem>>) semaphore(%arg20 : memref<!tpu.dma_semaphore, #tpu.memory_space<semaphore_mem>>)
    %dma_wait3A_225 = arith.constant 0 : i32
    %dma_wait3A_226 = tpu.memref_slice %arg17[%dma_wait3A_225] : memref<528xi32, #tpu.memory_space<vmem>> -> memref<512xi32, #tpu.memory_space<vmem>>
    %dma_wait3A_227 = arith.constant 0 : i32
    %dma_wait3A_228 = tpu.memref_slice %arg5[%dma_wait3A_227] : memref<5529632xi32, #tpu.memory_space<hbm>> -> memref<5529632xi32, #tpu.memory_space<hbm>>
    tpu.wait_indirect_dma semaphore(%arg20 : memref<!tpu.dma_semaphore, #tpu.memory_space<semaphore_mem>>) src(%dma_wait3A_228 : memref<5529632xi32, #tpu.memory_space<hbm>>) dst(%arg18 : memref<512xi32, #tpu.memory_space<vmem>>)
    %scan3A_229 = arith.constant 0 : i32
    %scan3A_230 = arith.constant 32 : i32
    %scan3A_231 = arith.addi %scan3A_229, %scan3A_230 : i32
    %scan3A_232 = arith.constant 1 : i32
    scf.for %scan3A_368 = %scan3A_229 to %scan3A_231 step %scan3A_232  : i32 {
      %mul3A_369 = arith.constant 16 : i32
      %mul3A_370 = arith.muli %scan3A_368, %mul3A_369 : i32
      %get3A = arith.index_cast %mul3A_370 : i32 to index
      %get3A_371 = tpu.vector_load %arg18[%get3A] {strides = array<i32>} : memref<512xi32, #tpu.memory_space<vmem>>, vector<16xi32>,
      %jit3A = arith.constant 0 : i32
      %jit3A_372 = arith.constant 199999 : i32
      %max3A = vector.broadcast %jit3A : i32 to vector<16xi32>
      %max3A_373 = arith.maxsi %max3A, %get3A_371 : vector<16xi32>
      %min3A = vector.broadcast %jit3A_372 : i32 to vector<16xi32>
      %min3A_374 = arith.minsi %min3A, %max3A_373 : vector<16xi32>
      %swap3A = arith.index_cast %mul3A_370 : i32 to index
      %swap3A_375 = tpu.vector_load %arg17[%swap3A] {strides = array<i32>} : memref<528xi32, #tpu.memory_space<vmem>>, vector<16xi32>,
      tpu.vector_store %arg17[%swap3A], %min3A_374 {strides = array<i32>} : memref<528xi32, #tpu.memory_space<vmem>>, vector<16xi32>,
      %get3A_376 = arith.index_cast %mul3A_370 : i32 to index
      %get3A_377 = tpu.vector_load %arg16[%get3A_376] {strides = array<i32>} : memref<528xi32, #tpu.memory_space<vmem>>, vector<16xi32>,
      %lt3A = arith.constant 6400 : i32
      %lt3A_378 = vector.broadcast %lt3A : i32 to vector<16xi32>
      %lt3A_379 = arith.cmpi slt, %get3A_377, %lt3A_378 : vector<16xi32>
      %add3A_380 = arith.constant 614400 : i32
      %add3A_381 = arith.addi %add3A_380, %mul3A_2 : i32
      %add3A_382 = vector.broadcast %add3A_381 : i32 to vector<16xi32>
      %add3A_383 = arith.addi %add3A_382, %get3A_377 : vector<16xi32>
      %sub3A = arith.constant 6400 : i32
      %sub3A_384 = vector.broadcast %sub3A : i32 to vector<16xi32>
      %sub3A_385 = arith.subi %get3A_377, %sub3A_384 : vector<16xi32>
      %add3A_386 = arith.constant 814400 : i32
      %add3A_387 = vector.broadcast %add3A_386 : i32 to vector<16xi32>
      %add3A_388 = arith.addi %add3A_387, %sub3A_385 : vector<16xi32>
      %select_n3A = arith.select %lt3A_379, %add3A_383, %add3A_388 : vector<16xi1>, vector<16xi32>
      %swap3A_389 = arith.index_cast %mul3A_370 : i32 to index
      %swap3A_390 = tpu.vector_load %arg18[%swap3A_389] {strides = array<i32>} : memref<512xi32, #tpu.memory_space<vmem>>, vector<16xi32>,
      tpu.vector_store %arg18[%swap3A_389], %select_n3A {strides = array<i32>} : memref<512xi32, #tpu.memory_space<vmem>>, vector<16xi32>,
    }
    %scan3A_233 = arith.constant 32 : i32
    %dma_start3A_234 = arith.constant 0 : i32
    %dma_start3A_235 = tpu.memref_slice %arg17[%dma_start3A_234] : memref<528xi32, #tpu.memory_space<vmem>> -> memref<512xi32, #tpu.memory_space<vmem>>
    %dma_start3A_236 = arith.constant 0 : i32
    %dma_start3A_237 = arith.constant 0 : i32
    %dma_start3A_238 = tpu.memref_slice %arg6[%dma_start3A_236, %dma_start3A_237] : memref<200000x32xf32, #tpu.memory_space<hbm>> -> memref<200000x32xf32, #tpu.memory_space<hbm>>
    tpu.enqueue_indirect_dma source(%dma_start3A_238 : memref<200000x32xf32, #tpu.memory_space<hbm>>) target(%arg19 : memref<512x32xf32, #tpu.memory_space<vmem>>) offsets(%dma_start3A_235 : memref<512xi32, #tpu.memory_space<vmem>>) semaphore(%arg20 : memref<!tpu.dma_semaphore, #tpu.memory_space<semaphore_mem>>)
    %dma_wait3A_239 = arith.constant 0 : i32
    %dma_wait3A_240 = tpu.memref_slice %arg17[%dma_wait3A_239] : memref<528xi32, #tpu.memory_space<vmem>> -> memref<512xi32, #tpu.memory_space<vmem>>
    %dma_wait3A_241 = arith.constant 0 : i32
    %dma_wait3A_242 = arith.constant 0 : i32
    %dma_wait3A_243 = tpu.memref_slice %arg6[%dma_wait3A_241, %dma_wait3A_242] : memref<200000x32xf32, #tpu.memory_space<hbm>> -> memref<200000x32xf32, #tpu.memory_space<hbm>>
    tpu.wait_indirect_dma semaphore(%arg20 : memref<!tpu.dma_semaphore, #tpu.memory_space<semaphore_mem>>) src(%dma_wait3A_243 : memref<200000x32xf32, #tpu.memory_space<hbm>>) dst(%arg19 : memref<512x32xf32, #tpu.memory_space<vmem>>)
    %dma_start3A_244 = arith.constant 0 : i32
    %dma_start3A_245 = arith.constant 0 : i32
    %dma_start3A_246 = tpu.memref_slice %arg7[%dma_start3A_244, %dma_start3A_245] : memref<1228800x32xf32, #tpu.memory_space<hbm>> -> memref<1228800x32xf32, #tpu.memory_space<hbm>>
    tpu.enqueue_indirect_dma source(%arg19 : memref<512x32xf32, #tpu.memory_space<vmem>>) target(%dma_start3A_246 : memref<1228800x32xf32, #tpu.memory_space<hbm>>) offsets(%arg18 : memref<512xi32, #tpu.memory_space<vmem>>) semaphore(%arg20 : memref<!tpu.dma_semaphore, #tpu.memory_space<semaphore_mem>>)
    %dma_wait3A_247 = arith.constant 0 : i32
    %dma_wait3A_248 = arith.constant 0 : i32
    %dma_wait3A_249 = tpu.memref_slice %arg7[%dma_wait3A_247, %dma_wait3A_248] : memref<1228800x32xf32, #tpu.memory_space<hbm>> -> memref<1228800x32xf32, #tpu.memory_space<hbm>>
    tpu.wait_indirect_dma semaphore(%arg20 : memref<!tpu.dma_semaphore, #tpu.memory_space<semaphore_mem>>) src(%arg19 : memref<512x32xf32, #tpu.memory_space<vmem>>) dst(%dma_wait3A_249 : memref<1228800x32xf32, #tpu.memory_space<hbm>>)
    %scan3A_250 = arith.constant 0 : i32
    %scan3A_251 = arith.constant 400 : i32
    %scan3A_252 = arith.addi %scan3A_250, %scan3A_251 : i32
    %scan3A_253 = arith.constant 1 : i32
    scf.for %scan3A_368 = %scan3A_250 to %scan3A_252 step %scan3A_253  : i32 {
      %mul3A_369 = arith.constant 16 : i32
      %mul3A_370 = arith.muli %scan3A_368, %mul3A_369 : i32
      %get3A = arith.index_cast %mul3A_370 : i32 to index
      %get3A_371 = tpu.vector_load %arg10[%get3A] {strides = array<i32>} : memref<12800xi32, #tpu.memory_space<vmem>>, vector<16xi32>,
      %mul3A_372 = arith.constant 360 : i32
      %mul3A_373 = vector.broadcast %mul3A_372 : i32 to vector<16xi32>
      %mul3A_374 = arith.muli %get3A_371, %mul3A_373 : vector<16xi32>
      %get3A_375 = arith.index_cast %mul3A_370 : i32 to index
      %get3A_376 = tpu.vector_load %arg11[%get3A_375] {strides = array<i32>} : memref<12800xi32, #tpu.memory_space<vmem>>, vector<16xi32>,
      %add3A_377 = arith.addi %mul3A_374, %get3A_376 : vector<16xi32>
      %add3A_378 = arith.constant 0 : i32
      %add3A_379 = vector.broadcast %add3A_378 : i32 to vector<16xi32>
      %add3A_380 = arith.addi %add3A_377, %add3A_379 : vector<16xi32>
      %jit3A = arith.constant 0 : i32
      %jit3A_381 = arith.constant 172799 : i32
      %max3A = vector.broadcast %jit3A : i32 to vector<16xi32>
      %max3A_382 = arith.maxsi %max3A, %add3A_380 : vector<16xi32>
      %min3A = vector.broadcast %jit3A_381 : i32 to vector<16xi32>
      %min3A_383 = arith.minsi %min3A, %max3A_382 : vector<16xi32>
      %swap3A = arith.index_cast %mul3A_370 : i32 to index
      %swap3A_384 = tpu.vector_load %arg13[%swap3A] {strides = array<i32>} : memref<12800xi32, #tpu.memory_space<vmem>>, vector<16xi32>,
      tpu.vector_store %arg13[%swap3A], %min3A_383 {strides = array<i32>} : memref<12800xi32, #tpu.memory_space<vmem>>, vector<16xi32>,
    }
    %scan3A_254 = arith.constant 400 : i32
    %dma_start3A_255 = arith.constant 0 : i32
    %dma_start3A_256 = tpu.memref_slice %arg14[%dma_start3A_255] : memref<12800xi32, #tpu.memory_space<vmem>> -> memref<6400xi32, #tpu.memory_space<vmem>>
    %dma_start3A_257 = arith.constant 0 : i32
    %dma_start3A_258 = tpu.memref_slice %arg13[%dma_start3A_257] : memref<12800xi32, #tpu.memory_space<vmem>> -> memref<6400xi32, #tpu.memory_space<vmem>>
    %dma_start3A_259 = arith.constant 0 : i32
    %dma_start3A_260 = tpu.memref_slice %arg9[%dma_start3A_259] : memref<173056xi32, #tpu.memory_space<vmem_shared>> -> memref<173056xi32, #tpu.memory_space<vmem_shared>>
    tpu.enqueue_indirect_dma source(%dma_start3A_260 : memref<173056xi32, #tpu.memory_space<vmem_shared>>) target(%dma_start3A_256 : memref<6400xi32, #tpu.memory_space<vmem>>) offsets(%dma_start3A_258 : memref<6400xi32, #tpu.memory_space<vmem>>) semaphore(%arg20 : memref<!tpu.dma_semaphore, #tpu.memory_space<semaphore_mem>>)
    %dma_wait3A_261 = arith.constant 0 : i32
    %dma_wait3A_262 = tpu.memref_slice %arg14[%dma_wait3A_261] : memref<12800xi32, #tpu.memory_space<vmem>> -> memref<6400xi32, #tpu.memory_space<vmem>>
    %dma_wait3A_263 = arith.constant 0 : i32
    %dma_wait3A_264 = tpu.memref_slice %arg13[%dma_wait3A_263] : memref<12800xi32, #tpu.memory_space<vmem>> -> memref<6400xi32, #tpu.memory_space<vmem>>
    %dma_wait3A_265 = arith.constant 0 : i32
    %dma_wait3A_266 = tpu.memref_slice %arg9[%dma_wait3A_265] : memref<173056xi32, #tpu.memory_space<vmem_shared>> -> memref<173056xi32, #tpu.memory_space<vmem_shared>>
    tpu.wait_indirect_dma semaphore(%arg20 : memref<!tpu.dma_semaphore, #tpu.memory_space<semaphore_mem>>) src(%dma_wait3A_266 : memref<173056xi32, #tpu.memory_space<vmem_shared>>) dst(%dma_wait3A_262 : memref<6400xi32, #tpu.memory_space<vmem>>)
    %scan3A_267 = arith.constant 0 : i32
    %scan3A_268 = arith.constant 33 : i32
    %scan3A_269 = arith.addi %scan3A_267, %scan3A_268 : i32
    %scan3A_270 = arith.constant 1 : i32
    scf.for %scan3A_368 = %scan3A_267 to %scan3A_269 step %scan3A_270  : i32 {
      %mul3A_369 = arith.constant 16 : i32
      %mul3A_370 = arith.muli %scan3A_368, %mul3A_369 : i32
      %mul3A_371 = arith.constant 16 : i32
      %mul3A_372 = arith.muli %scan3A_368, %mul3A_371 : i32
      %add3A_373 = arith.constant 6400 : i32
      %add3A_374 = arith.addi %add3A_373, %mul3A_372 : i32
      %add3A_375 = vector.broadcast %add3A_374 : i32 to vector<16xi32>
      %add3A_376 = arith.addi %add3A_375, %iota3A : vector<16xi32>
      %swap3A = arith.index_cast %mul3A_370 : i32 to index
      %swap3A_377 = tpu.vector_load %arg16[%swap3A] {strides = array<i32>} : memref<528xi32, #tpu.memory_space<vmem>>, vector<16xi32>,
      tpu.vector_store %arg16[%swap3A], %add3A_376 {strides = array<i32>} : memref<528xi32, #tpu.memory_space<vmem>>, vector<16xi32>,
      %broadcast_in_dim3A = arith.constant 0 : i32
      %broadcast_in_dim3A_378 = vector.broadcast %broadcast_in_dim3A : i32 to vector<16xi32>
      %swap3A_379 = arith.index_cast %mul3A_370 : i32 to index
      %swap3A_380 = tpu.vector_load %arg17[%swap3A_379] {strides = array<i32>} : memref<528xi32, #tpu.memory_space<vmem>>, vector<16xi32>,
      tpu.vector_store %arg17[%swap3A_379], %broadcast_in_dim3A_378 {strides = array<i32>} : memref<528xi32, #tpu.memory_space<vmem>>, vector<16xi32>,
    }
    %scan3A_271 = arith.constant 33 : i32
    %scan3A_272 = arith.constant 0 : i32
    %scan3A_273 = arith.constant 0 : i32
    %scan3A_274 = arith.constant 400 : i32
    %scan3A_275 = arith.addi %scan3A_273, %scan3A_274 : i32
    %scan3A_276 = arith.constant 1 : i32
    %scan3A_277 = scf.for %scan3A_368 = %scan3A_273 to %scan3A_275 step %scan3A_276 iter_args(%scan3A_369 = %scan3A_272) -> (i32)  : i32 {
      %mul3A_370 = arith.constant 16 : i32
      %mul3A_371 = arith.muli %scan3A_368, %mul3A_370 : i32
      %get3A = arith.index_cast %mul3A_371 : i32 to index
      %get3A_372 = tpu.vector_load %arg12[%get3A] {strides = array<i32>} : memref<12800xi32, #tpu.memory_space<vmem>>, vector<16xi32>,
      %add3A_373 = arith.constant -1 : i32
      %add3A_374 = vector.broadcast %add3A_373 : i32 to vector<16xi32>
      %add3A_375 = arith.addi %get3A_372, %add3A_374 : vector<16xi32>
      %ge3A = arith.constant 0 : i32
      %ge3A_376 = vector.broadcast %ge3A : i32 to vector<16xi32>
      %ge3A_377 = arith.cmpi sge, %add3A_375, %ge3A_376 : vector<16xi32>
      %lt3A = arith.constant 32 : i32
      %lt3A_378 = vector.broadcast %lt3A : i32 to vector<16xi32>
      %lt3A_379 = arith.cmpi slt, %add3A_375, %lt3A_378 : vector<16xi32>
      %and3A = arith.andi %ge3A_377, %lt3A_379 : vector<16xi1>
      %add3A_380 = arith.addi %mul3A_2, %mul3A_371 : i32
      %add3A_381 = vector.broadcast %add3A_380 : i32 to vector<16xi32>
      %add3A_382 = arith.addi %add3A_381, %iota3A : vector<16xi32>
      %lt3A_383 = arith.constant 200000 : i32
      %lt3A_384 = vector.broadcast %lt3A_383 : i32 to vector<16xi32>
      %lt3A_385 = arith.cmpi slt, %add3A_382, %lt3A_384 : vector<16xi32>
      %get3A_386 = arith.index_cast %mul3A_371 : i32 to index
      %get3A_387 = tpu.vector_load %arg12[%get3A_386] {strides = array<i32>} : memref<12800xi32, #tpu.memory_space<vmem>>, vector<16xi32>,
      %add3A_388 = arith.constant -1 : i32
      %add3A_389 = vector.broadcast %add3A_388 : i32 to vector<16xi32>
      %add3A_390 = arith.addi %get3A_387, %add3A_389 : vector<16xi32>
      %jit3A = arith.constant 0 : i32
      %jit3A_391 = arith.constant 31 : i32
      %max3A = vector.broadcast %jit3A : i32 to vector<16xi32>
      %max3A_392 = arith.maxsi %max3A, %add3A_390 : vector<16xi32>
      %min3A = vector.broadcast %jit3A_391 : i32 to vector<16xi32>
      %min3A_393 = arith.minsi %min3A, %max3A_392 : vector<16xi32>
      %get3A_394 = arith.index_cast %mul3A_371 : i32 to index
      %get3A_395 = tpu.vector_load %arg14[%get3A_394] {strides = array<i32>} : memref<12800xi32, #tpu.memory_space<vmem>>, vector<16xi32>,
      %shift_right_arithmetic3A = arith.shrsi %get3A_395, %min3A_393 : vector<16xi32>
      %and3A_396 = arith.constant 1 : i32
      %and3A_397 = vector.broadcast %and3A_396 : i32 to vector<16xi32>
      %and3A_398 = arith.andi %shift_right_arithmetic3A, %and3A_397 : vector<16xi32>
      %eq3A = arith.constant 1 : i32
      %eq3A_399 = vector.broadcast %eq3A : i32 to vector<16xi32>
      %eq3A_400 = arith.cmpi eq, %and3A_398, %eq3A_399 : vector<16xi32>
      %and3A_401 = arith.andi %eq3A_400, %and3A : vector<16xi1>
      %and3A_402 = arith.andi %and3A_401, %lt3A_385 : vector<16xi1>
      %convert_element_type3A = arith.extui %and3A_402 : vector<16xi1> to vector<16xi32>
      %convert_element_type3A_403 = arith.sitofp %convert_element_type3A : vector<16xi32> to vector<16xf32>
      %swap3A = arith.index_cast %mul3A_371 : i32 to index
      %swap3A_404 = tpu.vector_load %arg15[%swap3A] {strides = array<i32>} : memref<6400xf32, #tpu.memory_space<vmem>>, vector<16xf32>,
      tpu.vector_store %arg15[%swap3A], %convert_element_type3A_403 {strides = array<i32>} : memref<6400xf32, #tpu.memory_space<vmem>>, vector<16xf32>,
      %get3A_405 = arith.index_cast %mul3A_371 : i32 to index
      %get3A_406 = tpu.vector_load %arg10[%get3A_405] {strides = array<i32>} : memref<12800xi32, #tpu.memory_space<vmem>>, vector<16xi32>,
      %mul3A_407 = arith.constant 360 : i32
      %mul3A_408 = vector.broadcast %mul3A_407 : i32 to vector<16xi32>
      %mul3A_409 = arith.muli %get3A_406, %mul3A_408 : vector<16xi32>
      %get3A_410 = arith.index_cast %mul3A_371 : i32 to index
      %get3A_411 = tpu.vector_load %arg11[%get3A_410] {strides = array<i32>} : memref<12800xi32, #tpu.memory_space<vmem>>, vector<16xi32>,
      %add3A_412 = arith.addi %mul3A_409, %get3A_411 : vector<16xi32>
      %add3A_413 = arith.constant 0 : i32
      %add3A_414 = vector.broadcast %add3A_413 : i32 to vector<16xi32>
      %add3A_415 = arith.addi %add3A_412, %add3A_414 : vector<16xi32>
      %mul3A_416 = arith.constant 32 : i32
      %mul3A_417 = vector.broadcast %mul3A_416 : i32 to vector<16xi32>
      %mul3A_418 = arith.muli %add3A_415, %mul3A_417 : vector<16xi32>
      %add3A_419 = arith.addi %mul3A_418, %min3A_393 : vector<16xi32>
      %add3A_420 = vector.broadcast %mul3A_371 : i32 to vector<16xi32>
      %add3A_421 = arith.addi %add3A_420, %iota3A : vector<16xi32>
      %swap3A_422 = arith.index_cast %scan3A_369 : i32 to index
      %swap3A_423 = tpu.vector_load %arg16[%swap3A_422] masked %and3A_402 {strides = array<i32>} : memref<528xi32, #tpu.memory_space<vmem>>, vector<16xi32>, vector<16xi1>
      tpu.vector_store %arg16[%swap3A_422], %add3A_421 masked %and3A_402 {strides = array<i32>} : memref<528xi32, #tpu.memory_space<vmem>>, vector<16xi32>, vector<16xi1>
      %swap3A_424 = arith.index_cast %scan3A_369 : i32 to index
      %swap3A_425 = tpu.vector_load %arg17[%swap3A_424] masked %and3A_402 {strides = array<i32>} : memref<528xi32, #tpu.memory_space<vmem>>, vector<16xi32>, vector<16xi1>
      tpu.vector_store %arg17[%swap3A_424], %add3A_419 masked %and3A_402 {strides = array<i32>} : memref<528xi32, #tpu.memory_space<vmem>>, vector<16xi32>, vector<16xi1>
      %all_reduce_population_count3A = tpu.all_reduce %and3A_402 {dim = 0 : i64, kind = #tpu.reduction_kind<sum>} : vector<16xi1> -> vector<16xi32>
      %reduce_max3A = arith.constant true
      %reduce_max3A_426 = vector.broadcast %reduce_max3A : i1 to vector<16xi1>
      %reduce_max3A_427 = arith.constant -2147483648 : i32
      %reduce_max3A_428 = vector.broadcast %reduce_max3A_427 : i32 to vector<16xi32>
      %reduce_max3A_429 = arith.xori %all_reduce_population_count3A, %reduce_max3A_428 : vector<16xi32>
      %reduce_max3A_430 = tpu.scan <max>, %reduce_max3A_429 masked %reduce_max3A_426 : vector<16xi32>, vector<16xi1> -> vector<16xi32>
      %reduce_max3A_431 = arith.xori %reduce_max3A_430, %reduce_max3A_428 : vector<16xi32>
      %reduce_max3A_432 = vector.extract %reduce_max3A_431[15] : i32 from vector<16xi32>
      %add3A_433 = arith.addi %scan3A_369, %reduce_max3A_432 : i32
      scf.yield %add3A_433 : i32
    }
    %scan3A_278 = arith.constant 400 : i32
    %run_scoped3A_279 = arith.constant 4 : i32
    "tpu.region"() ({
      %run_scoped3A_368 = tpu.sem_alloc : memref<!tpu.dma_semaphore, #tpu.memory_space<semaphore_mem>>
      %dma_start3A_369 = tpu.memref_slice %arg8[%run_scoped3A_279, %mul3A_2] : memref<6x204800xf32, #tpu.memory_space<hbm>> -> memref<1x6400xf32, #tpu.memory_space<hbm>>
      %dma_start3A_370 = tpu.memref_squeeze %dma_start3A_369 : memref<1x6400xf32, #tpu.memory_space<hbm>> -> memref<6400xf32, #tpu.memory_space<hbm>>
      %dma_start3A_371 = tpu.memref_slice %arg8[%run_scoped3A_279, %mul3A_2] : memref<6x204800xf32, #tpu.memory_space<hbm>> -> memref<1x6400xf32, #tpu.memory_space<hbm>>
      %dma_start3A_372 = tpu.memref_squeeze %dma_start3A_371 : memref<1x6400xf32, #tpu.memory_space<hbm>> -> memref<6400xf32, #tpu.memory_space<hbm>>
      tpu.enqueue_dma source(%arg15 : memref<6400xf32, #tpu.memory_space<vmem>>) target(%dma_start3A_372 : memref<6400xf32, #tpu.memory_space<hbm>>) target_semaphore(%run_scoped3A_368 : memref<!tpu.dma_semaphore, #tpu.memory_space<semaphore_mem>>)
      %dma_wait3A_373 = tpu.memref_slice %arg8[%run_scoped3A_279, %mul3A_2] : memref<6x204800xf32, #tpu.memory_space<hbm>> -> memref<1x6400xf32, #tpu.memory_space<hbm>>
      %dma_wait3A_374 = tpu.memref_squeeze %dma_wait3A_373 : memref<1x6400xf32, #tpu.memory_space<hbm>> -> memref<6400xf32, #tpu.memory_space<hbm>>
      %dma_wait3A_375 = tpu.memref_slice %arg8[%run_scoped3A_279, %mul3A_2] : memref<6x204800xf32, #tpu.memory_space<hbm>> -> memref<1x6400xf32, #tpu.memory_space<hbm>>
      %dma_wait3A_376 = tpu.memref_squeeze %dma_wait3A_375 : memref<1x6400xf32, #tpu.memory_space<hbm>> -> memref<6400xf32, #tpu.memory_space<hbm>>
      tpu.wait_dma2 semaphore(%run_scoped3A_368 : memref<!tpu.dma_semaphore, #tpu.memory_space<semaphore_mem>>) src(%arg15 : memref<6400xf32, #tpu.memory_space<vmem>>) dst(%dma_wait3A_376 : memref<6400xf32, #tpu.memory_space<hbm>>)
      tpu.yield
    }) : () -> ()
    %dma_start3A_280 = arith.constant 0 : i32
    %dma_start3A_281 = tpu.memref_slice %arg17[%dma_start3A_280] : memref<528xi32, #tpu.memory_space<vmem>> -> memref<512xi32, #tpu.memory_space<vmem>>
    %dma_start3A_282 = arith.constant 0 : i32
    %dma_start3A_283 = tpu.memref_slice %arg5[%dma_start3A_282] : memref<5529632xi32, #tpu.memory_space<hbm>> -> memref<5529632xi32, #tpu.memory_space<hbm>>
    tpu.enqueue_indirect_dma source(%dma_start3A_283 : memref<5529632xi32, #tpu.memory_space<hbm>>) target(%arg18 : memref<512xi32, #tpu.memory_space<vmem>>) offsets(%dma_start3A_281 : memref<512xi32, #tpu.memory_space<vmem>>) semaphore(%arg20 : memref<!tpu.dma_semaphore, #tpu.memory_space<semaphore_mem>>)
    %dma_wait3A_284 = arith.constant 0 : i32
    %dma_wait3A_285 = tpu.memref_slice %arg17[%dma_wait3A_284] : memref<528xi32, #tpu.memory_space<vmem>> -> memref<512xi32, #tpu.memory_space<vmem>>
    %dma_wait3A_286 = arith.constant 0 : i32
    %dma_wait3A_287 = tpu.memref_slice %arg5[%dma_wait3A_286] : memref<5529632xi32, #tpu.memory_space<hbm>> -> memref<5529632xi32, #tpu.memory_space<hbm>>
    tpu.wait_indirect_dma semaphore(%arg20 : memref<!tpu.dma_semaphore, #tpu.memory_space<semaphore_mem>>) src(%dma_wait3A_287 : memref<5529632xi32, #tpu.memory_space<hbm>>) dst(%arg18 : memref<512xi32, #tpu.memory_space<vmem>>)
    %scan3A_288 = arith.constant 0 : i32
    %scan3A_289 = arith.constant 32 : i32
    %scan3A_290 = arith.addi %scan3A_288, %scan3A_289 : i32
    %scan3A_291 = arith.constant 1 : i32
    scf.for %scan3A_368 = %scan3A_288 to %scan3A_290 step %scan3A_291  : i32 {
      %mul3A_369 = arith.constant 16 : i32
      %mul3A_370 = arith.muli %scan3A_368, %mul3A_369 : i32
      %get3A = arith.index_cast %mul3A_370 : i32 to index
      %get3A_371 = tpu.vector_load %arg18[%get3A] {strides = array<i32>} : memref<512xi32, #tpu.memory_space<vmem>>, vector<16xi32>,
      %jit3A = arith.constant 0 : i32
      %jit3A_372 = arith.constant 199999 : i32
      %max3A = vector.broadcast %jit3A : i32 to vector<16xi32>
      %max3A_373 = arith.maxsi %max3A, %get3A_371 : vector<16xi32>
      %min3A = vector.broadcast %jit3A_372 : i32 to vector<16xi32>
      %min3A_374 = arith.minsi %min3A, %max3A_373 : vector<16xi32>
      %swap3A = arith.index_cast %mul3A_370 : i32 to index
      %swap3A_375 = tpu.vector_load %arg17[%swap3A] {strides = array<i32>} : memref<528xi32, #tpu.memory_space<vmem>>, vector<16xi32>,
      tpu.vector_store %arg17[%swap3A], %min3A_374 {strides = array<i32>} : memref<528xi32, #tpu.memory_space<vmem>>, vector<16xi32>,
      %get3A_376 = arith.index_cast %mul3A_370 : i32 to index
      %get3A_377 = tpu.vector_load %arg16[%get3A_376] {strides = array<i32>} : memref<528xi32, #tpu.memory_space<vmem>>, vector<16xi32>,
      %lt3A = arith.constant 6400 : i32
      %lt3A_378 = vector.broadcast %lt3A : i32 to vector<16xi32>
      %lt3A_379 = arith.cmpi slt, %get3A_377, %lt3A_378 : vector<16xi32>
      %add3A_380 = arith.constant 819200 : i32
      %add3A_381 = arith.addi %add3A_380, %mul3A_2 : i32
      %add3A_382 = vector.broadcast %add3A_381 : i32 to vector<16xi32>
      %add3A_383 = arith.addi %add3A_382, %get3A_377 : vector<16xi32>
      %sub3A = arith.constant 6400 : i32
      %sub3A_384 = vector.broadcast %sub3A : i32 to vector<16xi32>
      %sub3A_385 = arith.subi %get3A_377, %sub3A_384 : vector<16xi32>
      %add3A_386 = arith.constant 1019200 : i32
      %add3A_387 = vector.broadcast %add3A_386 : i32 to vector<16xi32>
      %add3A_388 = arith.addi %add3A_387, %sub3A_385 : vector<16xi32>
      %select_n3A = arith.select %lt3A_379, %add3A_383, %add3A_388 : vector<16xi1>, vector<16xi32>
      %swap3A_389 = arith.index_cast %mul3A_370 : i32 to index
      %swap3A_390 = tpu.vector_load %arg18[%swap3A_389] {strides = array<i32>} : memref<512xi32, #tpu.memory_space<vmem>>, vector<16xi32>,
      tpu.vector_store %arg18[%swap3A_389], %select_n3A {strides = array<i32>} : memref<512xi32, #tpu.memory_space<vmem>>, vector<16xi32>,
    }
    %scan3A_292 = arith.constant 32 : i32
    %dma_start3A_293 = arith.constant 0 : i32
    %dma_start3A_294 = tpu.memref_slice %arg17[%dma_start3A_293] : memref<528xi32, #tpu.memory_space<vmem>> -> memref<512xi32, #tpu.memory_space<vmem>>
    %dma_start3A_295 = arith.constant 0 : i32
    %dma_start3A_296 = arith.constant 0 : i32
    %dma_start3A_297 = tpu.memref_slice %arg6[%dma_start3A_295, %dma_start3A_296] : memref<200000x32xf32, #tpu.memory_space<hbm>> -> memref<200000x32xf32, #tpu.memory_space<hbm>>
    tpu.enqueue_indirect_dma source(%dma_start3A_297 : memref<200000x32xf32, #tpu.memory_space<hbm>>) target(%arg19 : memref<512x32xf32, #tpu.memory_space<vmem>>) offsets(%dma_start3A_294 : memref<512xi32, #tpu.memory_space<vmem>>) semaphore(%arg20 : memref<!tpu.dma_semaphore, #tpu.memory_space<semaphore_mem>>)
    %dma_wait3A_298 = arith.constant 0 : i32
    %dma_wait3A_299 = tpu.memref_slice %arg17[%dma_wait3A_298] : memref<528xi32, #tpu.memory_space<vmem>> -> memref<512xi32, #tpu.memory_space<vmem>>
    %dma_wait3A_300 = arith.constant 0 : i32
    %dma_wait3A_301 = arith.constant 0 : i32
    %dma_wait3A_302 = tpu.memref_slice %arg6[%dma_wait3A_300, %dma_wait3A_301] : memref<200000x32xf32, #tpu.memory_space<hbm>> -> memref<200000x32xf32, #tpu.memory_space<hbm>>
    tpu.wait_indirect_dma semaphore(%arg20 : memref<!tpu.dma_semaphore, #tpu.memory_space<semaphore_mem>>) src(%dma_wait3A_302 : memref<200000x32xf32, #tpu.memory_space<hbm>>) dst(%arg19 : memref<512x32xf32, #tpu.memory_space<vmem>>)
    %dma_start3A_303 = arith.constant 0 : i32
    %dma_start3A_304 = arith.constant 0 : i32
    %dma_start3A_305 = tpu.memref_slice %arg7[%dma_start3A_303, %dma_start3A_304] : memref<1228800x32xf32, #tpu.memory_space<hbm>> -> memref<1228800x32xf32, #tpu.memory_space<hbm>>
    tpu.enqueue_indirect_dma source(%arg19 : memref<512x32xf32, #tpu.memory_space<vmem>>) target(%dma_start3A_305 : memref<1228800x32xf32, #tpu.memory_space<hbm>>) offsets(%arg18 : memref<512xi32, #tpu.memory_space<vmem>>) semaphore(%arg20 : memref<!tpu.dma_semaphore, #tpu.memory_space<semaphore_mem>>)
    %dma_wait3A_306 = arith.constant 0 : i32
    %dma_wait3A_307 = arith.constant 0 : i32
    %dma_wait3A_308 = tpu.memref_slice %arg7[%dma_wait3A_306, %dma_wait3A_307] : memref<1228800x32xf32, #tpu.memory_space<hbm>> -> memref<1228800x32xf32, #tpu.memory_space<hbm>>
    tpu.wait_indirect_dma semaphore(%arg20 : memref<!tpu.dma_semaphore, #tpu.memory_space<semaphore_mem>>) src(%arg19 : memref<512x32xf32, #tpu.memory_space<vmem>>) dst(%dma_wait3A_308 : memref<1228800x32xf32, #tpu.memory_space<hbm>>)
    %scan3A_309 = arith.constant 0 : i32
    %scan3A_310 = arith.constant 400 : i32
    %scan3A_311 = arith.addi %scan3A_309, %scan3A_310 : i32
    %scan3A_312 = arith.constant 1 : i32
    scf.for %scan3A_368 = %scan3A_309 to %scan3A_311 step %scan3A_312  : i32 {
      %mul3A_369 = arith.constant 16 : i32
      %mul3A_370 = arith.muli %scan3A_368, %mul3A_369 : i32
      %get3A = arith.index_cast %mul3A_370 : i32 to index
      %get3A_371 = tpu.vector_load %arg10[%get3A] {strides = array<i32>} : memref<12800xi32, #tpu.memory_space<vmem>>, vector<16xi32>,
      %mul3A_372 = arith.constant 360 : i32
      %mul3A_373 = vector.broadcast %mul3A_372 : i32 to vector<16xi32>
      %mul3A_374 = arith.muli %get3A_371, %mul3A_373 : vector<16xi32>
      %get3A_375 = arith.index_cast %mul3A_370 : i32 to index
      %get3A_376 = tpu.vector_load %arg11[%get3A_375] {strides = array<i32>} : memref<12800xi32, #tpu.memory_space<vmem>>, vector<16xi32>,
      %add3A_377 = arith.addi %mul3A_374, %get3A_376 : vector<16xi32>
      %add3A_378 = arith.constant 0 : i32
      %add3A_379 = vector.broadcast %add3A_378 : i32 to vector<16xi32>
      %add3A_380 = arith.addi %add3A_377, %add3A_379 : vector<16xi32>
      %jit3A = arith.constant 0 : i32
      %jit3A_381 = arith.constant 172799 : i32
      %max3A = vector.broadcast %jit3A : i32 to vector<16xi32>
      %max3A_382 = arith.maxsi %max3A, %add3A_380 : vector<16xi32>
      %min3A = vector.broadcast %jit3A_381 : i32 to vector<16xi32>
      %min3A_383 = arith.minsi %min3A, %max3A_382 : vector<16xi32>
      %swap3A = arith.index_cast %mul3A_370 : i32 to index
      %swap3A_384 = tpu.vector_load %arg13[%swap3A] {strides = array<i32>} : memref<12800xi32, #tpu.memory_space<vmem>>, vector<16xi32>,
      tpu.vector_store %arg13[%swap3A], %min3A_383 {strides = array<i32>} : memref<12800xi32, #tpu.memory_space<vmem>>, vector<16xi32>,
    }
    %scan3A_313 = arith.constant 400 : i32
    %dma_start3A_314 = arith.constant 0 : i32
    %dma_start3A_315 = tpu.memref_slice %arg14[%dma_start3A_314] : memref<12800xi32, #tpu.memory_space<vmem>> -> memref<6400xi32, #tpu.memory_space<vmem>>
    %dma_start3A_316 = arith.constant 0 : i32
    %dma_start3A_317 = tpu.memref_slice %arg13[%dma_start3A_316] : memref<12800xi32, #tpu.memory_space<vmem>> -> memref<6400xi32, #tpu.memory_space<vmem>>
    %dma_start3A_318 = arith.constant 0 : i32
    %dma_start3A_319 = tpu.memref_slice %arg9[%dma_start3A_318] : memref<173056xi32, #tpu.memory_space<vmem_shared>> -> memref<173056xi32, #tpu.memory_space<vmem_shared>>
    tpu.enqueue_indirect_dma source(%dma_start3A_319 : memref<173056xi32, #tpu.memory_space<vmem_shared>>) target(%dma_start3A_315 : memref<6400xi32, #tpu.memory_space<vmem>>) offsets(%dma_start3A_317 : memref<6400xi32, #tpu.memory_space<vmem>>) semaphore(%arg20 : memref<!tpu.dma_semaphore, #tpu.memory_space<semaphore_mem>>)
    %dma_wait3A_320 = arith.constant 0 : i32
    %dma_wait3A_321 = tpu.memref_slice %arg14[%dma_wait3A_320] : memref<12800xi32, #tpu.memory_space<vmem>> -> memref<6400xi32, #tpu.memory_space<vmem>>
    %dma_wait3A_322 = arith.constant 0 : i32
    %dma_wait3A_323 = tpu.memref_slice %arg13[%dma_wait3A_322] : memref<12800xi32, #tpu.memory_space<vmem>> -> memref<6400xi32, #tpu.memory_space<vmem>>
    %dma_wait3A_324 = arith.constant 0 : i32
    %dma_wait3A_325 = tpu.memref_slice %arg9[%dma_wait3A_324] : memref<173056xi32, #tpu.memory_space<vmem_shared>> -> memref<173056xi32, #tpu.memory_space<vmem_shared>>
    tpu.wait_indirect_dma semaphore(%arg20 : memref<!tpu.dma_semaphore, #tpu.memory_space<semaphore_mem>>) src(%dma_wait3A_325 : memref<173056xi32, #tpu.memory_space<vmem_shared>>) dst(%dma_wait3A_321 : memref<6400xi32, #tpu.memory_space<vmem>>)
    %scan3A_326 = arith.constant 0 : i32
    %scan3A_327 = arith.constant 33 : i32
    %scan3A_328 = arith.addi %scan3A_326, %scan3A_327 : i32
    %scan3A_329 = arith.constant 1 : i32
    scf.for %scan3A_368 = %scan3A_326 to %scan3A_328 step %scan3A_329  : i32 {
      %mul3A_369 = arith.constant 16 : i32
      %mul3A_370 = arith.muli %scan3A_368, %mul3A_369 : i32
      %mul3A_371 = arith.constant 16 : i32
      %mul3A_372 = arith.muli %scan3A_368, %mul3A_371 : i32
      %add3A_373 = arith.constant 6400 : i32
      %add3A_374 = arith.addi %add3A_373, %mul3A_372 : i32
      %add3A_375 = vector.broadcast %add3A_374 : i32 to vector<16xi32>
      %add3A_376 = arith.addi %add3A_375, %iota3A : vector<16xi32>
      %swap3A = arith.index_cast %mul3A_370 : i32 to index
      %swap3A_377 = tpu.vector_load %arg16[%swap3A] {strides = array<i32>} : memref<528xi32, #tpu.memory_space<vmem>>, vector<16xi32>,
      tpu.vector_store %arg16[%swap3A], %add3A_376 {strides = array<i32>} : memref<528xi32, #tpu.memory_space<vmem>>, vector<16xi32>,
      %broadcast_in_dim3A = arith.constant 0 : i32
      %broadcast_in_dim3A_378 = vector.broadcast %broadcast_in_dim3A : i32 to vector<16xi32>
      %swap3A_379 = arith.index_cast %mul3A_370 : i32 to index
      %swap3A_380 = tpu.vector_load %arg17[%swap3A_379] {strides = array<i32>} : memref<528xi32, #tpu.memory_space<vmem>>, vector<16xi32>,
      tpu.vector_store %arg17[%swap3A_379], %broadcast_in_dim3A_378 {strides = array<i32>} : memref<528xi32, #tpu.memory_space<vmem>>, vector<16xi32>,
    }
    %scan3A_330 = arith.constant 33 : i32
    %scan3A_331 = arith.constant 0 : i32
    %scan3A_332 = arith.constant 0 : i32
    %scan3A_333 = arith.constant 400 : i32
    %scan3A_334 = arith.addi %scan3A_332, %scan3A_333 : i32
    %scan3A_335 = arith.constant 1 : i32
    %scan3A_336 = scf.for %scan3A_368 = %scan3A_332 to %scan3A_334 step %scan3A_335 iter_args(%scan3A_369 = %scan3A_331) -> (i32)  : i32 {
      %mul3A_370 = arith.constant 16 : i32
      %mul3A_371 = arith.muli %scan3A_368, %mul3A_370 : i32
      %get3A = arith.index_cast %mul3A_371 : i32 to index
      %get3A_372 = tpu.vector_load %arg12[%get3A] {strides = array<i32>} : memref<12800xi32, #tpu.memory_space<vmem>>, vector<16xi32>,
      %add3A_373 = arith.constant 1 : i32
      %add3A_374 = vector.broadcast %add3A_373 : i32 to vector<16xi32>
      %add3A_375 = arith.addi %get3A_372, %add3A_374 : vector<16xi32>
      %ge3A = arith.constant 0 : i32
      %ge3A_376 = vector.broadcast %ge3A : i32 to vector<16xi32>
      %ge3A_377 = arith.cmpi sge, %add3A_375, %ge3A_376 : vector<16xi32>
      %lt3A = arith.constant 32 : i32
      %lt3A_378 = vector.broadcast %lt3A : i32 to vector<16xi32>
      %lt3A_379 = arith.cmpi slt, %add3A_375, %lt3A_378 : vector<16xi32>
      %and3A = arith.andi %ge3A_377, %lt3A_379 : vector<16xi1>
      %add3A_380 = arith.addi %mul3A_2, %mul3A_371 : i32
      %add3A_381 = vector.broadcast %add3A_380 : i32 to vector<16xi32>
      %add3A_382 = arith.addi %add3A_381, %iota3A : vector<16xi32>
      %lt3A_383 = arith.constant 200000 : i32
      %lt3A_384 = vector.broadcast %lt3A_383 : i32 to vector<16xi32>
      %lt3A_385 = arith.cmpi slt, %add3A_382, %lt3A_384 : vector<16xi32>
      %get3A_386 = arith.index_cast %mul3A_371 : i32 to index
      %get3A_387 = tpu.vector_load %arg12[%get3A_386] {strides = array<i32>} : memref<12800xi32, #tpu.memory_space<vmem>>, vector<16xi32>,
      %add3A_388 = arith.constant 1 : i32
      %add3A_389 = vector.broadcast %add3A_388 : i32 to vector<16xi32>
      %add3A_390 = arith.addi %get3A_387, %add3A_389 : vector<16xi32>
      %jit3A = arith.constant 0 : i32
      %jit3A_391 = arith.constant 31 : i32
      %max3A = vector.broadcast %jit3A : i32 to vector<16xi32>
      %max3A_392 = arith.maxsi %max3A, %add3A_390 : vector<16xi32>
      %min3A = vector.broadcast %jit3A_391 : i32 to vector<16xi32>
      %min3A_393 = arith.minsi %min3A, %max3A_392 : vector<16xi32>
      %get3A_394 = arith.index_cast %mul3A_371 : i32 to index
      %get3A_395 = tpu.vector_load %arg14[%get3A_394] {strides = array<i32>} : memref<12800xi32, #tpu.memory_space<vmem>>, vector<16xi32>,
      %shift_right_arithmetic3A = arith.shrsi %get3A_395, %min3A_393 : vector<16xi32>
      %and3A_396 = arith.constant 1 : i32
      %and3A_397 = vector.broadcast %and3A_396 : i32 to vector<16xi32>
      %and3A_398 = arith.andi %shift_right_arithmetic3A, %and3A_397 : vector<16xi32>
      %eq3A = arith.constant 1 : i32
      %eq3A_399 = vector.broadcast %eq3A : i32 to vector<16xi32>
      %eq3A_400 = arith.cmpi eq, %and3A_398, %eq3A_399 : vector<16xi32>
      %and3A_401 = arith.andi %eq3A_400, %and3A : vector<16xi1>
      %and3A_402 = arith.andi %and3A_401, %lt3A_385 : vector<16xi1>
      %convert_element_type3A = arith.extui %and3A_402 : vector<16xi1> to vector<16xi32>
      %convert_element_type3A_403 = arith.sitofp %convert_element_type3A : vector<16xi32> to vector<16xf32>
      %swap3A = arith.index_cast %mul3A_371 : i32 to index
      %swap3A_404 = tpu.vector_load %arg15[%swap3A] {strides = array<i32>} : memref<6400xf32, #tpu.memory_space<vmem>>, vector<16xf32>,
      tpu.vector_store %arg15[%swap3A], %convert_element_type3A_403 {strides = array<i32>} : memref<6400xf32, #tpu.memory_space<vmem>>, vector<16xf32>,
      %get3A_405 = arith.index_cast %mul3A_371 : i32 to index
      %get3A_406 = tpu.vector_load %arg10[%get3A_405] {strides = array<i32>} : memref<12800xi32, #tpu.memory_space<vmem>>, vector<16xi32>,
      %mul3A_407 = arith.constant 360 : i32
      %mul3A_408 = vector.broadcast %mul3A_407 : i32 to vector<16xi32>
      %mul3A_409 = arith.muli %get3A_406, %mul3A_408 : vector<16xi32>
      %get3A_410 = arith.index_cast %mul3A_371 : i32 to index
      %get3A_411 = tpu.vector_load %arg11[%get3A_410] {strides = array<i32>} : memref<12800xi32, #tpu.memory_space<vmem>>, vector<16xi32>,
      %add3A_412 = arith.addi %mul3A_409, %get3A_411 : vector<16xi32>
      %add3A_413 = arith.constant 0 : i32
      %add3A_414 = vector.broadcast %add3A_413 : i32 to vector<16xi32>
      %add3A_415 = arith.addi %add3A_412, %add3A_414 : vector<16xi32>
      %mul3A_416 = arith.constant 32 : i32
      %mul3A_417 = vector.broadcast %mul3A_416 : i32 to vector<16xi32>
      %mul3A_418 = arith.muli %add3A_415, %mul3A_417 : vector<16xi32>
      %add3A_419 = arith.addi %mul3A_418, %min3A_393 : vector<16xi32>
      %add3A_420 = vector.broadcast %mul3A_371 : i32 to vector<16xi32>
      %add3A_421 = arith.addi %add3A_420, %iota3A : vector<16xi32>
      %swap3A_422 = arith.index_cast %scan3A_369 : i32 to index
      %swap3A_423 = tpu.vector_load %arg16[%swap3A_422] masked %and3A_402 {strides = array<i32>} : memref<528xi32, #tpu.memory_space<vmem>>, vector<16xi32>, vector<16xi1>
      tpu.vector_store %arg16[%swap3A_422], %add3A_421 masked %and3A_402 {strides = array<i32>} : memref<528xi32, #tpu.memory_space<vmem>>, vector<16xi32>, vector<16xi1>
      %swap3A_424 = arith.index_cast %scan3A_369 : i32 to index
      %swap3A_425 = tpu.vector_load %arg17[%swap3A_424] masked %and3A_402 {strides = array<i32>} : memref<528xi32, #tpu.memory_space<vmem>>, vector<16xi32>, vector<16xi1>
      tpu.vector_store %arg17[%swap3A_424], %add3A_419 masked %and3A_402 {strides = array<i32>} : memref<528xi32, #tpu.memory_space<vmem>>, vector<16xi32>, vector<16xi1>
      %all_reduce_population_count3A = tpu.all_reduce %and3A_402 {dim = 0 : i64, kind = #tpu.reduction_kind<sum>} : vector<16xi1> -> vector<16xi32>
      %reduce_max3A = arith.constant true
      %reduce_max3A_426 = vector.broadcast %reduce_max3A : i1 to vector<16xi1>
      %reduce_max3A_427 = arith.constant -2147483648 : i32
      %reduce_max3A_428 = vector.broadcast %reduce_max3A_427 : i32 to vector<16xi32>
      %reduce_max3A_429 = arith.xori %all_reduce_population_count3A, %reduce_max3A_428 : vector<16xi32>
      %reduce_max3A_430 = tpu.scan <max>, %reduce_max3A_429 masked %reduce_max3A_426 : vector<16xi32>, vector<16xi1> -> vector<16xi32>
      %reduce_max3A_431 = arith.xori %reduce_max3A_430, %reduce_max3A_428 : vector<16xi32>
      %reduce_max3A_432 = vector.extract %reduce_max3A_431[15] : i32 from vector<16xi32>
      %add3A_433 = arith.addi %scan3A_369, %reduce_max3A_432 : i32
      scf.yield %add3A_433 : i32
    }
    %scan3A_337 = arith.constant 400 : i32
    %run_scoped3A_338 = arith.constant 5 : i32
    "tpu.region"() ({
      %run_scoped3A_368 = tpu.sem_alloc : memref<!tpu.dma_semaphore, #tpu.memory_space<semaphore_mem>>
      %dma_start3A_369 = tpu.memref_slice %arg8[%run_scoped3A_338, %mul3A_2] : memref<6x204800xf32, #tpu.memory_space<hbm>> -> memref<1x6400xf32, #tpu.memory_space<hbm>>
      %dma_start3A_370 = tpu.memref_squeeze %dma_start3A_369 : memref<1x6400xf32, #tpu.memory_space<hbm>> -> memref<6400xf32, #tpu.memory_space<hbm>>
      %dma_start3A_371 = tpu.memref_slice %arg8[%run_scoped3A_338, %mul3A_2] : memref<6x204800xf32, #tpu.memory_space<hbm>> -> memref<1x6400xf32, #tpu.memory_space<hbm>>
      %dma_start3A_372 = tpu.memref_squeeze %dma_start3A_371 : memref<1x6400xf32, #tpu.memory_space<hbm>> -> memref<6400xf32, #tpu.memory_space<hbm>>
      tpu.enqueue_dma source(%arg15 : memref<6400xf32, #tpu.memory_space<vmem>>) target(%dma_start3A_372 : memref<6400xf32, #tpu.memory_space<hbm>>) target_semaphore(%run_scoped3A_368 : memref<!tpu.dma_semaphore, #tpu.memory_space<semaphore_mem>>)
      %dma_wait3A_373 = tpu.memref_slice %arg8[%run_scoped3A_338, %mul3A_2] : memref<6x204800xf32, #tpu.memory_space<hbm>> -> memref<1x6400xf32, #tpu.memory_space<hbm>>
      %dma_wait3A_374 = tpu.memref_squeeze %dma_wait3A_373 : memref<1x6400xf32, #tpu.memory_space<hbm>> -> memref<6400xf32, #tpu.memory_space<hbm>>
      %dma_wait3A_375 = tpu.memref_slice %arg8[%run_scoped3A_338, %mul3A_2] : memref<6x204800xf32, #tpu.memory_space<hbm>> -> memref<1x6400xf32, #tpu.memory_space<hbm>>
      %dma_wait3A_376 = tpu.memref_squeeze %dma_wait3A_375 : memref<1x6400xf32, #tpu.memory_space<hbm>> -> memref<6400xf32, #tpu.memory_space<hbm>>
      tpu.wait_dma2 semaphore(%run_scoped3A_368 : memref<!tpu.dma_semaphore, #tpu.memory_space<semaphore_mem>>) src(%arg15 : memref<6400xf32, #tpu.memory_space<vmem>>) dst(%dma_wait3A_376 : memref<6400xf32, #tpu.memory_space<hbm>>)
      tpu.yield
    }) : () -> ()
    %dma_start3A_339 = arith.constant 0 : i32
    %dma_start3A_340 = tpu.memref_slice %arg17[%dma_start3A_339] : memref<528xi32, #tpu.memory_space<vmem>> -> memref<512xi32, #tpu.memory_space<vmem>>
    %dma_start3A_341 = arith.constant 0 : i32
    %dma_start3A_342 = tpu.memref_slice %arg5[%dma_start3A_341] : memref<5529632xi32, #tpu.memory_space<hbm>> -> memref<5529632xi32, #tpu.memory_space<hbm>>
    tpu.enqueue_indirect_dma source(%dma_start3A_342 : memref<5529632xi32, #tpu.memory_space<hbm>>) target(%arg18 : memref<512xi32, #tpu.memory_space<vmem>>) offsets(%dma_start3A_340 : memref<512xi32, #tpu.memory_space<vmem>>) semaphore(%arg20 : memref<!tpu.dma_semaphore, #tpu.memory_space<semaphore_mem>>)
    %dma_wait3A_343 = arith.constant 0 : i32
    %dma_wait3A_344 = tpu.memref_slice %arg17[%dma_wait3A_343] : memref<528xi32, #tpu.memory_space<vmem>> -> memref<512xi32, #tpu.memory_space<vmem>>
    %dma_wait3A_345 = arith.constant 0 : i32
    %dma_wait3A_346 = tpu.memref_slice %arg5[%dma_wait3A_345] : memref<5529632xi32, #tpu.memory_space<hbm>> -> memref<5529632xi32, #tpu.memory_space<hbm>>
    tpu.wait_indirect_dma semaphore(%arg20 : memref<!tpu.dma_semaphore, #tpu.memory_space<semaphore_mem>>) src(%dma_wait3A_346 : memref<5529632xi32, #tpu.memory_space<hbm>>) dst(%arg18 : memref<512xi32, #tpu.memory_space<vmem>>)
    %scan3A_347 = arith.constant 0 : i32
    %scan3A_348 = arith.constant 32 : i32
    %scan3A_349 = arith.addi %scan3A_347, %scan3A_348 : i32
    %scan3A_350 = arith.constant 1 : i32
    scf.for %scan3A_368 = %scan3A_347 to %scan3A_349 step %scan3A_350  : i32 {
      %mul3A_369 = arith.constant 16 : i32
      %mul3A_370 = arith.muli %scan3A_368, %mul3A_369 : i32
      %get3A = arith.index_cast %mul3A_370 : i32 to index
      %get3A_371 = tpu.vector_load %arg18[%get3A] {strides = array<i32>} : memref<512xi32, #tpu.memory_space<vmem>>, vector<16xi32>,
      %jit3A = arith.constant 0 : i32
      %jit3A_372 = arith.constant 199999 : i32
      %max3A = vector.broadcast %jit3A : i32 to vector<16xi32>
      %max3A_373 = arith.maxsi %max3A, %get3A_371 : vector<16xi32>
      %min3A = vector.broadcast %jit3A_372 : i32 to vector<16xi32>
      %min3A_374 = arith.minsi %min3A, %max3A_373 : vector<16xi32>
      %swap3A = arith.index_cast %mul3A_370 : i32 to index
      %swap3A_375 = tpu.vector_load %arg17[%swap3A] {strides = array<i32>} : memref<528xi32, #tpu.memory_space<vmem>>, vector<16xi32>,
      tpu.vector_store %arg17[%swap3A], %min3A_374 {strides = array<i32>} : memref<528xi32, #tpu.memory_space<vmem>>, vector<16xi32>,
      %get3A_376 = arith.index_cast %mul3A_370 : i32 to index
      %get3A_377 = tpu.vector_load %arg16[%get3A_376] {strides = array<i32>} : memref<528xi32, #tpu.memory_space<vmem>>, vector<16xi32>,
      %lt3A = arith.constant 6400 : i32
      %lt3A_378 = vector.broadcast %lt3A : i32 to vector<16xi32>
      %lt3A_379 = arith.cmpi slt, %get3A_377, %lt3A_378 : vector<16xi32>
      %add3A_380 = arith.constant 1024000 : i32
      %add3A_381 = arith.addi %add3A_380, %mul3A_2 : i32
      %add3A_382 = vector.broadcast %add3A_381 : i32 to vector<16xi32>
      %add3A_383 = arith.addi %add3A_382, %get3A_377 : vector<16xi32>
      %sub3A = arith.constant 6400 : i32
      %sub3A_384 = vector.broadcast %sub3A : i32 to vector<16xi32>
      %sub3A_385 = arith.subi %get3A_377, %sub3A_384 : vector<16xi32>
      %add3A_386 = arith.constant 1224000 : i32
      %add3A_387 = vector.broadcast %add3A_386 : i32 to vector<16xi32>
      %add3A_388 = arith.addi %add3A_387, %sub3A_385 : vector<16xi32>
      %select_n3A = arith.select %lt3A_379, %add3A_383, %add3A_388 : vector<16xi1>, vector<16xi32>
      %swap3A_389 = arith.index_cast %mul3A_370 : i32 to index
      %swap3A_390 = tpu.vector_load %arg18[%swap3A_389] {strides = array<i32>} : memref<512xi32, #tpu.memory_space<vmem>>, vector<16xi32>,
      tpu.vector_store %arg18[%swap3A_389], %select_n3A {strides = array<i32>} : memref<512xi32, #tpu.memory_space<vmem>>, vector<16xi32>,
    }
    %scan3A_351 = arith.constant 32 : i32
    %dma_start3A_352 = arith.constant 0 : i32
    %dma_start3A_353 = tpu.memref_slice %arg17[%dma_start3A_352] : memref<528xi32, #tpu.memory_space<vmem>> -> memref<512xi32, #tpu.memory_space<vmem>>
    %dma_start3A_354 = arith.constant 0 : i32
    %dma_start3A_355 = arith.constant 0 : i32
    %dma_start3A_356 = tpu.memref_slice %arg6[%dma_start3A_354, %dma_start3A_355] : memref<200000x32xf32, #tpu.memory_space<hbm>> -> memref<200000x32xf32, #tpu.memory_space<hbm>>
    tpu.enqueue_indirect_dma source(%dma_start3A_356 : memref<200000x32xf32, #tpu.memory_space<hbm>>) target(%arg19 : memref<512x32xf32, #tpu.memory_space<vmem>>) offsets(%dma_start3A_353 : memref<512xi32, #tpu.memory_space<vmem>>) semaphore(%arg20 : memref<!tpu.dma_semaphore, #tpu.memory_space<semaphore_mem>>)
    %dma_wait3A_357 = arith.constant 0 : i32
    %dma_wait3A_358 = tpu.memref_slice %arg17[%dma_wait3A_357] : memref<528xi32, #tpu.memory_space<vmem>> -> memref<512xi32, #tpu.memory_space<vmem>>
    %dma_wait3A_359 = arith.constant 0 : i32
    %dma_wait3A_360 = arith.constant 0 : i32
    %dma_wait3A_361 = tpu.memref_slice %arg6[%dma_wait3A_359, %dma_wait3A_360] : memref<200000x32xf32, #tpu.memory_space<hbm>> -> memref<200000x32xf32, #tpu.memory_space<hbm>>
    tpu.wait_indirect_dma semaphore(%arg20 : memref<!tpu.dma_semaphore, #tpu.memory_space<semaphore_mem>>) src(%dma_wait3A_361 : memref<200000x32xf32, #tpu.memory_space<hbm>>) dst(%arg19 : memref<512x32xf32, #tpu.memory_space<vmem>>)
    %dma_start3A_362 = arith.constant 0 : i32
    %dma_start3A_363 = arith.constant 0 : i32
    %dma_start3A_364 = tpu.memref_slice %arg7[%dma_start3A_362, %dma_start3A_363] : memref<1228800x32xf32, #tpu.memory_space<hbm>> -> memref<1228800x32xf32, #tpu.memory_space<hbm>>
    tpu.enqueue_indirect_dma source(%arg19 : memref<512x32xf32, #tpu.memory_space<vmem>>) target(%dma_start3A_364 : memref<1228800x32xf32, #tpu.memory_space<hbm>>) offsets(%arg18 : memref<512xi32, #tpu.memory_space<vmem>>) semaphore(%arg20 : memref<!tpu.dma_semaphore, #tpu.memory_space<semaphore_mem>>)
    %dma_wait3A_365 = arith.constant 0 : i32
    %dma_wait3A_366 = arith.constant 0 : i32
    %dma_wait3A_367 = tpu.memref_slice %arg7[%dma_wait3A_365, %dma_wait3A_366] : memref<1228800x32xf32, #tpu.memory_space<hbm>> -> memref<1228800x32xf32, #tpu.memory_space<hbm>>
    tpu.wait_indirect_dma semaphore(%arg20 : memref<!tpu.dma_semaphore, #tpu.memory_space<semaphore_mem>>) src(%arg19 : memref<512x32xf32, #tpu.memory_space<vmem>>) dst(%dma_wait3A_367 : memref<1228800x32xf32, #tpu.memory_space<hbm>>)
    return
  }
}

module attributes {stable_mosaic.version = 14 : i64} {
  func.func @_tc_conv_body(%arg0: i32, %arg1: memref<2048x32xf32, #tpu.memory_space<vmem>>, %arg2: memref<6x2048x32xf32, #tpu.memory_space<vmem>>, %arg3: memref<6x2048xf32, #tpu.memory_space<vmem>>, %arg4: memref<224x96xf32, #tpu.memory_space<vmem>>, %arg5: memref<2048x96xf32, #tpu.memory_space<vmem>>, %arg6: memref<8x96xf32, #tpu.memory_space<vmem>>, %arg7: memref<8x96xf32, #tpu.memory_space<vmem>>, %arg8: memref<8x96xf32, #tpu.memory_space<vmem>>, %arg9: memref<8x96xf32, #tpu.memory_space<vmem>>) attributes {dimension_semantics = [#tpu.dimension_semantics<arbitrary>], iteration_bounds = array<i64: 100>, scalar_prefetch = 0 : i64, scratch_operands = 2 : i64, tpu.core_type = #tpu.core_type<tc>, window_params = [{transform_indices = @transform_0, window_bounds = array<i64: 2048, 32>}, {transform_indices = @transform_1, window_bounds = array<i64: 6, 2048, 32>}, {transform_indices = @transform_2, window_bounds = array<i64: 6, 2048>}, {pipeline_mode = #tpu.pipeline_mode<synchronous>, transform_indices = @transform_3, window_bounds = array<i64: 224, 96>}, {transform_indices = @transform_4, window_bounds = array<i64: 2048, 96>}, {pipeline_mode = #tpu.pipeline_mode<synchronous>, transform_indices = @transform_5, window_bounds = array<i64: 8, 96>}, {pipeline_mode = #tpu.pipeline_mode<synchronous>, transform_indices = @transform_6, window_bounds = array<i64: 8, 96>}]} {
    %get3A = arith.constant 0 : index
    %get3A_0 = arith.constant 0 : index
    %get3A_1 = vector.load %arg1[%get3A, %get3A_0] : memref<2048x32xf32, #tpu.memory_space<vmem>>, vector<2048x32xf32>
    %get3A_2 = arith.constant 0 : index
    %get3A_3 = arith.constant 0 : index
    %get3A_4 = arith.constant 0 : index
    %get3A_5 = vector.load %arg2[%get3A_2, %get3A_3, %get3A_4] : memref<6x2048x32xf32, #tpu.memory_space<vmem>>, vector<6x2048x32xf32>
    %get3A_6 = arith.constant 0 : index
    %get3A_7 = arith.constant 0 : index
    %get3A_8 = vector.load %arg3[%get3A_6, %get3A_7] : memref<6x2048xf32, #tpu.memory_space<vmem>>, vector<6x2048xf32>
    %slice3A = vector.extract_strided_slice %get3A_8 {offsets = [0, 0], sizes = [1, 2048], strides = [1, 1]} : vector<6x2048xf32> to vector<1x2048xf32>
    %squeeze3A = vector.shape_cast %slice3A : vector<1x2048xf32> to vector<2048xf32>
    %broadcast_in_dim3A = vector.shape_cast %squeeze3A : vector<2048xf32> to vector<2048x1xf32>
    %gt3A = arith.constant 5.000000e-01 : f32
    %gt3A_9 = vector.broadcast %gt3A : f32 to vector<2048x1xf32>
    %gt3A_10 = arith.cmpf ogt, %broadcast_in_dim3A, %gt3A_9 : vector<2048x1xf32>
    %slice3A_11 = vector.extract_strided_slice %get3A_5 {offsets = [0, 0, 0], sizes = [1, 2048, 32], strides = [1, 1, 1]} : vector<6x2048x32xf32> to vector<1x2048x32xf32>
    %squeeze3A_12 = vector.shape_cast %slice3A_11 : vector<1x2048x32xf32> to vector<2048x32xf32>
    %jit3A = arith.constant 0.000000e+00 : f32
    %broadcast_in_dim3A_13 = vector.shape_cast %gt3A_10 : vector<2048x1xi1> to vector<2048x1xi1>
    %broadcast_in_dim3A_14 = vector.broadcast %broadcast_in_dim3A_13 : vector<2048x1xi1> to vector<2048x32xi1>
    %broadcast_in_dim3A_15 = vector.broadcast %jit3A : f32 to vector<2048x32xf32>
    %select_n3A = arith.select %broadcast_in_dim3A_14, %squeeze3A_12, %broadcast_in_dim3A_15 : vector<2048x32xi1>, vector<2048x32xf32>
    %slice3A_16 = vector.extract_strided_slice %get3A_8 {offsets = [1, 0], sizes = [1, 2048], strides = [1, 1]} : vector<6x2048xf32> to vector<1x2048xf32>
    %squeeze3A_17 = vector.shape_cast %slice3A_16 : vector<1x2048xf32> to vector<2048xf32>
    %broadcast_in_dim3A_18 = vector.shape_cast %squeeze3A_17 : vector<2048xf32> to vector<2048x1xf32>
    %gt3A_19 = arith.constant 5.000000e-01 : f32
    %gt3A_20 = vector.broadcast %gt3A_19 : f32 to vector<2048x1xf32>
    %gt3A_21 = arith.cmpf ogt, %broadcast_in_dim3A_18, %gt3A_20 : vector<2048x1xf32>
    %slice3A_22 = vector.extract_strided_slice %get3A_5 {offsets = [1, 0, 0], sizes = [1, 2048, 32], strides = [1, 1, 1]} : vector<6x2048x32xf32> to vector<1x2048x32xf32>
    %squeeze3A_23 = vector.shape_cast %slice3A_22 : vector<1x2048x32xf32> to vector<2048x32xf32>
    %jit3A_24 = arith.constant 0.000000e+00 : f32
    %broadcast_in_dim3A_25 = vector.shape_cast %gt3A_21 : vector<2048x1xi1> to vector<2048x1xi1>
    %broadcast_in_dim3A_26 = vector.broadcast %broadcast_in_dim3A_25 : vector<2048x1xi1> to vector<2048x32xi1>
    %broadcast_in_dim3A_27 = vector.broadcast %jit3A_24 : f32 to vector<2048x32xf32>
    %select_n3A_28 = arith.select %broadcast_in_dim3A_26, %squeeze3A_23, %broadcast_in_dim3A_27 : vector<2048x32xi1>, vector<2048x32xf32>
    %slice3A_29 = vector.extract_strided_slice %get3A_8 {offsets = [2, 0], sizes = [1, 2048], strides = [1, 1]} : vector<6x2048xf32> to vector<1x2048xf32>
    %squeeze3A_30 = vector.shape_cast %slice3A_29 : vector<1x2048xf32> to vector<2048xf32>
    %broadcast_in_dim3A_31 = vector.shape_cast %squeeze3A_30 : vector<2048xf32> to vector<2048x1xf32>
    %gt3A_32 = arith.constant 5.000000e-01 : f32
    %gt3A_33 = vector.broadcast %gt3A_32 : f32 to vector<2048x1xf32>
    %gt3A_34 = arith.cmpf ogt, %broadcast_in_dim3A_31, %gt3A_33 : vector<2048x1xf32>
    %slice3A_35 = vector.extract_strided_slice %get3A_5 {offsets = [2, 0, 0], sizes = [1, 2048, 32], strides = [1, 1, 1]} : vector<6x2048x32xf32> to vector<1x2048x32xf32>
    %squeeze3A_36 = vector.shape_cast %slice3A_35 : vector<1x2048x32xf32> to vector<2048x32xf32>
    %jit3A_37 = arith.constant 0.000000e+00 : f32
    %broadcast_in_dim3A_38 = vector.shape_cast %gt3A_34 : vector<2048x1xi1> to vector<2048x1xi1>
    %broadcast_in_dim3A_39 = vector.broadcast %broadcast_in_dim3A_38 : vector<2048x1xi1> to vector<2048x32xi1>
    %broadcast_in_dim3A_40 = vector.broadcast %jit3A_37 : f32 to vector<2048x32xf32>
    %select_n3A_41 = arith.select %broadcast_in_dim3A_39, %squeeze3A_36, %broadcast_in_dim3A_40 : vector<2048x32xi1>, vector<2048x32xf32>
    %slice3A_42 = vector.extract_strided_slice %get3A_8 {offsets = [3, 0], sizes = [1, 2048], strides = [1, 1]} : vector<6x2048xf32> to vector<1x2048xf32>
    %squeeze3A_43 = vector.shape_cast %slice3A_42 : vector<1x2048xf32> to vector<2048xf32>
    %broadcast_in_dim3A_44 = vector.shape_cast %squeeze3A_43 : vector<2048xf32> to vector<2048x1xf32>
    %gt3A_45 = arith.constant 5.000000e-01 : f32
    %gt3A_46 = vector.broadcast %gt3A_45 : f32 to vector<2048x1xf32>
    %gt3A_47 = arith.cmpf ogt, %broadcast_in_dim3A_44, %gt3A_46 : vector<2048x1xf32>
    %slice3A_48 = vector.extract_strided_slice %get3A_5 {offsets = [3, 0, 0], sizes = [1, 2048, 32], strides = [1, 1, 1]} : vector<6x2048x32xf32> to vector<1x2048x32xf32>
    %squeeze3A_49 = vector.shape_cast %slice3A_48 : vector<1x2048x32xf32> to vector<2048x32xf32>
    %jit3A_50 = arith.constant 0.000000e+00 : f32
    %broadcast_in_dim3A_51 = vector.shape_cast %gt3A_47 : vector<2048x1xi1> to vector<2048x1xi1>
    %broadcast_in_dim3A_52 = vector.broadcast %broadcast_in_dim3A_51 : vector<2048x1xi1> to vector<2048x32xi1>
    %broadcast_in_dim3A_53 = vector.broadcast %jit3A_50 : f32 to vector<2048x32xf32>
    %select_n3A_54 = arith.select %broadcast_in_dim3A_52, %squeeze3A_49, %broadcast_in_dim3A_53 : vector<2048x32xi1>, vector<2048x32xf32>
    %slice3A_55 = vector.extract_strided_slice %get3A_8 {offsets = [4, 0], sizes = [1, 2048], strides = [1, 1]} : vector<6x2048xf32> to vector<1x2048xf32>
    %squeeze3A_56 = vector.shape_cast %slice3A_55 : vector<1x2048xf32> to vector<2048xf32>
    %broadcast_in_dim3A_57 = vector.shape_cast %squeeze3A_56 : vector<2048xf32> to vector<2048x1xf32>
    %gt3A_58 = arith.constant 5.000000e-01 : f32
    %gt3A_59 = vector.broadcast %gt3A_58 : f32 to vector<2048x1xf32>
    %gt3A_60 = arith.cmpf ogt, %broadcast_in_dim3A_57, %gt3A_59 : vector<2048x1xf32>
    %slice3A_61 = vector.extract_strided_slice %get3A_5 {offsets = [4, 0, 0], sizes = [1, 2048, 32], strides = [1, 1, 1]} : vector<6x2048x32xf32> to vector<1x2048x32xf32>
    %squeeze3A_62 = vector.shape_cast %slice3A_61 : vector<1x2048x32xf32> to vector<2048x32xf32>
    %jit3A_63 = arith.constant 0.000000e+00 : f32
    %broadcast_in_dim3A_64 = vector.shape_cast %gt3A_60 : vector<2048x1xi1> to vector<2048x1xi1>
    %broadcast_in_dim3A_65 = vector.broadcast %broadcast_in_dim3A_64 : vector<2048x1xi1> to vector<2048x32xi1>
    %broadcast_in_dim3A_66 = vector.broadcast %jit3A_63 : f32 to vector<2048x32xf32>
    %select_n3A_67 = arith.select %broadcast_in_dim3A_65, %squeeze3A_62, %broadcast_in_dim3A_66 : vector<2048x32xi1>, vector<2048x32xf32>
    %slice3A_68 = vector.extract_strided_slice %get3A_8 {offsets = [5, 0], sizes = [1, 2048], strides = [1, 1]} : vector<6x2048xf32> to vector<1x2048xf32>
    %squeeze3A_69 = vector.shape_cast %slice3A_68 : vector<1x2048xf32> to vector<2048xf32>
    %broadcast_in_dim3A_70 = vector.shape_cast %squeeze3A_69 : vector<2048xf32> to vector<2048x1xf32>
    %gt3A_71 = arith.constant 5.000000e-01 : f32
    %gt3A_72 = vector.broadcast %gt3A_71 : f32 to vector<2048x1xf32>
    %gt3A_73 = arith.cmpf ogt, %broadcast_in_dim3A_70, %gt3A_72 : vector<2048x1xf32>
    %slice3A_74 = vector.extract_strided_slice %get3A_5 {offsets = [5, 0, 0], sizes = [1, 2048, 32], strides = [1, 1, 1]} : vector<6x2048x32xf32> to vector<1x2048x32xf32>
    %squeeze3A_75 = vector.shape_cast %slice3A_74 : vector<1x2048x32xf32> to vector<2048x32xf32>
    %jit3A_76 = arith.constant 0.000000e+00 : f32
    %broadcast_in_dim3A_77 = vector.shape_cast %gt3A_73 : vector<2048x1xi1> to vector<2048x1xi1>
    %broadcast_in_dim3A_78 = vector.broadcast %broadcast_in_dim3A_77 : vector<2048x1xi1> to vector<2048x32xi1>
    %broadcast_in_dim3A_79 = vector.broadcast %jit3A_76 : f32 to vector<2048x32xf32>
    %select_n3A_80 = arith.select %broadcast_in_dim3A_78, %squeeze3A_75, %broadcast_in_dim3A_79 : vector<2048x32xi1>, vector<2048x32xf32>
    %concatenate3A = tpu.concatenate %select_n3A, %select_n3A_28, %select_n3A_41, %select_n3A_54, %select_n3A_67, %select_n3A_80, %get3A_1 in 1 : vector<2048x32xf32>, vector<2048x32xf32>, vector<2048x32xf32>, vector<2048x32xf32>, vector<2048x32xf32>, vector<2048x32xf32>, vector<2048x32xf32> -> vector<2048x224xf32>
    %get3A_81 = arith.constant 0 : index
    %get3A_82 = arith.constant 0 : index
    %get3A_83 = vector.load %arg4[%get3A_81, %get3A_82] : memref<224x96xf32, #tpu.memory_space<vmem>>, vector<224x96xf32>
    %dot_general3A = arith.constant dense<0.000000e+00> : vector<2048x96xf32>
    %dot_general3A_84 = tpu.matmul %concatenate3A, %get3A_83, %dot_general3A {dimension_numbers = #tpu.dot_dimension_numbers<[1], [0], [0], [1], [0, 0, 1, 1], [], []>, transpose_lhs_hint = false} : vector<2048x224xf32>, vector<224x96xf32>, vector<2048x96xf32> -> vector<2048x96xf32>
    %swap3A = arith.constant 0 : index
    %swap3A_85 = arith.constant 0 : index
    %swap3A_86 = vector.load %arg5[%swap3A, %swap3A_85] : memref<2048x96xf32, #tpu.memory_space<vmem>>, vector<2048x96xf32>
    tpu.vector_store %arg5[%swap3A, %swap3A_85], %dot_general3A_84 {strides = array<i32>} : memref<2048x96xf32, #tpu.memory_space<vmem>>, vector<2048x96xf32>,
    %reduce_sum3A = arith.constant dense<0.000000e+00> : vector<96xf32>
    %reduce_sum3A_87 = vector.multi_reduction <add>, %dot_general3A_84, %reduce_sum3A [0] : vector<2048x96xf32> to vector<96xf32>
    %broadcast_in_dim3A_88 = vector.shape_cast %reduce_sum3A_87 : vector<96xf32> to vector<1x96xf32>
    %broadcast_in_dim3A_89 = vector.shape_cast %broadcast_in_dim3A_88 : vector<1x96xf32> to vector<1x96xf32>
    %broadcast_in_dim3A_90 = vector.broadcast %broadcast_in_dim3A_89 : vector<1x96xf32> to vector<8x96xf32>
    %mul3A = arith.mulf %dot_general3A_84, %dot_general3A_84 : vector<2048x96xf32>
    %reduce_sum3A_91 = arith.constant dense<0.000000e+00> : vector<96xf32>
    %reduce_sum3A_92 = vector.multi_reduction <add>, %mul3A, %reduce_sum3A_91 [0] : vector<2048x96xf32> to vector<96xf32>
    %broadcast_in_dim3A_93 = vector.shape_cast %reduce_sum3A_92 : vector<96xf32> to vector<1x96xf32>
    %broadcast_in_dim3A_94 = vector.shape_cast %broadcast_in_dim3A_93 : vector<1x96xf32> to vector<1x96xf32>
    %broadcast_in_dim3A_95 = vector.broadcast %broadcast_in_dim3A_94 : vector<1x96xf32> to vector<8x96xf32>
    %eq3A = arith.constant 0 : i32
    %eq3A_96 = arith.cmpi eq, %arg0, %eq3A : i32
    %convert_element_type3A = arith.extui %eq3A_96 : i1 to i32
    %cond3A = arith.constant 0 : i32
    %cond3A_97 = arith.cmpi ne, %convert_element_type3A, %cond3A : i32
    scf.if %cond3A_97 {
      %swap3A_108 = arith.constant 0 : index
      %swap3A_109 = arith.constant 0 : index
      %swap3A_110 = vector.load %arg8[%swap3A_108, %swap3A_109] : memref<8x96xf32, #tpu.memory_space<vmem>>, vector<8x96xf32>
      tpu.vector_store %arg8[%swap3A_108, %swap3A_109], %broadcast_in_dim3A_90 {strides = array<i32>} : memref<8x96xf32, #tpu.memory_space<vmem>>, vector<8x96xf32>,
      %swap3A_111 = arith.constant 0 : index
      %swap3A_112 = arith.constant 0 : index
      %swap3A_113 = vector.load %arg9[%swap3A_111, %swap3A_112] : memref<8x96xf32, #tpu.memory_space<vmem>>, vector<8x96xf32>
      tpu.vector_store %arg9[%swap3A_111, %swap3A_112], %broadcast_in_dim3A_95 {strides = array<i32>} : memref<8x96xf32, #tpu.memory_space<vmem>>, vector<8x96xf32>,
    } else {
    }
    %gt3A_98 = arith.constant 0 : i32
    %gt3A_99 = arith.cmpi sgt, %arg0, %gt3A_98 : i32
    %convert_element_type3A_100 = arith.extui %gt3A_99 : i1 to i32
    %cond3A_101 = arith.constant 0 : i32
    %cond3A_102 = arith.cmpi ne, %convert_element_type3A_100, %cond3A_101 : i32
    scf.if %cond3A_102 {
      %get3A_108 = arith.constant 0 : index
      %get3A_109 = arith.constant 0 : index
      %get3A_110 = vector.load %arg8[%get3A_108, %get3A_109] : memref<8x96xf32, #tpu.memory_space<vmem>>, vector<8x96xf32>
      %add3A = arith.addf %get3A_110, %broadcast_in_dim3A_90 : vector<8x96xf32>
      %swap3A_111 = arith.constant 0 : index
      %swap3A_112 = arith.constant 0 : index
      %swap3A_113 = vector.load %arg8[%swap3A_111, %swap3A_112] : memref<8x96xf32, #tpu.memory_space<vmem>>, vector<8x96xf32>
      tpu.vector_store %arg8[%swap3A_111, %swap3A_112], %add3A {strides = array<i32>} : memref<8x96xf32, #tpu.memory_space<vmem>>, vector<8x96xf32>,
      %get3A_114 = arith.constant 0 : index
      %get3A_115 = arith.constant 0 : index
      %get3A_116 = vector.load %arg9[%get3A_114, %get3A_115] : memref<8x96xf32, #tpu.memory_space<vmem>>, vector<8x96xf32>
      %add3A_117 = arith.addf %get3A_116, %broadcast_in_dim3A_95 : vector<8x96xf32>
      %swap3A_118 = arith.constant 0 : index
      %swap3A_119 = arith.constant 0 : index
      %swap3A_120 = vector.load %arg9[%swap3A_118, %swap3A_119] : memref<8x96xf32, #tpu.memory_space<vmem>>, vector<8x96xf32>
      tpu.vector_store %arg9[%swap3A_118, %swap3A_119], %add3A_117 {strides = array<i32>} : memref<8x96xf32, #tpu.memory_space<vmem>>, vector<8x96xf32>,
    } else {
    }
    %eq3A_103 = arith.constant 99 : i32
    %eq3A_104 = arith.cmpi eq, %arg0, %eq3A_103 : i32
    %convert_element_type3A_105 = arith.extui %eq3A_104 : i1 to i32
    %cond3A_106 = arith.constant 0 : i32
    %cond3A_107 = arith.cmpi ne, %convert_element_type3A_105, %cond3A_106 : i32
    scf.if %cond3A_107 {
      %get3A_108 = arith.constant 0 : index
      %get3A_109 = arith.constant 0 : index
      %get3A_110 = vector.load %arg8[%get3A_108, %get3A_109] : memref<8x96xf32, #tpu.memory_space<vmem>>, vector<8x96xf32>
      %swap3A_111 = arith.constant 0 : index
      %swap3A_112 = arith.constant 0 : index
      %swap3A_113 = vector.load %arg6[%swap3A_111, %swap3A_112] : memref<8x96xf32, #tpu.memory_space<vmem>>, vector<8x96xf32>
      tpu.vector_store %arg6[%swap3A_111, %swap3A_112], %get3A_110 {strides = array<i32>} : memref<8x96xf32, #tpu.memory_space<vmem>>, vector<8x96xf32>,
      %get3A_114 = arith.constant 0 : index
      %get3A_115 = arith.constant 0 : index
      %get3A_116 = vector.load %arg9[%get3A_114, %get3A_115] : memref<8x96xf32, #tpu.memory_space<vmem>>, vector<8x96xf32>
      %swap3A_117 = arith.constant 0 : index
      %swap3A_118 = arith.constant 0 : index
      %swap3A_119 = vector.load %arg7[%swap3A_117, %swap3A_118] : memref<8x96xf32, #tpu.memory_space<vmem>>, vector<8x96xf32>
      tpu.vector_store %arg7[%swap3A_117, %swap3A_118], %get3A_116 {strides = array<i32>} : memref<8x96xf32, #tpu.memory_space<vmem>>, vector<8x96xf32>,
    } else {
    }
    return
  }
  func.func @transform_0(%arg0: i32) -> (i32, i32) {
    %c0_i32 = arith.constant 0 : i32
    %c0_i32_0 = arith.constant 0 : i32
    return %arg0, %c0_i32 : i32, i32
  }
  func.func @transform_1(%arg0: i32) -> (i32, i32, i32) {
    %c0_i32 = arith.constant 0 : i32
    %c0_i32_0 = arith.constant 0 : i32
    %c0_i32_1 = arith.constant 0 : i32
    return %c0_i32, %arg0, %c0_i32_0 : i32, i32, i32
  }
  func.func @transform_2(%arg0: i32) -> (i32, i32) {
    %c0_i32 = arith.constant 0 : i32
    %c0_i32_0 = arith.constant 0 : i32
    return %c0_i32, %arg0 : i32, i32
  }
  func.func @transform_3(%arg0: i32) -> (i32, i32) {
    %c0_i32 = arith.constant 0 : i32
    %c0_i32_0 = arith.constant 0 : i32
    %c0_i32_1 = arith.constant 0 : i32
    return %c0_i32, %c0_i32_0 : i32, i32
  }
  func.func @transform_4(%arg0: i32) -> (i32, i32) {
    %c0_i32 = arith.constant 0 : i32
    %c0_i32_0 = arith.constant 0 : i32
    return %arg0, %c0_i32 : i32, i32
  }
  func.func @transform_5(%arg0: i32) -> (i32, i32) {
    %c0_i32 = arith.constant 0 : i32
    %c0_i32_0 = arith.constant 0 : i32
    %c0_i32_1 = arith.constant 0 : i32
    return %c0_i32, %c0_i32_0 : i32, i32
  }
  func.func @transform_6(%arg0: i32) -> (i32, i32) {
    %c0_i32 = arith.constant 0 : i32
    %c0_i32_0 = arith.constant 0 : i32
    %c0_i32_1 = arith.constant 0 : i32
    return %c0_i32, %c0_i32_0 : i32, i32
  }
}

module attributes {stable_mosaic.version = 14 : i64} {
  func.func @_tc_final_body(%arg0: i32, %arg1: memref<2048x96xf32, #tpu.memory_space<vmem>>, %arg2: memref<2048x32xf32, #tpu.memory_space<vmem>>, %arg3: memref<8x96xf32, #tpu.memory_space<vmem>>, %arg4: memref<8x96xf32, #tpu.memory_space<vmem>>, %arg5: memref<8x96xf32, #tpu.memory_space<vmem>>, %arg6: memref<8x96xf32, #tpu.memory_space<vmem>>, %arg7: memref<2048x32xf32, #tpu.memory_space<vmem>>) attributes {dimension_semantics = [#tpu.dimension_semantics<arbitrary>], iteration_bounds = array<i64: 100>, scalar_prefetch = 0 : i64, scratch_operands = 0 : i64, tpu.core_type = #tpu.core_type<tc>, window_params = [{transform_indices = @transform_0, window_bounds = array<i64: 2048, 96>}, {transform_indices = @transform_1, window_bounds = array<i64: 2048, 32>}, {pipeline_mode = #tpu.pipeline_mode<synchronous>, transform_indices = @transform_2, window_bounds = array<i64: 8, 96>}, {pipeline_mode = #tpu.pipeline_mode<synchronous>, transform_indices = @transform_3, window_bounds = array<i64: 8, 96>}, {pipeline_mode = #tpu.pipeline_mode<synchronous>, transform_indices = @transform_4, window_bounds = array<i64: 8, 96>}, {pipeline_mode = #tpu.pipeline_mode<synchronous>, transform_indices = @transform_5, window_bounds = array<i64: 8, 96>}, {transform_indices = @transform_6, window_bounds = array<i64: 2048, 32>}]} {
    %get3A = arith.constant 0 : index
    %get3A_0 = arith.constant 0 : index
    %get3A_1 = vector.load %arg3[%get3A, %get3A_0] : memref<8x96xf32, #tpu.memory_space<vmem>>, vector<1x96xf32>
    %div3A = arith.constant 2.000000e+05 : f32
    %div3A_2 = vector.broadcast %div3A : f32 to vector<1x96xf32>
    %div3A_3 = arith.divf %get3A_1, %div3A_2 : vector<1x96xf32>
    %get3A_4 = arith.constant 0 : index
    %get3A_5 = arith.constant 0 : index
    %get3A_6 = vector.load %arg4[%get3A_4, %get3A_5] : memref<8x96xf32, #tpu.memory_space<vmem>>, vector<1x96xf32>
    %div3A_7 = arith.constant 2.000000e+05 : f32
    %div3A_8 = vector.broadcast %div3A_7 : f32 to vector<1x96xf32>
    %div3A_9 = arith.divf %get3A_6, %div3A_8 : vector<1x96xf32>
    %mul3A = arith.mulf %div3A_3, %div3A_3 : vector<1x96xf32>
    %sub3A = arith.subf %div3A_9, %mul3A : vector<1x96xf32>
    %add3A = arith.constant 9.99999974E-6 : f32
    %add3A_10 = vector.broadcast %add3A : f32 to vector<1x96xf32>
    %add3A_11 = arith.addf %sub3A, %add3A_10 : vector<1x96xf32>
    %rsqrt3A = math.rsqrt %add3A_11 : vector<1x96xf32>
    %get3A_12 = arith.constant 0 : index
    %get3A_13 = arith.constant 0 : index
    %get3A_14 = vector.load %arg1[%get3A_12, %get3A_13] : memref<2048x96xf32, #tpu.memory_space<vmem>>, vector<2048x96xf32>
    %sub3A_15 = vector.broadcast %div3A_3 : vector<1x96xf32> to vector<2048x96xf32>
    %sub3A_16 = arith.subf %get3A_14, %sub3A_15 : vector<2048x96xf32>
    %mul3A_17 = vector.broadcast %rsqrt3A : vector<1x96xf32> to vector<2048x96xf32>
    %mul3A_18 = arith.mulf %sub3A_16, %mul3A_17 : vector<2048x96xf32>
    %get3A_19 = arith.constant 0 : index
    %get3A_20 = arith.constant 0 : index
    %get3A_21 = vector.load %arg5[%get3A_19, %get3A_20] : memref<8x96xf32, #tpu.memory_space<vmem>>, vector<1x96xf32>
    %mul3A_22 = vector.broadcast %get3A_21 : vector<1x96xf32> to vector<2048x96xf32>
    %mul3A_23 = arith.mulf %mul3A_18, %mul3A_22 : vector<2048x96xf32>
    %get3A_24 = arith.constant 0 : index
    %get3A_25 = arith.constant 0 : index
    %get3A_26 = vector.load %arg6[%get3A_24, %get3A_25] : memref<8x96xf32, #tpu.memory_space<vmem>>, vector<1x96xf32>
    %add3A_27 = vector.broadcast %get3A_26 : vector<1x96xf32> to vector<2048x96xf32>
    %add3A_28 = arith.addf %mul3A_23, %add3A_27 : vector<2048x96xf32>
    %neg3A = arith.constant 0.000000e+00 : f32
    %neg3A_29 = vector.broadcast %neg3A : f32 to vector<2048x96xf32>
    %neg3A_30 = arith.subf %neg3A_29, %add3A_28 : vector<2048x96xf32>
    %exp3A = math.exp %neg3A_30 : vector<2048x96xf32>
    %add3A_31 = arith.constant 1.000000e+00 : f32
    %add3A_32 = vector.broadcast %add3A_31 : f32 to vector<2048x96xf32>
    %add3A_33 = arith.addf %add3A_32, %exp3A : vector<2048x96xf32>
    %div3A_34 = arith.constant 1.000000e+00 : f32
    %div3A_35 = vector.broadcast %div3A_34 : f32 to vector<2048x96xf32>
    %div3A_36 = arith.divf %div3A_35, %add3A_33 : vector<2048x96xf32>
    %slice3A = vector.extract_strided_slice %div3A_36 {offsets = [0, 0], sizes = [2048, 32], strides = [1, 1]} : vector<2048x96xf32> to vector<2048x32xf32>
    %slice3A_37 = vector.extract_strided_slice %div3A_36 {offsets = [0, 32], sizes = [2048, 32], strides = [1, 1]} : vector<2048x96xf32> to vector<2048x32xf32>
    %add3A_38 = arith.addf %slice3A, %slice3A_37 : vector<2048x32xf32>
    %slice3A_39 = vector.extract_strided_slice %div3A_36 {offsets = [0, 64], sizes = [2048, 32], strides = [1, 1]} : vector<2048x96xf32> to vector<2048x32xf32>
    %add3A_40 = arith.addf %add3A_38, %slice3A_39 : vector<2048x32xf32>
    %get3A_41 = arith.constant 0 : index
    %get3A_42 = arith.constant 0 : index
    %get3A_43 = vector.load %arg2[%get3A_41, %get3A_42] : memref<2048x32xf32, #tpu.memory_space<vmem>>, vector<2048x32xf32>
    %mul3A_44 = arith.mulf %add3A_40, %get3A_43 : vector<2048x32xf32>
    %swap3A = arith.constant 0 : index
    %swap3A_45 = arith.constant 0 : index
    %swap3A_46 = vector.load %arg7[%swap3A, %swap3A_45] : memref<2048x32xf32, #tpu.memory_space<vmem>>, vector<2048x32xf32>
    tpu.vector_store %arg7[%swap3A, %swap3A_45], %mul3A_44 {strides = array<i32>} : memref<2048x32xf32, #tpu.memory_space<vmem>>, vector<2048x32xf32>,
    return
  }
  func.func @transform_0(%arg0: i32) -> (i32, i32) {
    %c0_i32 = arith.constant 0 : i32
    %c0_i32_0 = arith.constant 0 : i32
    return %arg0, %c0_i32 : i32, i32
  }
  func.func @transform_1(%arg0: i32) -> (i32, i32) {
    %c0_i32 = arith.constant 0 : i32
    %c0_i32_0 = arith.constant 0 : i32
    return %arg0, %c0_i32 : i32, i32
  }
  func.func @transform_2(%arg0: i32) -> (i32, i32) {
    %c0_i32 = arith.constant 0 : i32
    %c0_i32_0 = arith.constant 0 : i32
    %c0_i32_1 = arith.constant 0 : i32
    return %c0_i32, %c0_i32_0 : i32, i32
  }
  func.func @transform_3(%arg0: i32) -> (i32, i32) {
    %c0_i32 = arith.constant 0 : i32
    %c0_i32_0 = arith.constant 0 : i32
    %c0_i32_1 = arith.constant 0 : i32
    return %c0_i32, %c0_i32_0 : i32, i32
  }
  func.func @transform_4(%arg0: i32) -> (i32, i32) {
    %c0_i32 = arith.constant 0 : i32
    %c0_i32_0 = arith.constant 0 : i32
    %c0_i32_1 = arith.constant 0 : i32
    return %c0_i32, %c0_i32_0 : i32, i32
  }
  func.func @transform_5(%arg0: i32) -> (i32, i32) {
    %c0_i32 = arith.constant 0 : i32
    %c0_i32_0 = arith.constant 0 : i32
    %c0_i32_1 = arith.constant 0 : i32
    return %c0_i32, %c0_i32_0 : i32, i32
  }
  func.func @transform_6(%arg0: i32) -> (i32, i32) {
    %c0_i32 = arith.constant 0 : i32
    %c0_i32_0 = arith.constant 0 : i32
    return %arg0, %c0_i32 : i32, i32
  }
}

</mosaic_0001>

<sc_bundles>
// kernel: kernel.6.cloned.1.call-start
scs
__scs_entry_jumppad:
0x0: {  	(pc) =	sbr.rel $0x88, $3  }
0x1: {  	(tag) =	ssettag $0x0;
	lr =	simm.s32 $0x1  }
0x2: {  	[smem:$0x3F96] =	sst lr;
	_ =	strace $0xD0000000  }
0x3: {  	_ = 	snop  }
0x4: {  	_ = 	snop  }
0x5: {  	_ = 	snop  }
0x6: {  	_ = 	snop  }
0x7: {  	_ = 	snop  }
__scs_overlays_trampoline_lowered:
0x8: {  	[smem:$0x3FA5] =	sst s0  }
0x9: {  	[smem:$0x3FA6] =	sst s1  }
0xa: {  	[smem:$0x3FA7] =	sst s2  }
0xb: {  	[smem:$0x3FA8] =	sst s3  }
0xc: {  	[smem:$0x3FA9] =	sst s4  }
0xd: {  	[smem:$0x3FAA] =	sst s5  }
0xe: {  	[smem:$0x3FAB] =	sst s6  }
0xf: {  	[smem:$0x3FAC] =	sst s7  }
0x10: {  	[smem:$0x3FAD] =	sst s8  }
0x11: {  	[smem:$0x3FAE] =	sst s9;
	s0 =	simm.s32 @!p0 $0x0  }
0x12: {  	s1 =	sld [smem:$0x3F94];
	s0 =	simm.s32 @p0 $0x1  }
0x13: {  	[smem:$0x3FAF] =	sst s0;
	s0 =	simm.s32 @!p1 $0x0  }
0x14: {  	s2 =	sld [smem:$0x3F93];
	s0 =	simm.s32 @p1 $0x1  }
0x15: {  	[smem:$0x3FB0] =	sst s0;
	s0 =	simm.s32 @!p2 $0x0  }
0x16: {  	s3 =	sld [smem:$0x3FDB];
	s0 =	simm.s32 @p2 $0x1  }
0x17: {  	s4 =	simm.s32 $0x1BF5;
	[smem:$0x3FB2] =	sst s0  }
0x18: {  	s0 =	sld [smem:$0x3F95];
	_ =	swait.ge [sflag:s4], $0x0  }
0x19: {  	s7 =	sld [smem:$0x3F96]  }
0x1a: {  	s8 =	sadd.s32 $0xFFFFE003, lr  }
0x1b: {  	s9 =	sadd.s32 $0xFFFFFEF7, lr;
	s5 =	simm.s32 $0xFFFFFFFF;
	p2 =	slt.u32 s8, $0xFFFFF086  }
0x1c: {  	p1 =	slt.u32 s9, $0xF7A;
	s5 =	simm.s32 @!p2 $0x0  }
0x1d: {  	s5 =	simm.s32 @p1 $0x1;
	p0 =	seq.s32 s7, s2  }
0x1e: {  	s7 =	smul.u32 @!p0 $0xF7A, s2;
	p2 =	seq.s32 @!p0 s5, $0x0  }
0x1f: {  	s9 =	smul.u32 $0xF7A, s1;
	s8 =	simm.s32 @!p0 $0x1BF5;
	p2 =	por !p2, p0  }
0x20: {  	[sflag:s8] =	ssyncset.s32 @!p0 $0xFFFFF086;
	s6 =	sadd.s32 @!p0 s3, s7;
	s7 =	simm.s32 @!p0 $0x108  }
0x21: {  	s3 =	sadd.s32 s3, s9;
	s6 =	sadd.s32 @!p0 $0x88, s6;
	s7 =	simm.s32 @p2 $0x1082  }
0x22: {  	[simem:s7], [sflag:s8] =	dma.local @!p0 [hbm:s6], $0xF7A  }
0x23: {  	s9 =	sor.u32 $0xD0000000, s2;
	s6 =	simm.s32 $0x108;
	_ =	swait.ge @!p0 [sflag:s8], $0x0  }
0x24: {  	s3 =	sadd.s32 $0x88, s3;
	s6 =	simm.s32 @!p1 $0x1082;
	[sflag:s4] =	ssyncset.s32 $0xFFFFF086  }
0x25: {  	[simem:s6], [sflag:s4] =	dma.local [hbm:s3], $0xF7A  }
0x26: {  	[smem:$0x3F96] =	sst s1;
	(tag) =	ssettag s2;
	_ =	strace s9  }
0x27: {  	s1 =	sld [smem:$0x3FA6]  }
0x28: {  	s2 =	sld [smem:$0x3FA7]  }
0x29: {  	s4 =	sld [smem:$0x3FA9]  }
0x2a: {  	p0 =	seq.s32 s5, $0x0;
	s5 =	sld [smem:$0x3FAA]  }
0x2b: {  	s6 =	sld [smem:$0x3FAB]  }
0x2c: {  	s7 =	sld [smem:$0x3FAC]  }
0x2d: {  	s3 =	simm.s32 $0x108;
	s8 =	sld [smem:$0x3FAD]  }
0x2e: {  	s3 =	simm.s32 @!p0 $0x1082;
	s9 =	sld [smem:$0x3FAE]  }
0x2f: {  	lr =	sadd.s32 s0, s3;
	s0 =	sld [smem:$0x3FA5]  }
0x30: {  	s3 =	sld [smem:$0x3FA8]  }
0x31: {  	[smem:$0x3FB1] =	sst s10  }
0x32: {  	s10 =	sld [smem:$0x3FAF];
	_ =	sdelay $0x3  }
0x33: {  	p0 =	seq.s32 s10, $0x1;
	s10 =	sld [smem:$0x3FB1];
	_ =	sdelay $0x3  }
0x34: {  	[smem:$0x3FB1] =	sst s10  }
0x35: {  	s10 =	sld [smem:$0x3FB0];
	_ =	sdelay $0x3  }
0x36: {  	p1 =	seq.s32 s10, $0x1;
	s10 =	sld [smem:$0x3FB1];
	_ =	sdelay $0x3  }
0x37: {  	[smem:$0x3FB1] =	sst s10  }
0x38: {  	s10 =	sld [smem:$0x3FB2]  }
0x39: {  	_ = 	snop;
	(pc) =	sbr.ind lr, $3  }
0x3a: {  	_ = 	snop  }
0x3b: {  	_ = 	snop  }
0x3c: {  	p2 =	seq.s32 s10, $0x1;
	s10 =	sld [smem:$0x3FB1]  }
0x3d: {  	_ =	shalt  }
0x3e: {  	_ =	shalt  }
0x3f: {  	_ =	shalt  }
0x40: {  	_ =	shalt  }
0x41: {  	_ =	shalt  }
0x42: {  	_ =	shalt  }
0x43: {  	_ =	shalt  }
0x44: {  	_ =	shalt  }
0x45: {  	_ =	shalt  }
0x46: {  	_ =	shalt  }
0x47: {  	_ =	shalt  }
0x48: {  	_ =	shalt  }
0x49: {  	_ =	shalt  }
0x4a: {  	_ =	shalt  }
0x4b: {  	_ =	shalt  }
0x4c: {  	_ =	shalt  }
0x4d: {  	_ =	shalt  }
0x4e: {  	_ =	shalt  }
0x4f: {  	_ =	shalt  }
0x50: {  	_ =	shalt  }
0x51: {  	_ =	shalt  }
0x52: {  	_ =	shalt  }
0x53: {  	_ =	shalt  }
0x54: {  	_ =	shalt  }
0x55: {  	_ =	shalt  }
0x56: {  	_ =	shalt  }
0x57: {  	_ =	shalt  }
0x58: {  	_ =	shalt  }
0x59: {  	_ =	shalt  }
0x5a: {  	_ =	shalt  }
0x5b: {  	_ =	shalt  }
0x5c: {  	_ =	shalt  }
0x5d: {  	_ =	shalt  }
0x5e: {  	_ =	shalt  }
0x5f: {  	_ =	shalt  }
0x60: {  	_ =	shalt  }
0x61: {  	_ =	shalt  }
0x62: {  	_ =	shalt  }
0x63: {  	_ =	shalt  }
0x64: {  	_ =	shalt  }
0x65: {  	_ =	shalt  }
0x66: {  	_ =	shalt  }
0x67: {  	_ =	shalt  }
0x68: {  	_ =	shalt  }
0x69: {  	_ =	shalt  }
0x6a: {  	_ =	shalt  }
0x6b: {  	_ =	shalt  }
0x6c: {  	_ =	shalt  }
0x6d: {  	_ =	shalt  }
0x6e: {  	_ =	shalt  }
0x6f: {  	_ =	shalt  }
0x70: {  	_ =	shalt  }
0x71: {  	_ =	shalt  }
0x72: {  	_ =	shalt  }
0x73: {  	_ =	shalt  }
0x74: {  	_ =	shalt  }
0x75: {  	_ =	shalt  }
0x76: {  	_ =	shalt  }
0x77: {  	_ =	shalt  }
0x78: {  	_ =	shalt  }
0x79: {  	_ =	shalt  }
0x7a: {  	_ =	shalt  }
0x7b: {  	_ =	shalt  }
0x7c: {  	_ =	shalt  }
0x7d: {  	_ =	shalt  }
0x7e: {  	_ =	shalt  }
0x7f: {  	_ =	shalt  }
0x80: {  	_ =	shalt  }
0x81: {  	_ =	shalt  }
0x82: {  	_ =	shalt  }
0x83: {  	_ =	shalt  }
0x84: {  	_ =	shalt  }
0x85: {  	_ =	shalt  }
0x86: {  	_ =	shalt  }
0x87: {  	_ =	shalt  }
.Lfunc_end0:
.L_simem_size_0:
called_computation_lowered:
.L_overlay_start_0:
0x88: {  	s2 =	sld [smem:$0x3FD9]  }
0x89: {  	s3 =	sld [smem:$0x3FFE];
	_ =	sdelay $0x1  }
0x8a: {  	s1 =	srdreg.scid  }
0x8b: {  	s0 =	sand.u32 $0x1, s1  }
0x8c: {  	s16 =	sshll.u32 s0, $0xA;
	s2 =	sadd.s32 s3, s2  }
0x8d: {  	s2 =	sadd.s32 s2, s16  }
0x8e: {  	[smem:$0x3FBD] =	sst s2  }
0x8f: {  	_ = 	snop  }
0x90: {  	(tm) =	ssettm $0x1  }
0x91: {  	s17 =	sld [smem:$0x3FFB];
	_ =	sdelay $0x3  }
0x92: {  	_ =	strace s17  }
0x93: {  	s2 =	sld [smem:$0x3FFC];
	_ =	sdelay $0x3  }
0x94: {  	_ =	strace s2  }
0x95: {  	s2 =	sld [smem:$0x3FFD];
	_ =	sdelay $0x3  }
0x96: {  	_ =	strace s2  }
0x97: {  	_ =	strace $0x8FFFFFFF  }
0x98: {  	s18 =	sld [smem:$0x3FDB];
	_ =	sdelay $0x1  }
0x99: {  	s19 =	simm.s32 $_scs_section_size  }
0x9a: {  	s4 =	simm.s32 $_size__tile_overlayer_lowered;
	s5 =	simm.s32 $_tile_overlayer_lowered  }
0x9b: {  	s22 =	simm.s32 $0x1BFF;
	s21 =	sshll.u32 s5, $0x1;
	s2 =	sadd.s32 s19, s18  }
0x9c: {  	s6 =	simm.s32 $0x0;
	s20 =	sshll.u32 s4, $0x1;
	s4 =	sadd.s32 s21, s2  }
0x9d: {  	[timem:s6], [sflag:s22] =	dma.local [hbm:s4], s20  }
0x9e: {  	_ =	swait.ge [sflag:s22], s20  }
0x9f: {  	s3 =	ssub.s32 $0x0, s20;
	[sflag:s22] =	ssyncset.done $0x0  }
0xa0: {  	[sflag:s22] =	ssyncadd.s32 s3;
	_ =	sdelay $0x1  }
0xa1: {  	s23 =	simm.s32 $0x1B8B  }
0xa2: {  	_ =	swait.ge [sflag:s23], $0x1  }
0xa3: {  	[sflag:s23] =	ssyncset.done $0x0  }
0xa4: {  	s25 =	simm.s32 $0x1B8E;
	s24 =	sld [smem:$0x3FFE];
	[sflag:s23] =	ssyncadd.s32 $0xFFFFFFFF  }
0xa5: {  	s26 =	simm.s32 $execute0_lowered;
	[smem:$0x3FD2] =	sst s25  }
0xa6: {  	s4 =	sshll.u32 s26, $0x1;
	_ =	strace $0x80000046;
	[dreg:$0x1] =	wrdreg $0xFFFFFFFF  }
0xa7: {  	s28 =	simm.s32 $_size_execute0_lowered;
	s2 =	sadd.s32 s2, s4;
	[dreg:$0x0] =	wrdreg $0x0  }
0xa8: {  	s4 =	sshll.u32 s28, $0x1;
	[dreg:$0x2] =	wrdreg s2  }
0xa9: {  	[dreg:$0x3] =	wrdreg s4  }
0xaa: {  	[dreg:$0x4] =	wrdreg $0xC0  }
0xab: {  	_ =	task [dreg:s6], $0x5FFFF  }
0xac: {  	[dreg:$0x1] =	wrdreg $0xFFFFFFFF  }
0xad: {  	[dreg:$0x0] =	wrdreg $0x60  }
0xae: {  	[dreg:$0x2] =	wrdreg s24  }
0xaf: {  	[dreg:$0x3] =	wrdreg $0x9  }
0xb0: {  	_ =	task.clear_ibuf [dreg:s6], $0x4FFFF;
	_ =	strace $0x90000046  }
0xb1: {  	s29 =	simm.s32 $0x9;
	_ =	strace $0x80000048  }
0xb2: {  	_ =	swait.ge [sflag:s29], $0x1  }
0xb3: {  	[sflag:s29] =	ssyncadd.s32 $0xFFFFFFFF  }
0xb4: {  	_ =	strace $0x90000048  }
0xb5: {  	_ =	sfence  }
0xb6: {  	s30 =	sld [smem:$0x0];
	_ =	sdelay $0x2  }
0xb7: {  	s31 =	sshll.u32 s1, $0xD;
	s1 =	sshrl.u32 s1, $0x2  }
0xb8: {  	s3 =	sand.u32 $0x4000, s31;
	s1 =	sadd.s32 s1, s30  }
0xb9: {  	s0 =	sor.u32 s3, s0;
	s1 =	sshll.u32 s1, $0x11  }
0xba: {  	s0 =	sor.u32 s1, s0  }
0xbb: {  	s0 =	sadd.s32 $0x8F2B, s0  }
0xbc: {  	[sflag:s0] =	ssyncadd.remote.s32 $0x1  }
0xbd: {  	_ =	sfence.sel $0xFFFF  }
0xbe: {  	[dreg:$0x0] =	wrdreg $0xFFFFFFFF;
	(pc) =	sbr.abs _section_cstart, $3  }
0xbf: {  	[dreg:$0x1] =	wrdreg $0xFFFFFFFF  }
0xc0: {  	_ =	task.clear_ibuf [dreg:s6], $0x2FFFF;
	_ =	strace $0x9FFFFFFF  }
0xc1: {  	(tm) =	ssettm $0x7FFFFFFF  }
tec
execute0_lowered:
.L_overlay_start_1:
0x0: {  	(tag) =	ssettag $0x1  }
0x1: {  	s1 =	srdreg.scid  }
0x2: {  	s0 =	stileid.u32;
	s3 =	rddreg [dreg:$0x0];
	s2 =	simm.s32 $0x0  }
0x3: {  	s11 =	simm.s32 $0x3200;
	s12 =	simm.s32 $0x4B00;
	s13 =	simm.s32 $0x6400  }
0x4: {  	s14 =	simm.s32 $0x1;
	s4 =	sand.u32 $0x1, s1;
	s30 =	sshll.u32 s0, $0x1  }
0x5: {  	s15 =	simm.s32 $0x0;
	s8 =	smul.u32 $0x3200, s0;
	s5 =	sor.u32 s4, s30  }
0x6: {  	s1 =	rddreg [dreg:$0x1];
	s6 =	ssub.s32 $0x2, s4;
	s5 =	smul.u32 $0x1900, s5  }
0x7: {  	[smem:$0x7FF] =	sst s2;
	s10 =	smul.u32 $0x1900, s4;
	s31 =	sshrl.u32 s6, $0x1  }
0x8: {  	_ =	strace $0x80000047;
	s9 =	ssub.s32 s6, s31;
	s5 =	sshrl.u32 s5, $0x3  }
0x9: {  	s8 =	sadd.s32 s10, s8;
	s10 =	simm.s32 $0x1900;
	s7 =	sadd.s32 s5, s3  }
0xa: {  	s3 =	sadd.s32 $0x17800, s3;
	s4 =	sadd.s32 $0x11400, s7;
	s5 =	sadd.s32 $0xB000, s7  }
0xb: {  	v0 =	vlaneseq.u32;
	s6 =	sadd.s32 $0x4C00, s7;
	s7 =	smax.u32 s9, $0x1;
	s9 =	simm.s32 $0x2  }
.LBB2_1:
0xc: {  	[tilespmem:s2], [sflag:$0x2] =	stream.linear.gather [hbm4b:s4+s2], $0x1900, $0x38;
	[tilespmem:$0x7D00] =	vst v63  }
0xd: {  	_ =	swait.ge [sflag:s9], $0x1900  }
0xe: {  	[sflag:s9] =	ssyncset.done $0x0  }
0xf: {  	[sflag:s9] =	ssyncadd.s32 $0xFFFFE700  }
0x10: {  	[tilespmem:s10], [sflag:$0x2] =	stream.linear.gather [hbm4b:s5+s2], $0x1900, $0x38;
	[tilespmem:$0x7D00] =	vst v63  }
0x11: {  	_ =	swait.ge [sflag:s9], $0x1900  }
0x12: {  	[sflag:s9] =	ssyncset.done $0x0  }
0x13: {  	[sflag:s9] =	ssyncadd.s32 $0xFFFFE700  }
0x14: {  	[tilespmem:s11], [sflag:$0x2] =	stream.linear.gather [hbm4b:s6+s2], $0x1900, $0x38;
	[tilespmem:$0x7D00] =	vst v63  }
0x15: {  	_ =	swait.ge [sflag:s9], $0x1900  }
0x16: {  	[sflag:s9] =	ssyncset.done $0x0  }
0x17: {  	s16 =	simm.s32 $0x0;
	[sflag:s9] =	ssyncadd.s32 $0xFFFFE700  }
0x18: {  	v2 =	vor.u32 s8, v0;
	v1 =	vld [tilespmem:s16+$0x0]  }
0x19: {  	[tilespmem:s16+$0x6400] =	vst v2;
	v2 =	vld [tilespmem:s16+$0x1900];
	_ =	sdelay $0x1  }
0x1a: {  	v3 =	vld [tilespmem:s16+$0x3200]  }
0x1b: {  	s17 =	simm.s32 $0x40;
	s18 =	sadd.s32 $0x10, s8  }
.LBB2_2:
0x1c: {  	s19 =	sshra.s32 s17, $0x2;
	v4 =	vor.u32 s18, v0;
	p0 =	sne.s32 s17, $0x63C0;
	s17 =	sadd.s32 $0x40, s17;
	v5 =	vmul.u32 $0x2D00, v1  }
.Ltmp0:
0x1d: {  	v1 =	vld [tilespmem:s19+$0x0];
	[tilespmem:s19+$0x6400] =	vst v4;
	v4 =	vshll.u32 v2, $0x5;
	(pc) =	sbr.rel @p0 .LBB2_2-.Ltmp0, $4  }
0x1e: {  	v2 =	vld [tilespmem:s19+$0x1900];
	v4 =	vadd.s32 v5, v4  }
0x1f: {  	v4 =	vadd.s32 v3, v4  }
0x20: {  	v3 =	vld [tilespmem:s19+$0x3200];
	[tilespmem:s16+$0x4B00] =	vst v4;
	s16 =	smov.u32 s19  }
0x21: {  	s18 =	sadd.s32 $0x10, s18  }
0x22: {  	v1 =	vmul.u32 $0x2D00, v1  }
0x23: {  	v2 =	vshll.u32 v2, $0x5  }
0x24: {  	s15 =	sadd.s32 $0x1, s15;
	v1 =	vadd.s32 v1, v2  }
0x25: {  	p0 =	sne.s32 s15, s7;
	v1 =	vadd.s32 v3, v1  }
.Ltmp1:
0x26: {  	[tilespmem:s16+$0x4B00] =	vst v1;
	(pc) =	sbr.rel @p0 .LBB2_1-.Ltmp1, $4  }
0x27: {  	[hbm4b:s3+s10] =	stream.indirect.scatter [tilespmem:s13], [sflag:$0x1], $0x1, s12, s10, $0xb8;
	[tilespmem:$0x7D00] =	vst v63  }
0x28: {  	_ =	swait.ge [sflag:s14], $0x1900  }
0x29: {  	[sflag:s14] =	ssyncset.done $0x0  }
0x2a: {  	[sflag:s14] =	ssyncadd.s32 $0xFFFFE700  }
0x2b: {  	_ =	sfence.sel $0x180000  }
0x2c: {  	[bflag:$0x0] =	sbarrier.arrive $0xFFFF  }
0x2d: {  	p0 =	sne.s32 s0, $0x0;
	_ =	strace $0x90000047  }
0x2e: {  	s0 =	sadd.s32 @!p0 $0x100000, s1;
	[bflag:$0x2] =	sbarrier.arrive $0xFFFF  }
0x2f: {  	[sflag:s0] =	ssyncadd.tile.s32 @!p0 $0x1;
	_ =	shalt  }
.Lfunc_end2:
_tile_overlayer_lowered:
.L_overlay_start_2:
0x30: {  	(tag) =	ssettag $0x2  }
0x31: {  	s0 =	rddreg [dreg:$0x0];
	s2 =	stileid.u32  }
0x32: {  	s1 =	rddreg [dreg:$0x1];
	p0 =	sne.s32 s2, $0x0  }
0x33: {  	s3 =	rddreg [dreg:$0x2];
	[bflag:$0x3] =	sbarrier.arrive $0xFFFF;
	s2 =	simm.s32 @!p0 $0x1C02  }
0x34: {  	[timem:s3], [sflag:s2] =	dma.local @!p0 [hbm:s0], s1  }
0x35: {  	s0 =	simm.s32 @!p0 $0x2  }
0x36: {  	_ =	swait.ge @!p0 [sflag:s0], s1  }
0x37: {  	s1 =	ssub.s32 @!p0 $0x0, s1;
	[sflag:s0] =	ssyncset.done @!p0 $0x0  }
0x38: {  	[sflag:s0] =	ssyncadd.s32 @!p0 s1  }
0x39: {  	[bflag:$0x3] =	sbarrier.arrive $0xFFFF  }
0x3a: {  	_ =	shalt  }

// kernel: kernel.9.cloned.1.call-start
scs
__scs_entry_jumppad:
0x0: {  	(pc) =	sbr.rel $0x88, $3  }
0x1: {  	(tag) =	ssettag $0x0;
	lr =	simm.s32 $0x1  }
0x2: {  	[smem:$0x3F96] =	sst lr;
	_ =	strace $0xD0000000  }
0x3: {  	_ = 	snop  }
0x4: {  	_ = 	snop  }
0x5: {  	_ = 	snop  }
0x6: {  	_ = 	snop  }
0x7: {  	_ = 	snop  }
__scs_overlays_trampoline_lowered:
0x8: {  	[smem:$0x3FA5] =	sst s0  }
0x9: {  	[smem:$0x3FA6] =	sst s1  }
0xa: {  	[smem:$0x3FA7] =	sst s2  }
0xb: {  	[smem:$0x3FA8] =	sst s3  }
0xc: {  	[smem:$0x3FA9] =	sst s4  }
0xd: {  	[smem:$0x3FAA] =	sst s5  }
0xe: {  	[smem:$0x3FAB] =	sst s6  }
0xf: {  	[smem:$0x3FAC] =	sst s7  }
0x10: {  	[smem:$0x3FAD] =	sst s8  }
0x11: {  	[smem:$0x3FAE] =	sst s9;
	s0 =	simm.s32 @!p0 $0x0  }
0x12: {  	s1 =	sld [smem:$0x3F94];
	s0 =	simm.s32 @p0 $0x1  }
0x13: {  	[smem:$0x3FAF] =	sst s0;
	s0 =	simm.s32 @!p1 $0x0  }
0x14: {  	s2 =	sld [smem:$0x3F93];
	s0 =	simm.s32 @p1 $0x1  }
0x15: {  	[smem:$0x3FB0] =	sst s0;
	s0 =	simm.s32 @!p2 $0x0  }
0x16: {  	s3 =	sld [smem:$0x3FDB];
	s0 =	simm.s32 @p2 $0x1  }
0x17: {  	s4 =	simm.s32 $0x1BF5;
	[smem:$0x3FB2] =	sst s0  }
0x18: {  	s0 =	sld [smem:$0x3F95];
	_ =	swait.ge [sflag:s4], $0x0  }
0x19: {  	s7 =	sld [smem:$0x3F96]  }
0x1a: {  	s8 =	sadd.s32 $0xFFFFE003, lr  }
0x1b: {  	s9 =	sadd.s32 $0xFFFFFEF7, lr;
	s5 =	simm.s32 $0xFFFFFFFF;
	p2 =	slt.u32 s8, $0xFFFFF086  }
0x1c: {  	p1 =	slt.u32 s9, $0xF7A;
	s5 =	simm.s32 @!p2 $0x0  }
0x1d: {  	s5 =	simm.s32 @p1 $0x1;
	p0 =	seq.s32 s7, s2  }
0x1e: {  	s7 =	smul.u32 @!p0 $0xF7A, s2;
	p2 =	seq.s32 @!p0 s5, $0x0  }
0x1f: {  	s9 =	smul.u32 $0xF7A, s1;
	s8 =	simm.s32 @!p0 $0x1BF5;
	p2 =	por !p2, p0  }
0x20: {  	[sflag:s8] =	ssyncset.s32 @!p0 $0xFFFFF086;
	s6 =	sadd.s32 @!p0 s3, s7;
	s7 =	simm.s32 @!p0 $0x108  }
0x21: {  	s3 =	sadd.s32 s3, s9;
	s6 =	sadd.s32 @!p0 $0x88, s6;
	s7 =	simm.s32 @p2 $0x1082  }
0x22: {  	[simem:s7], [sflag:s8] =	dma.local @!p0 [hbm:s6], $0xF7A  }
0x23: {  	s9 =	sor.u32 $0xD0000000, s2;
	s6 =	simm.s32 $0x108;
	_ =	swait.ge @!p0 [sflag:s8], $0x0  }
0x24: {  	s3 =	sadd.s32 $0x88, s3;
	s6 =	simm.s32 @!p1 $0x1082;
	[sflag:s4] =	ssyncset.s32 $0xFFFFF086  }
0x25: {  	[simem:s6], [sflag:s4] =	dma.local [hbm:s3], $0xF7A  }
0x26: {  	[smem:$0x3F96] =	sst s1;
	(tag) =	ssettag s2;
	_ =	strace s9  }
0x27: {  	s1 =	sld [smem:$0x3FA6]  }
0x28: {  	s2 =	sld [smem:$0x3FA7]  }
0x29: {  	s4 =	sld [smem:$0x3FA9]  }
0x2a: {  	p0 =	seq.s32 s5, $0x0;
	s5 =	sld [smem:$0x3FAA]  }
0x2b: {  	s6 =	sld [smem:$0x3FAB]  }
0x2c: {  	s7 =	sld [smem:$0x3FAC]  }
0x2d: {  	s3 =	simm.s32 $0x108;
	s8 =	sld [smem:$0x3FAD]  }
0x2e: {  	s3 =	simm.s32 @!p0 $0x1082;
	s9 =	sld [smem:$0x3FAE]  }
0x2f: {  	lr =	sadd.s32 s0, s3;
	s0 =	sld [smem:$0x3FA5]  }
0x30: {  	s3 =	sld [smem:$0x3FA8]  }
0x31: {  	[smem:$0x3FB1] =	sst s10  }
0x32: {  	s10 =	sld [smem:$0x3FAF];
	_ =	sdelay $0x3  }
0x33: {  	p0 =	seq.s32 s10, $0x1;
	s10 =	sld [smem:$0x3FB1];
	_ =	sdelay $0x3  }
0x34: {  	[smem:$0x3FB1] =	sst s10  }
0x35: {  	s10 =	sld [smem:$0x3FB0];
	_ =	sdelay $0x3  }
0x36: {  	p1 =	seq.s32 s10, $0x1;
	s10 =	sld [smem:$0x3FB1];
	_ =	sdelay $0x3  }
0x37: {  	[smem:$0x3FB1] =	sst s10  }
0x38: {  	s10 =	sld [smem:$0x3FB2]  }
0x39: {  	_ = 	snop;
	(pc) =	sbr.ind lr, $3  }
0x3a: {  	_ = 	snop  }
0x3b: {  	_ = 	snop  }
0x3c: {  	p2 =	seq.s32 s10, $0x1;
	s10 =	sld [smem:$0x3FB1]  }
0x3d: {  	_ =	shalt  }
0x3e: {  	_ =	shalt  }
0x3f: {  	_ =	shalt  }
0x40: {  	_ =	shalt  }
0x41: {  	_ =	shalt  }
0x42: {  	_ =	shalt  }
0x43: {  	_ =	shalt  }
0x44: {  	_ =	shalt  }
0x45: {  	_ =	shalt  }
0x46: {  	_ =	shalt  }
0x47: {  	_ =	shalt  }
0x48: {  	_ =	shalt  }
0x49: {  	_ =	shalt  }
0x4a: {  	_ =	shalt  }
0x4b: {  	_ =	shalt  }
0x4c: {  	_ =	shalt  }
0x4d: {  	_ =	shalt  }
0x4e: {  	_ =	shalt  }
0x4f: {  	_ =	shalt  }
0x50: {  	_ =	shalt  }
0x51: {  	_ =	shalt  }
0x52: {  	_ =	shalt  }
0x53: {  	_ =	shalt  }
0x54: {  	_ =	shalt  }
0x55: {  	_ =	shalt  }
0x56: {  	_ =	shalt  }
0x57: {  	_ =	shalt  }
0x58: {  	_ =	shalt  }
0x59: {  	_ =	shalt  }
0x5a: {  	_ =	shalt  }
0x5b: {  	_ =	shalt  }
0x5c: {  	_ =	shalt  }
0x5d: {  	_ =	shalt  }
0x5e: {  	_ =	shalt  }
0x5f: {  	_ =	shalt  }
0x60: {  	_ =	shalt  }
0x61: {  	_ =	shalt  }
0x62: {  	_ =	shalt  }
0x63: {  	_ =	shalt  }
0x64: {  	_ =	shalt  }
0x65: {  	_ =	shalt  }
0x66: {  	_ =	shalt  }
0x67: {  	_ =	shalt  }
0x68: {  	_ =	shalt  }
0x69: {  	_ =	shalt  }
0x6a: {  	_ =	shalt  }
0x6b: {  	_ =	shalt  }
0x6c: {  	_ =	shalt  }
0x6d: {  	_ =	shalt  }
0x6e: {  	_ =	shalt  }
0x6f: {  	_ =	shalt  }
0x70: {  	_ =	shalt  }
0x71: {  	_ =	shalt  }
0x72: {  	_ =	shalt  }
0x73: {  	_ =	shalt  }
0x74: {  	_ =	shalt  }
0x75: {  	_ =	shalt  }
0x76: {  	_ =	shalt  }
0x77: {  	_ =	shalt  }
0x78: {  	_ =	shalt  }
0x79: {  	_ =	shalt  }
0x7a: {  	_ =	shalt  }
0x7b: {  	_ =	shalt  }
0x7c: {  	_ =	shalt  }
0x7d: {  	_ =	shalt  }
0x7e: {  	_ =	shalt  }
0x7f: {  	_ =	shalt  }
0x80: {  	_ =	shalt  }
0x81: {  	_ =	shalt  }
0x82: {  	_ =	shalt  }
0x83: {  	_ =	shalt  }
0x84: {  	_ =	shalt  }
0x85: {  	_ =	shalt  }
0x86: {  	_ =	shalt  }
0x87: {  	_ =	shalt  }
.Lfunc_end0:
.L_simem_size_0:
called_computation.1_lowered:
.L_overlay_start_0:
0x88: {  	s2 =	sld [smem:$0x3FD9]  }
0x89: {  	s3 =	sld [smem:$0x3FFE];
	_ =	sdelay $0x1  }
0x8a: {  	s1 =	srdreg.scid  }
0x8b: {  	s0 =	sand.u32 $0x1, s1  }
0x8c: {  	s17 =	sshll.u32 s0, $0xA;
	s2 =	sadd.s32 s3, s2  }
0x8d: {  	s2 =	sadd.s32 s2, s17  }
0x8e: {  	[smem:$0x3FBD] =	sst s2  }
0x8f: {  	_ = 	snop  }
0x90: {  	s2 =	sld [smem:$0x3FD0];
	(tm) =	ssettm $0x1  }
0x91: {  	s18 =	sld [smem:$0x3FFB];
	_ =	sdelay $0x3  }
0x92: {  	_ =	strace s18  }
0x93: {  	s3 =	sld [smem:$0x3FFC];
	_ =	sdelay $0x3  }
0x94: {  	_ =	strace s3  }
0x95: {  	s3 =	sld [smem:$0x3FFD];
	_ =	sdelay $0x3  }
0x96: {  	_ =	strace s3  }
0x97: {  	_ =	strace $0x8FFFFFFF  }
0x98: {  	s19 =	sld [smem:$0x3FDB];
	_ =	sdelay $0x1  }
0x99: {  	s4 =	simm.s32 $_scs_section_size  }
0x9a: {  	s5 =	simm.s32 $_size__tile_overlayer_lowered;
	s6 =	simm.s32 $_tile_overlayer_lowered  }
0x9b: {  	s22 =	simm.s32 $0x1BFF;
	s21 =	sshll.u32 s6, $0x1;
	s3 =	sadd.s32 s4, s19  }
0x9c: {  	s7 =	simm.s32 $0x0;
	s20 =	sshll.u32 s5, $0x1;
	s5 =	sadd.s32 s21, s3  }
0x9d: {  	[timem:s7], [sflag:s22] =	dma.local [hbm:s5], s20  }
0x9e: {  	_ =	swait.ge [sflag:s22], s20  }
0x9f: {  	s4 =	ssub.s32 $0x0, s20;
	[sflag:s22] =	ssyncset.done $0x0  }
0xa0: {  	[sflag:s22] =	ssyncadd.s32 s4;
	_ =	sdelay $0x1  }
0xa1: {  	s23 =	simm.s32 $0x1B8B  }
0xa2: {  	_ =	swait.ge [sflag:s23], $0x1  }
0xa3: {  	[sflag:s23] =	ssyncset.done $0x0  }
0xa4: {  	s25 =	simm.s32 $0x1B8E;
	s24 =	sld [smem:$0x3FFE];
	[sflag:s23] =	ssyncadd.s32 $0xFFFFFFFF  }
0xa5: {  	s26 =	simm.s32 $execute0_lowered;
	[smem:$0x3FD2] =	sst s25  }
0xa6: {  	s5 =	sshll.u32 s26, $0x1;
	_ =	strace $0x80000049;
	[dreg:$0x1] =	wrdreg $0xFFFFFFFF  }
0xa7: {  	s28 =	simm.s32 $_size_execute0_lowered;
	s3 =	sadd.s32 s3, s5;
	[dreg:$0x0] =	wrdreg $0x0  }
0xa8: {  	s5 =	sshll.u32 s28, $0x1;
	[dreg:$0x2] =	wrdreg s3  }
0xa9: {  	[dreg:$0x3] =	wrdreg s5  }
0xaa: {  	[dreg:$0x4] =	wrdreg $0xC0  }
0xab: {  	_ =	task [dreg:s7], $0x5FFFF  }
0xac: {  	[dreg:$0x1] =	wrdreg $0xFFFFFFFF  }
0xad: {  	[dreg:$0x0] =	wrdreg $0x60  }
0xae: {  	[dreg:$0x2] =	wrdreg s24  }
0xaf: {  	[dreg:$0x3] =	wrdreg s2  }
0xb0: {  	[dreg:$0x4] =	wrdreg $0x0  }
0xb1: {  	[dreg:$0x5] =	wrdreg $0x9  }
0xb2: {  	_ =	task.clear_ibuf [dreg:s7], $0x6FFFF;
	_ =	strace $0x90000049  }
0xb3: {  	s29 =	simm.s32 $0x9;
	_ =	strace $0x8000004B  }
0xb4: {  	_ =	swait.ge [sflag:s29], $0x1  }
0xb5: {  	[sflag:s29] =	ssyncadd.s32 $0xFFFFFFFF  }
0xb6: {  	_ =	strace $0x9000004B  }
0xb7: {  	_ =	sfence  }
0xb8: {  	s30 =	sld [smem:$0x0];
	_ =	sdelay $0x2  }
0xb9: {  	s31 =	sshll.u32 s1, $0xD;
	s1 =	sshrl.u32 s1, $0x2  }
0xba: {  	s3 =	sand.u32 $0x4000, s31;
	s1 =	sadd.s32 s1, s30  }
0xbb: {  	s0 =	sor.u32 s3, s0;
	s1 =	sshll.u32 s1, $0x11  }
0xbc: {  	s0 =	sor.u32 s1, s0  }
0xbd: {  	s0 =	sadd.s32 $0x8F2B, s0  }
0xbe: {  	[sflag:s0] =	ssyncadd.remote.s32 $0x1  }
0xbf: {  	_ =	sfence.sel $0xFFFF  }
0xc0: {  	[dreg:$0x0] =	wrdreg $0xFFFFFFFF;
	(pc) =	sbr.abs _section_cstart, $3  }
0xc1: {  	[dreg:$0x1] =	wrdreg $0xFFFFFFFF  }
0xc2: {  	_ =	task.clear_ibuf [dreg:s7], $0x2FFFF;
	_ =	strace $0x9FFFFFFF  }
0xc3: {  	(tm) =	ssettm $0x7FFFFFFF  }
tec
execute0_lowered:
.L_overlay_start_1:
0x0: {  	(tag) =	ssettag $0x1  }
0x1: {  	s0 =	rddreg [dreg:$0x0]  }
0x2: {  	s2 =	srdreg.scid;
	s16 =	stileid.u32  }
0x3: {  	s1 =	rddreg [dreg:$0x1];
	s3 =	simm.s32 $0x0;
	s29 =	simm.s32 $0xF240  }
0x4: {  	s30 =	simm.s32 $0x1;
	s31 =	simm.s32 $0x12440;
	s28 =	simm.s32 $0x14160  }
0x5: {  	s4 =	sand.u32 $0x1, s2;
	s5 =	sshll.u32 s16, $0x1;
	s2 =	rddreg [dreg:$0x2]  }
0x6: {  	[smem:$0x7FF] =	sst s3;
	s6 =	sadd.s32 $0x11400, s0;
	s9 =	smul.u32 $0x640, s16  }
0x7: {  	s7 =	sadd.s32 $0xB000, s0;
	s10 =	sadd.s32 $0x4C00, s0;
	s11 =	sadd.s32 $0x87DA00, s0  }
0x8: {  	s5 =	sor.u32 s4, s5;
	s8 =	ssub.s32 $0x2, s4;
	s15 =	sadd.s32 s6, s9  }
0x9: {  	s5 =	smul.u32 $0x1900, s5;
	s13 =	sadd.s32 s7, s9;
	[dreg:$0x4] =	wrdreg s15  }
0xa: {  	s12 =	sshrl.u32 s8, $0x1;
	s9 =	sadd.s32 s10, s9;
	[dreg:$0x5] =	wrdreg s13  }
0xb: {  	s4 =	smul.u32 $0x1900, s4;
	s8 =	ssub.s32 s8, s12;
	[dreg:$0x6] =	wrdreg s9  }
0xc: {  	s17 =	sshrl.u32 s5, $0x3;
	s9 =	sadd.s32 $0x64000, s5;
	s13 =	sadd.s32 $0xC8000, s5  }
0xd: {  	s6 =	sadd.s32 s6, s17;
	s18 =	sadd.s32 s7, s17;
	s19 =	sadd.s32 s10, s17  }
0xe: {  	s20 =	sadd.s32 s11, s17;
	s22 =	sshrl.u32 s9, $0x3;
	[dreg:$0x7] =	wrdreg s6  }
0xf: {  	s10 =	sadd.s32 $0x96000, s5;
	s24 =	sshrl.u32 s13, $0x3;
	[dreg:$0x8] =	wrdreg s18  }
0x10: {  	s17 =	smul.u32 $0x3200, s16;
	v2 =	vmov s9;
	s9 =	simm.s32 $0x8E40;
	[dreg:$0x9] =	wrdreg s19  }
0x11: {  	v4 =	vmov s13;
	s13 =	simm.s32 $0x200;
	s6 =	sadd.s32 $0x32000, s5;
	[dreg:$0xa] =	wrdreg s20  }
0x12: {  	s12 =	sadd.s32 s11, s22;
	s23 =	sshrl.u32 s10, $0x3;
	s15 =	sadd.s32 s11, s24  }
0x13: {  	s20 =	smul.u32 $0xA900, s16;
	s18 =	sadd.s32 $0x17800, s0;
	s19 =	sadd.s32 $0x3CDA00, s0  }
0x14: {  	s22 =	simm.s32 $0xC040;
	s24 =	simm.s32 $0x5C40;
	s0 =	simm.s32 $0x13F50  }
0x15: {  	s21 =	sshrl.u32 s6, $0x3;
	s14 =	sadd.s32 s11, s23;
	s17 =	sadd.s32 s4, s17  }
0x16: {  	s23 =	simm.s32 $0x2;
	s4 =	simm.s32 $0x14360;
	s7 =	sadd.s32 s11, s21  }
0x17: {  	v6 =	vimm.s32 $0x0;
	v7 =	vimm.s32 $0x1;
	s26 =	sshrl.u32 s20, $0x2;
	[dreg:$0xb] =	wrdreg s7;
	s7 =	sadd.s32 $0xFA000, s5  }
0x18: {  	v8 =	vlaneseq.u32;
	vm0 =	vmxor vm0, vm0;
	v0 =	vmov s5;
	s21 =	smax.u32 s8, $0x1;
	s20 =	sadd.s32 s26, s2;
	s25 =	sshrl.u32 s7, $0x3  }
0x19: {  	v3 =	vmov s10;
	v1 =	vmov s6;
	_ =	strace $0x8000004A;
	v5 =	vmov s7;
	s16 =	sadd.s32 s11, s25;
	s11 =	simm.s32 $0x2A40  }
.LBB2_1:
0x1a: {  	s5 =	simm.s32 $0x40;
	s6 =	simm.s32 $0x0  }
.LBB2_2:
0x1b: {  	p0 =	sne.s32 s5, $0xA8C0;
	[tilespmem:s6+$0xC040] =	vst v6;
	s6 =	smov.u32 s5;
	s5 =	sadd.s32 $0x40, s5  }
.Ltmp0:
0x1c: {  	(pc) =	sbr.rel @p0 .LBB2_2-.Ltmp0, $2  }
0x1d: {  	_ =	sdelay $0x2  }
0x1e: {  	s6 =	sshra.s32 s6, $0x2  }
0x1f: {  	[tilespmem:s6+$0xC040] =	vst v6  }
0x20: {  	[spmem:s20] =	stream.linear.scatter [tilespmem:s22], [sflag:$0x2], $0x2A40, $0x38;
	[tilespmem:$0x18360] =	vst v63  }
0x21: {  	_ =	swait.ge [sflag:s23], $0x2A40  }
0x22: {  	[sflag:s23] =	ssyncset.done $0x0  }
0x23: {  	[sflag:s23] =	ssyncadd.s32 $0xFFFFD5C0  }
0x24: {  	[bflag:$0x0] =	sbarrier.arrive $0xFFFF  }
0x25: {  	s5 =	simm.s32 $0x0;
	s10 =	rddreg [dreg:$0x4]  }
0x26: {  	[tilespmem:s11], [sflag:$0x2] =	stream.linear.gather [hbm4b:s10+s5], $0x3200, $0x38;
	[tilespmem:$0x18360] =	vst v63  }
0x27: {  	_ =	swait.ge [sflag:s23], $0x3200  }
0x28: {  	[sflag:s23] =	ssyncset.done $0x0  }
0x29: {  	s25 =	rddreg [dreg:$0x5];
	[sflag:s23] =	ssyncadd.s32 $0xFFFFCE00  }
0x2a: {  	[tilespmem:s24], [sflag:$0x2] =	stream.linear.gather [hbm4b:s25+s5], $0x3200, $0x38;
	[tilespmem:$0x18360] =	vst v63  }
0x2b: {  	_ =	swait.ge [sflag:s23], $0x3200  }
0x2c: {  	[sflag:s23] =	ssyncset.done $0x0  }
0x2d: {  	s26 =	rddreg [dreg:$0x6];
	[sflag:s23] =	ssyncadd.s32 $0xFFFFCE00  }
0x2e: {  	[tilespmem:s9], [sflag:$0x2] =	stream.linear.gather [hbm4b:s26+s5], $0x3200, $0x38;
	[tilespmem:$0x18360] =	vst v63  }
0x2f: {  	_ =	swait.ge [sflag:s23], $0x3200  }
0x30: {  	[sflag:s23] =	ssyncset.done $0x0  }
0x31: {  	s6 =	simm.s32 $0x0;
	[sflag:s23] =	ssyncadd.s32 $0xFFFFCE00  }
0x32: {  	v9 =	vld [tilespmem:s6+$0x2A40];
	_ =	sdelay $0x1  }
0x33: {  	v10 =	vld [tilespmem:s6+$0x5C40]  }
0x34: {  	v11 =	vld [tilespmem:s6+$0x8E40];
	_ =	sdelay $0x1  }
0x35: {  	s5 =	simm.s32 $0x10;
	v12 =	vmul.u32 $0x168, v9  }
0x36: {  	v9 =	vld [tilespmem:s5+$0x2A40]  }
0x37: {  	v12 =	vadd.s32 v10, v12  }
0x38: {  	v13 =	vshll.u32 v7, v11;
	v10 =	vld [tilespmem:s5+$0x5C40];
	vm1 =	vlt.s32 v12, $0x2A300  }
0x39: {  	v11 =	vld [tilespmem:s5+$0x8E40];
	v13 =	vnsel vm1, $0x0, v13  }
0x3a: {  	s7 =	simm.s32 $0x80;
	v12 =	vnsel vm1, $0x2A308, v12;
	[tilespmem:s6+$0xF240] =	vst v13  }
.LBB2_4:
0x3b: {  	s8 =	sshra.s32 s7, $0x2;
	p0 =	sne.s32 s7, $0xC7C0;
	s7 =	sadd.s32 $0x40, s7;
	v13 =	vmul.u32 $0x168, v9;
	[tilespmem:s6+$0xC040] =	vst v12  }
.Ltmp1:
0x3c: {  	s6 =	smov.u32 s5;
	v9 =	vld [tilespmem:s8+$0x2A40];
	s5 =	smov.u32 s8;
	(pc) =	sbr.rel @p0 .LBB2_4-.Ltmp1, $4  }
0x3d: {  	v12 =	vadd.s32 v10, v13  }
0x3e: {  	v10 =	vld [tilespmem:s5+$0x5C40];
	vm1 =	vlt.s32 v12, $0x2A300;
	v13 =	vshll.u32 v7, v11  }
0x3f: {  	v11 =	vld [tilespmem:s5+$0x8E40];
	v12 =	vnsel vm1, $0x2A308, v12;
	v13 =	vnsel vm1, $0x0, v13  }
0x40: {  	[tilespmem:s6+$0xF240] =	vst v13  }
0x41: {  	v9 =	vmul.u32 $0x168, v9;
	_ =	sdelay $0x1  }
0x42: {  	v9 =	vadd.s32 v10, v9  }
0x43: {  	vm1 =	vlt.s32 v9, $0x2A300;
	v10 =	vshll.u32 v7, v11  }
0x44: {  	[tilespmem:s6+$0xC040] =	vst v12;
	v10 =	vnsel vm1, $0x0, v10  }
0x45: {  	v9 =	vnsel vm1, $0x2A308, v9;
	[tilespmem:s5+$0xF240] =	vst v10  }
0x46: {  	s7 =	simm.s32 $0x3200;
	[tilespmem:s5+$0xC040] =	vst v9  }
0x47: {  	[spmem:s2] =	stream.indirect.scatter.add.s32 [tilespmem:s29], [sflag:$0x2], $0x1, s22, s7, $0xb8;
	[tilespmem:$0x18360] =	vst v63  }
0x48: {  	_ =	swait.ge [sflag:s23], $0x3200  }
0x49: {  	[sflag:s23] =	ssyncset.done $0x0  }
0x4a: {  	[sflag:s23] =	ssyncadd.s32 $0xFFFFCE00  }
0x4b: {  	[bflag:$0x0] =	sbarrier.arrive $0xFFFF  }
0x4c: {  	s8 =	simm.s32 $0x0;
	s10 =	rddreg [dreg:$0x7]  }
0x4d: {  	[tilespmem:s11], [sflag:$0x2] =	stream.linear.gather [hbm4b:s10+s8], $0x1900, $0x38;
	[tilespmem:$0x18360] =	vst v63  }
0x4e: {  	_ =	swait.ge [sflag:s23], $0x1900  }
0x4f: {  	[sflag:s23] =	ssyncset.done $0x0  }
0x50: {  	s25 =	rddreg [dreg:$0x8];
	[sflag:s23] =	ssyncadd.s32 $0xFFFFE700  }
0x51: {  	[tilespmem:s24], [sflag:$0x2] =	stream.linear.gather [hbm4b:s25+s8], $0x1900, $0x38;
	[tilespmem:$0x18360] =	vst v63  }
0x52: {  	_ =	swait.ge [sflag:s23], $0x1900  }
0x53: {  	[sflag:s23] =	ssyncset.done $0x0  }
0x54: {  	s26 =	rddreg [dreg:$0x9];
	[sflag:s23] =	ssyncadd.s32 $0xFFFFE700  }
0x55: {  	[tilespmem:s9], [sflag:$0x2] =	stream.linear.gather [hbm4b:s26+s8], $0x1900, $0x38;
	[tilespmem:$0x18360] =	vst v63  }
0x56: {  	_ =	swait.ge [sflag:s23], $0x1900  }
0x57: {  	[sflag:s23] =	ssyncset.done $0x0  }
0x58: {  	s5 =	simm.s32 $0x0;
	[sflag:s23] =	ssyncadd.s32 $0xFFFFE700  }
0x59: {  	v9 =	vld [tilespmem:s5+$0x2A40];
	_ =	sdelay $0x1  }
0x5a: {  	v10 =	vld [tilespmem:s5+$0x5C40];
	_ =	sdelay $0x2  }
0x5b: {  	v9 =	vmul.u32 $0x168, v9;
	_ =	sdelay $0x1  }
0x5c: {  	s6 =	simm.s32 $0x10;
	v9 =	vadd.s32 v9, v10  }
0x5d: {  	v11 =	vadd.s32 $0xFFFFFE98, v9;
	v9 =	vld [tilespmem:s6+$0x2A40];
	_ =	sdelay $0x1  }
0x5e: {  	v10 =	vld [tilespmem:s6+$0x5C40]  }
0x5f: {  	vm1 =	vgt.s32 v11, $0x0  }
0x60: {  	s7 =	simm.s32 $0x80;
	v11 =	vnsel vm1, $0x0, v11  }
.LBB2_6:
0x61: {  	s8 =	sshra.s32 s7, $0x2;
	p0 =	sne.s32 s7, $0x63C0;
	s7 =	sadd.s32 $0x40, s7;
	v12 =	vmul.u32 $0x168, v9;
	v11 =	vmin.u32 v11, $0x2A2FF  }
.Ltmp2:
0x62: {  	v9 =	vld [tilespmem:s8+$0x2A40];
	[tilespmem:s5+$0xC040] =	vst v11;
	s5 =	smov.u32 s6;
	s6 =	smov.u32 s8;
	(pc) =	sbr.rel @p0 .LBB2_6-.Ltmp2, $4  }
0x63: {  	v11 =	vadd.s32 v12, v10  }
0x64: {  	v10 =	vld [tilespmem:s6+$0x5C40];
	v11 =	vadd.s32 $0xFFFFFE98, v11  }
0x65: {  	vm1 =	vgt.s32 v11, $0x0  }
0x66: {  	v11 =	vnsel vm1, $0x0, v11  }
0x67: {  	v9 =	vmul.u32 $0x168, v9;
	_ =	sdelay $0x1  }
0x68: {  	v9 =	vadd.s32 v9, v10  }
0x69: {  	v9 =	vadd.s32 $0xFFFFFE98, v9  }
0x6a: {  	vm1 =	vgt.s32 v9, $0x0  }
0x6b: {  	v10 =	vmin.u32 v11, $0x2A2FF;
	v9 =	vnsel vm1, $0x0, v9  }
0x6c: {  	[tilespmem:s5+$0xC040] =	vst v10;
	v9 =	vmin.u32 v9, $0x2A2FF  }
0x6d: {  	s5 =	simm.s32 $0x1900;
	[tilespmem:s6+$0xC040] =	vst v9  }
0x6e: {  	[tilespmem:s29], [sflag:$0x1] =	stream.indirect.gather [spmem:s2], $0x1, s22, s5, $0xb8;
	[tilespmem:$0x18360] =	vst v63  }
0x6f: {  	_ =	swait.ge [sflag:s30], $0x1900  }
0x70: {  	[sflag:s30] =	ssyncset.done $0x0  }
0x71: {  	s7 =	simm.s32 $0x13F50;
	s6 =	simm.s32 $0x13D40;
	[sflag:s30] =	ssyncadd.s32 $0xFFFFE700  }
.LBB2_8:
0x72: {  	p0 =	sne.s32 s5, $0x1B00  }
.Ltmp3:
0x73: {  	_ = 	snop;
	(pc) =	sbr.rel @p0 .LBB2_8-.Ltmp3, $4  }
0x74: {  	_ = 	snop  }
0x75: {  	v9 =	vor.u32 s5, v8  }
0x76: {  	[tilespmem:s6+$0x0] =	vst v9  }
0x77: {  	s5 =	sadd.s32 $0x10, s5;
	s6 =	sadd.s32 $0x10, s6;
	[tilespmem:s7+$0x0] =	vst v6;
	s7 =	sadd.s32 $0x10, s7  }
0x78: {  	s5 =	simm.s32 $0x8E40  }
0x79: {  	v9 =	vld [tilespmem:s5+$0x0];
	_ =	sdelay $0x1  }
0x7a: {  	s11 =	simm.s32 $0xF240  }
0x7b: {  	s6 =	simm.s32 $0x2A40;
	v10 =	vld [tilespmem:s11+$0x0]  }
0x7c: {  	v11 =	vld [tilespmem:s6+$0x0]  }
0x7d: {  	vm1 =	vgt.s32 v9, $0x0  }
0x7e: {  	v9 =	vnsel vm1, $0x0, v9  }
0x7f: {  	v9 =	vmin.u32 v9, $0x1F  }
0x80: {  	v10 =	vshrl.u32 v10, v9  }
0x81: {  	s24 =	sadd.s32 $0x0, s17;
	v11 =	vadd.s32 $0xFFFFFFFF, v11;
	v10 =	vand.u32 $0x1, v10  }
0x82: {  	vm3 =	vmmov vm0;
	p0 =	slt.u32 s24, $0x30D40;
	vm1 =	vlt.u32 v11, $0x1E0;
	vm2 =	veq.s32 v10, $0x1  }
0x83: {  	vm3 =	vmneg @p0 vm3;
	vm1 =	vmand vm1, vm2  }
0x84: {  	vm1 =	vmand vm3, vm1  }
0x85: {  	s5 =	simm.s32 $0x12440;
	v10 =	vsel vm1, $0x3F800000, v6;
	v11 =	vmpcnt.ones.xlane vm1  }
0x86: {  	[tilespmem:s5+$0x0] =	vst v10  }
0x87: {  	v10 =	vld [tilespmem:s6+$0x0];
	v11 =	vxor.u32 $0x80000000, v11  }
0x88: {  	s25 =	simm.s32 $0x5C40;
	(xrf0) =	vmax.scan.msk.u32 $0xffff, v11  }
0x89: {  	v11 =	vld [tilespmem:s25+$0x0];
	_ =	sdelay $0x2  }
0x8a: {  	v10 =	vmul.u32 $0x168, v10;
	_ =	sdelay $0x1  }
0x8b: {  	v10 =	vadd.s32 v11, v10;
	v11, _, _ =	vpop (xrf0)  }
0x8c: {  	s26 =	simm.s32 $0x0;
	v10 =	vshll.u32 v10, $0x5;
	(v2sf) =	vpush v11, $0xF  }
0x8d: {  	v11 =	vor.u32 s26, v8;
	v9 =	vor.u32 v9, v10  }
0x8e: {  	[tilespmem:s26+$0x13D40] =	vst.msk vm1, v11;
	v9 =	vadd.s32 $0xFFFFD300, v9  }
0x8f: {  	s7 =	simm.s32 $0x8E50;
	[tilespmem:s26+$0x13F50] =	vst.msk vm1, v9  }
0x90: {  	v9 =	vld [tilespmem:s7+$0x0];
	_ =	sdelay $0x1  }
0x91: {  	s8 =	simm.s32 $0xF250  }
0x92: {  	s6 =	simm.s32 $0x2A50;
	v10 =	vld [tilespmem:s8+$0x0]  }
0x93: {  	v11 =	vld [tilespmem:s6+$0x0]  }
0x94: {  	vm1 =	vgt.s32 v9, $0x0  }
0x95: {  	v9 =	vnsel vm1, $0x0, v9  }
0x96: {  	v9 =	vmin.u32 v9, $0x1F  }
0x97: {  	v10 =	vshrl.u32 v10, v9  }
0x98: {  	s9 =	sadd.s32 $0x10, s17;
	v11 =	vadd.s32 $0xFFFFFFFF, v11;
	v10 =	vand.u32 $0x1, v10  }
0x99: {  	p0 =	slt.u32 s9, $0x30D40;
	vm3 =	vmmov vm0;
	vm1 =	vlt.u32 v11, $0x1E0;
	vm2 =	veq.s32 v10, $0x1  }
0x9a: {  	s11 =	simm.s32 $0x20;
	vm3 =	vmneg @p0 vm3;
	vm1 =	vmand vm1, vm2;
	s10 =	spop (v2sf)  }
0x9b: {  	s9 =	simm.s32 $0x10;
	vm1 =	vmand vm3, vm1;
	s24 =	sadd.s32 $0x0, s10;
	s10 =	simm.s32 $0x5C50  }
.LBB2_10:
0x9c: {  	s24 =	sadd.s32 $0x80000000, s24  }
0x9d: {  	v10 =	vsel vm1, $0x3F800000, v6;
	v11 =	vmpcnt.ones.xlane vm1;
	s5 =	sadd.s32 $0x10, s5;
	s26 =	smov.u32 s11;
	s25 =	sadd.s32 $0x10, s11  }
0x9e: {  	p0 =	sne.s32 s11, $0x18F0;
	[tilespmem:s5+$0x0] =	vst v10  }
0x9f: {  	v10 =	vld [tilespmem:s6+$0x0];
	v11 =	vxor.u32 $0x80000000, v11  }
0xa0: {  	(xrf0) =	vmax.scan.msk.u32 $0xffff, v11  }
0xa1: {  	v12 =	vor.u32 s9, v8;
	s9 =	smov.u32 s26;
	v11 =	vld [tilespmem:s10+$0x0]  }
0xa2: {  	[tilespmem:s24+$0x13D40] =	vst.msk vm1, v12;
	_ =	sdelay $0x1  }
0xa3: {  	v10 =	vmul.u32 $0x168, v10;
	_ =	sdelay $0x1  }
0xa4: {  	v10 =	vadd.s32 v11, v10;
	v11, _, _ =	vpop (xrf0)  }
0xa5: {  	v10 =	vshll.u32 v10, $0x5;
	(v2sf) =	vpush v11, $0xF  }
0xa6: {  	v9 =	vor.u32 v9, v10  }
0xa7: {  	v9 =	vadd.s32 $0xFFFFD300, v9  }
0xa8: {  	s7 =	sadd.s32 $0x10, s7;
	[tilespmem:s24+$0x13F50] =	vst.msk vm1, v9  }
0xa9: {  	v9 =	vld [tilespmem:s7+$0x0];
	_ =	sdelay $0x1  }
0xaa: {  	s8 =	sadd.s32 $0x10, s8  }
0xab: {  	s6 =	sadd.s32 $0x10, s6;
	v10 =	vld [tilespmem:s8+$0x0]  }
0xac: {  	v11 =	vld [tilespmem:s6+$0x0]  }
0xad: {  	vm1 =	vgt.s32 v9, $0x0  }
0xae: {  	v9 =	vnsel vm1, $0x0, v9  }
0xaf: {  	v9 =	vmin.u32 v9, $0x1F  }
.Ltmp4:
0xb0: {  	v10 =	vshrl.u32 v10, v9;
	(pc) =	sbr.rel @p0 .LBB2_10-.Ltmp4, $4  }
0xb1: {  	s11 =	sadd.s32 s9, s17;
	v11 =	vadd.s32 $0xFFFFFFFF, v11;
	v10 =	vand.u32 $0x1, v10  }
0xb2: {  	vm3 =	vmmov vm0;
	p1 =	slt.u32 s11, $0x30D40;
	vm1 =	vlt.u32 v11, $0x1E0;
	vm2 =	veq.s32 v10, $0x1  }
0xb3: {  	vm3 =	vmneg @p1 vm3;
	vm1 =	vmand vm1, vm2;
	s11 =	spop (v2sf)  }
0xb4: {  	s10 =	sadd.s32 $0x10, s10;
	vm1 =	vmand vm3, vm1;
	s24 =	sadd.s32 s11, s24;
	s11 =	smov.u32 s25  }
0xb5: {  	v10 =	vmpcnt.ones.xlane vm1;
	_ =	sdelay $0x1  }
0xb6: {  	v10 =	vxor.u32 $0x80000000, v10  }
0xb7: {  	(xrf0) =	vmax.scan.msk.u32 $0xffff, v10;
	_ =	sdelay $0x5  }
0xb8: {  	v10, _, _ =	vpop (xrf0)  }
0xb9: {  	s5 =	sadd.s32 $0x10, s5;
	(v2sf) =	vpush v10, $0xF;
	v10 =	vsel vm1, $0x3F800000, v6  }
0xba: {  	[tilespmem:s5+$0x0] =	vst v10  }
0xbb: {  	v10 =	vld [tilespmem:s6+$0x0];
	_ =	sdelay $0x1  }
0xbc: {  	v11 =	vld [tilespmem:s10+$0x0];
	_ =	sdelay $0x2  }
0xbd: {  	v10 =	vmul.u32 $0x168, v10;
	_ =	sdelay $0x1  }
0xbe: {  	v10 =	vadd.s32 v11, v10  }
0xbf: {  	v10 =	vshll.u32 v10, $0x5  }
0xc0: {  	s24 =	sadd.s32 $0x80000000, s24;
	v11 =	vor.u32 s9, v8;
	v9 =	vor.u32 v9, v10  }
0xc1: {  	[tilespmem:s24+$0x13D40] =	vst.msk vm1, v11;
	v9 =	vadd.s32 $0xFFFFD300, v9  }
0xc2: {  	s26 =	rddreg [dreg:$0xa];
	s5 =	simm.s32 $0x0;
	[tilespmem:s24+$0x13F50] =	vst.msk vm1, v9  }
0xc3: {  	[hbm4b:s26+s5] =	stream.linear.scatter [tilespmem:s31], [sflag:$0x2], $0x1900, $0x38;
	[tilespmem:$0x18360] =	vst v63  }
0xc4: {  	s25 =	spop (v2sf)  }
0xc5: {  	_ =	swait.ge [sflag:s23], $0x1900  }
0xc6: {  	[sflag:s23] =	ssyncset.done $0x0  }
0xc7: {  	[sflag:s23] =	ssyncadd.s32 $0xFFFFE700  }
0xc8: {  	[tilespmem:s28], [sflag:$0x1] =	stream.indirect.gather [hbm4b:s18+s13], $0x1, s0, s13, $0xb8;
	[tilespmem:$0x18360] =	vst v63  }
0xc9: {  	_ =	swait.ge [sflag:s30], $0x200  }
0xca: {  	[sflag:s30] =	ssyncset.done $0x0  }
0xcb: {  	s6 =	simm.s32 $0x0;
	[sflag:s30] =	ssyncadd.s32 $0xFFFFFE00  }
0xcc: {  	v10 =	vld [tilespmem:s6+$0x13D40];
	_ =	sdelay $0x3  }
0xcd: {  	s5 =	simm.s32 $0x10  }
0xce: {  	v9 =	vld [tilespmem:s5+$0x13D40];
	vm1 =	vlt.s32 v10, $0x1900  }
0xcf: {  	v11 =	vnsel vm1, $0x2F440, v0  }
0xd0: {  	v11 =	vadd.s32 v10, v11;
	v10 =	vld [tilespmem:s6+$0x14160];
	_ =	sdelay $0x1  }
0xd1: {  	s7 =	simm.s32 $0x80;
	[tilespmem:s6+$0x14160] =	vst v11  }
.LBB2_12:
0xd2: {  	s8 =	sshra.s32 s7, $0x2;
	p0 =	sne.s32 s7, $0x7C0;
	s7 =	sadd.s32 $0x40, s7;
	vm1 =	vlt.s32 v9, $0x1900;
	v11 =	vmov v9  }
.Ltmp5:
0xd3: {  	v9 =	vld [tilespmem:s8+$0x13D40];
	v12 =	vnsel vm1, $0x2F440, v0;
	(pc) =	sbr.rel @p0 .LBB2_12-.Ltmp5, $4  }
0xd4: {  	v11 =	vadd.s32 v11, v12;
	vm1 =	vgt.s32 v10, $0x0  }
0xd5: {  	[tilespmem:s5+$0x14160] =	vst v11;
	v11 =	vnsel vm1, $0x0, v10;
	v10 =	vld [tilespmem:s5+$0x14160]  }
0xd6: {  	v11 =	vmin.u32 v11, $0x30D3F  }
0xd7: {  	[tilespmem:s6+$0x13F50] =	vst v11;
	s6 =	smov.u32 s5;
	s5 =	smov.u32 s8  }
0xd8: {  	v11 =	vld [tilespmem:s5+$0x14160];
	_ =	sdelay $0x2  }
0xd9: {  	vm1 =	vlt.s32 v9, $0x1900  }
0xda: {  	v12 =	vnsel vm1, $0x2F440, v0;
	vm1 =	vgt.s32 v10, $0x0  }
0xdb: {  	v9 =	vadd.s32 v9, v12;
	v10 =	vnsel vm1, $0x0, v10;
	vm1 =	vgt.s32 v11, $0x0  }
0xdc: {  	[tilespmem:s5+$0x14160] =	vst v9;
	v9 =	vmin.u32 v10, $0x30D3F;
	v10 =	vnsel vm1, $0x0, v11  }
0xdd: {  	[tilespmem:s6+$0x13F50] =	vst v9;
	v9 =	vmin.u32 v10, $0x30D3F  }
0xde: {  	[tilespmem:s5+$0x13F50] =	vst v9  }
0xdf: {  	[tilespmem:s4], [sflag:$0x1] =	stream.indirect.gather [hbm4b:s1+s13], $0x20, s0, s13, $0xb8;
	[tilespmem:$0x18360] =	vst v63  }
0xe0: {  	_ =	swait.ge [sflag:s30], $0x4000  }
0xe1: {  	[sflag:s30] =	ssyncset.done $0x0  }
0xe2: {  	[sflag:s30] =	ssyncadd.s32 $0xFFFFC000  }
0xe3: {  	[hbm4b:s19+s13] =	stream.indirect.scatter [tilespmem:s4], [sflag:$0x1], $0x20, s28, s13, $0xb8;
	[tilespmem:$0x18360] =	vst v63  }
0xe4: {  	_ =	swait.ge [sflag:s30], $0x4000  }
0xe5: {  	[sflag:s30] =	ssyncset.done $0x0  }
0xe6: {  	s5 =	simm.s32 $0x0;
	[sflag:s30] =	ssyncadd.s32 $0xFFFFC000  }
0xe7: {  	v9 =	vld [tilespmem:s5+$0x2A40];
	_ =	sdelay $0x1  }
0xe8: {  	v10 =	vld [tilespmem:s5+$0x5C40];
	_ =	sdelay $0x2  }
0xe9: {  	v9 =	vmul.u32 $0x168, v9;
	_ =	sdelay $0x1  }
0xea: {  	s6 =	simm.s32 $0x10;
	v9 =	vadd.s32 v9, v10  }
0xeb: {  	v11 =	vadd.s32 $0x168, v9;
	v9 =	vld [tilespmem:s6+$0x2A40];
	_ =	sdelay $0x1  }
0xec: {  	v10 =	vld [tilespmem:s6+$0x5C40]  }
0xed: {  	vm1 =	vgt.s32 v11, $0x0  }
0xee: {  	s7 =	simm.s32 $0x80;
	v11 =	vnsel vm1, $0x0, v11  }
.LBB2_14:
0xef: {  	s8 =	sshra.s32 s7, $0x2;
	p0 =	sne.s32 s7, $0x63C0;
	s7 =	sadd.s32 $0x40, s7;
	v12 =	vmul.u32 $0x168, v9;
	v11 =	vmin.u32 v11, $0x2A2FF  }
.Ltmp6:
0xf0: {  	v9 =	vld [tilespmem:s8+$0x2A40];
	[tilespmem:s5+$0xC040] =	vst v11;
	s5 =	smov.u32 s6;
	s6 =	smov.u32 s8;
	(pc) =	sbr.rel @p0 .LBB2_14-.Ltmp6, $4  }
0xf1: {  	v11 =	vadd.s32 v12, v10  }
0xf2: {  	v10 =	vld [tilespmem:s6+$0x5C40];
	v11 =	vadd.s32 $0x168, v11  }
0xf3: {  	vm1 =	vgt.s32 v11, $0x0  }
0xf4: {  	v11 =	vnsel vm1, $0x0, v11  }
0xf5: {  	v9 =	vmul.u32 $0x168, v9;
	_ =	sdelay $0x1  }
0xf6: {  	v9 =	vadd.s32 v9, v10  }
0xf7: {  	v9 =	vadd.s32 $0x168, v9  }
0xf8: {  	vm1 =	vgt.s32 v9, $0x0  }
0xf9: {  	v10 =	vmin.u32 v11, $0x2A2FF;
	v9 =	vnsel vm1, $0x0, v9  }
0xfa: {  	[tilespmem:s5+$0xC040] =	vst v10;
	v9 =	vmin.u32 v9, $0x2A2FF  }
0xfb: {  	s5 =	simm.s32 $0x1900;
	[tilespmem:s6+$0xC040] =	vst v9  }
0xfc: {  	[tilespmem:s29], [sflag:$0x1] =	stream.indirect.gather [spmem:s2], $0x1, s22, s5, $0xb8;
	[tilespmem:$0x18360] =	vst v63  }
0xfd: {  	_ =	swait.ge [sflag:s30], $0x1900  }
0xfe: {  	[sflag:s30] =	ssyncset.done $0x0  }
0xff: {  	s7 =	simm.s32 $0x13F50;
	s6 =	simm.s32 $0x13D40;
	[sflag:s30] =	ssyncadd.s32 $0xFFFFE700  }
.LBB2_16:
0x100: {  	p0 =	sne.s32 s5, $0x1B00  }
.Ltmp7:
0x101: {  	_ = 	snop;
	(pc) =	sbr.rel @p0 .LBB2_16-.Ltmp7, $4  }
0x102: {  	_ = 	snop  }
0x103: {  	v9 =	vor.u32 s5, v8  }
0x104: {  	[tilespmem:s6+$0x0] =	vst v9  }
0x105: {  	s5 =	sadd.s32 $0x10, s5;
	s6 =	sadd.s32 $0x10, s6;
	[tilespmem:s7+$0x0] =	vst v6;
	s7 =	sadd.s32 $0x10, s7  }
0x106: {  	s5 =	simm.s32 $0x8E40  }
0x107: {  	v9 =	vld [tilespmem:s5+$0x0];
	_ =	sdelay $0x1  }
0x108: {  	s11 =	simm.s32 $0xF240  }
0x109: {  	s6 =	simm.s32 $0x2A40;
	v10 =	vld [tilespmem:s11+$0x0]  }
0x10a: {  	v11 =	vld [tilespmem:s6+$0x0]  }
0x10b: {  	vm1 =	vgt.s32 v9, $0x0  }
0x10c: {  	v9 =	vnsel vm1, $0x0, v9  }
0x10d: {  	v9 =	vmin.u32 v9, $0x1F  }
0x10e: {  	v10 =	vshrl.u32 v10, v9  }
0x10f: {  	s24 =	sadd.s32 $0x0, s17;
	v11 =	vadd.s32 $0x1, v11;
	v10 =	vand.u32 $0x1, v10  }
0x110: {  	vm3 =	vmmov vm0;
	p0 =	slt.u32 s24, $0x30D40;
	vm1 =	vlt.u32 v11, $0x1E0;
	vm2 =	veq.s32 v10, $0x1  }
0x111: {  	vm3 =	vmneg @p0 vm3;
	vm1 =	vmand vm1, vm2  }
0x112: {  	vm1 =	vmand vm3, vm1  }
0x113: {  	s5 =	simm.s32 $0x12440;
	v10 =	vsel vm1, $0x3F800000, v6;
	v11 =	vmpcnt.ones.xlane vm1  }
0x114: {  	[tilespmem:s5+$0x0] =	vst v10  }
0x115: {  	v10 =	vld [tilespmem:s6+$0x0];
	v11 =	vxor.u32 $0x80000000, v11  }
0x116: {  	s25 =	simm.s32 $0x5C40;
	(xrf0) =	vmax.scan.msk.u32 $0xffff, v11  }
0x117: {  	v11 =	vld [tilespmem:s25+$0x0];
	_ =	sdelay $0x2  }
0x118: {  	v10 =	vmul.u32 $0x168, v10;
	_ =	sdelay $0x1  }
0x119: {  	v10 =	vadd.s32 v11, v10;
	v11, _, _ =	vpop (xrf0)  }
0x11a: {  	s26 =	simm.s32 $0x0;
	v10 =	vshll.u32 v10, $0x5;
	(v2sf) =	vpush v11, $0xF  }
0x11b: {  	v11 =	vor.u32 s26, v8;
	v9 =	vor.u32 v9, v10  }
0x11c: {  	[tilespmem:s26+$0x13D40] =	vst.msk vm1, v11;
	v9 =	vadd.s32 $0x2D00, v9  }
0x11d: {  	s7 =	simm.s32 $0x8E50;
	[tilespmem:s26+$0x13F50] =	vst.msk vm1, v9  }
0x11e: {  	v9 =	vld [tilespmem:s7+$0x0];
	_ =	sdelay $0x1  }
0x11f: {  	s8 =	simm.s32 $0xF250  }
0x120: {  	s6 =	simm.s32 $0x2A50;
	v10 =	vld [tilespmem:s8+$0x0]  }
0x121: {  	v11 =	vld [tilespmem:s6+$0x0]  }
0x122: {  	vm1 =	vgt.s32 v9, $0x0  }
0x123: {  	v9 =	vnsel vm1, $0x0, v9  }
0x124: {  	v9 =	vmin.u32 v9, $0x1F  }
0x125: {  	v10 =	vshrl.u32 v10, v9  }
0x126: {  	s9 =	sadd.s32 $0x10, s17;
	v11 =	vadd.s32 $0x1, v11;
	v10 =	vand.u32 $0x1, v10  }
0x127: {  	p0 =	slt.u32 s9, $0x30D40;
	vm3 =	vmmov vm0;
	vm1 =	vlt.u32 v11, $0x1E0;
	vm2 =	veq.s32 v10, $0x1  }
0x128: {  	s11 =	simm.s32 $0x20;
	vm3 =	vmneg @p0 vm3;
	vm1 =	vmand vm1, vm2;
	s10 =	spop (v2sf)  }
0x129: {  	s9 =	simm.s32 $0x10;
	vm1 =	vmand vm3, vm1;
	s24 =	sadd.s32 $0x0, s10;
	s10 =	simm.s32 $0x5C50  }
.LBB2_18:
0x12a: {  	s24 =	sadd.s32 $0x80000000, s24  }
0x12b: {  	v10 =	vsel vm1, $0x3F800000, v6;
	v11 =	vmpcnt.ones.xlane vm1;
	s5 =	sadd.s32 $0x10, s5;
	s26 =	smov.u32 s11;
	s25 =	sadd.s32 $0x10, s11  }
0x12c: {  	p0 =	sne.s32 s11, $0x18F0;
	[tilespmem:s5+$0x0] =	vst v10  }
0x12d: {  	v10 =	vld [tilespmem:s6+$0x0];
	v11 =	vxor.u32 $0x80000000, v11  }
0x12e: {  	(xrf0) =	vmax.scan.msk.u32 $0xffff, v11  }
0x12f: {  	v12 =	vor.u32 s9, v8;
	s9 =	smov.u32 s26;
	v11 =	vld [tilespmem:s10+$0x0]  }
0x130: {  	[tilespmem:s24+$0x13D40] =	vst.msk vm1, v12;
	_ =	sdelay $0x1  }
0x131: {  	v10 =	vmul.u32 $0x168, v10;
	_ =	sdelay $0x1  }
0x132: {  	v10 =	vadd.s32 v11, v10;
	v11, _, _ =	vpop (xrf0)  }
0x133: {  	v10 =	vshll.u32 v10, $0x5;
	(v2sf) =	vpush v11, $0xF  }
0x134: {  	v9 =	vor.u32 v9, v10  }
0x135: {  	v9 =	vadd.s32 $0x2D00, v9  }
0x136: {  	s7 =	sadd.s32 $0x10, s7;
	[tilespmem:s24+$0x13F50] =	vst.msk vm1, v9  }
0x137: {  	v9 =	vld [tilespmem:s7+$0x0];
	_ =	sdelay $0x1  }
0x138: {  	s8 =	sadd.s32 $0x10, s8  }
0x139: {  	s6 =	sadd.s32 $0x10, s6;
	v10 =	vld [tilespmem:s8+$0x0]  }
0x13a: {  	v11 =	vld [tilespmem:s6+$0x0]  }
0x13b: {  	vm1 =	vgt.s32 v9, $0x0  }
0x13c: {  	v9 =	vnsel vm1, $0x0, v9  }
0x13d: {  	v9 =	vmin.u32 v9, $0x1F  }
.Ltmp8:
0x13e: {  	v10 =	vshrl.u32 v10, v9;
	(pc) =	sbr.rel @p0 .LBB2_18-.Ltmp8, $4  }
0x13f: {  	s11 =	sadd.s32 s9, s17;
	v11 =	vadd.s32 $0x1, v11;
	v10 =	vand.u32 $0x1, v10  }
0x140: {  	vm3 =	vmmov vm0;
	p1 =	slt.u32 s11, $0x30D40;
	vm1 =	vlt.u32 v11, $0x1E0;
	vm2 =	veq.s32 v10, $0x1  }
0x141: {  	vm3 =	vmneg @p1 vm3;
	vm1 =	vmand vm1, vm2;
	s11 =	spop (v2sf)  }
0x142: {  	s10 =	sadd.s32 $0x10, s10;
	vm1 =	vmand vm3, vm1;
	s24 =	sadd.s32 s11, s24;
	s11 =	smov.u32 s25  }
0x143: {  	v10 =	vmpcnt.ones.xlane vm1;
	_ =	sdelay $0x1  }
0x144: {  	v10 =	vxor.u32 $0x80000000, v10  }
0x145: {  	(xrf0) =	vmax.scan.msk.u32 $0xffff, v10;
	_ =	sdelay $0x5  }
0x146: {  	v10, _, _ =	vpop (xrf0)  }
0x147: {  	s5 =	sadd.s32 $0x10, s5;
	(v2sf) =	vpush v10, $0xF;
	v10 =	vsel vm1, $0x3F800000, v6  }
0x148: {  	[tilespmem:s5+$0x0] =	vst v10  }
0x149: {  	v10 =	vld [tilespmem:s6+$0x0];
	_ =	sdelay $0x1  }
0x14a: {  	v11 =	vld [tilespmem:s10+$0x0];
	_ =	sdelay $0x2  }
0x14b: {  	v10 =	vmul.u32 $0x168, v10;
	_ =	sdelay $0x1  }
0x14c: {  	v10 =	vadd.s32 v11, v10  }
0x14d: {  	v10 =	vshll.u32 v10, $0x5  }
0x14e: {  	s24 =	sadd.s32 $0x80000000, s24;
	v11 =	vor.u32 s9, v8;
	v9 =	vor.u32 v9, v10  }
0x14f: {  	[tilespmem:s24+$0x13D40] =	vst.msk vm1, v11;
	v9 =	vadd.s32 $0x2D00, v9  }
0x150: {  	s26 =	rddreg [dreg:$0xb];
	s5 =	simm.s32 $0x0;
	[tilespmem:s24+$0x13F50] =	vst.msk vm1, v9  }
0x151: {  	[hbm4b:s26+s5] =	stream.linear.scatter [tilespmem:s31], [sflag:$0x2], $0x1900, $0x38;
	[tilespmem:$0x18360] =	vst v63  }
0x152: {  	s25 =	spop (v2sf)  }
0x153: {  	_ =	swait.ge [sflag:s23], $0x1900  }
0x154: {  	[sflag:s23] =	ssyncset.done $0x0  }
0x155: {  	[sflag:s23] =	ssyncadd.s32 $0xFFFFE700  }
0x156: {  	[tilespmem:s28], [sflag:$0x1] =	stream.indirect.gather [hbm4b:s18+s13], $0x1, s0, s13, $0xb8;
	[tilespmem:$0x18360] =	vst v63  }
0x157: {  	_ =	swait.ge [sflag:s30], $0x200  }
0x158: {  	[sflag:s30] =	ssyncset.done $0x0  }
0x159: {  	s6 =	simm.s32 $0x0;
	[sflag:s30] =	ssyncadd.s32 $0xFFFFFE00  }
0x15a: {  	v10 =	vld [tilespmem:s6+$0x13D40];
	_ =	sdelay $0x3  }
0x15b: {  	s5 =	simm.s32 $0x10  }
0x15c: {  	v9 =	vld [tilespmem:s5+$0x13D40];
	vm1 =	vlt.s32 v10, $0x1900  }
0x15d: {  	v11 =	vnsel vm1, $0x61440, v1  }
0x15e: {  	v11 =	vadd.s32 v10, v11;
	v10 =	vld [tilespmem:s6+$0x14160];
	_ =	sdelay $0x1  }
0x15f: {  	s7 =	simm.s32 $0x80;
	[tilespmem:s6+$0x14160] =	vst v11  }
.LBB2_20:
0x160: {  	s8 =	sshra.s32 s7, $0x2;
	p0 =	sne.s32 s7, $0x7C0;
	s7 =	sadd.s32 $0x40, s7;
	vm1 =	vlt.s32 v9, $0x1900;
	v11 =	vmov v9  }
.Ltmp9:
0x161: {  	v9 =	vld [tilespmem:s8+$0x13D40];
	v12 =	vnsel vm1, $0x61440, v1;
	(pc) =	sbr.rel @p0 .LBB2_20-.Ltmp9, $4  }
0x162: {  	v11 =	vadd.s32 v11, v12;
	vm1 =	vgt.s32 v10, $0x0  }
0x163: {  	[tilespmem:s5+$0x14160] =	vst v11;
	v11 =	vnsel vm1, $0x0, v10;
	v10 =	vld [tilespmem:s5+$0x14160]  }
0x164: {  	v11 =	vmin.u32 v11, $0x30D3F  }
0x165: {  	[tilespmem:s6+$0x13F50] =	vst v11;
	s6 =	smov.u32 s5;
	s5 =	smov.u32 s8  }
0x166: {  	v11 =	vld [tilespmem:s5+$0x14160];
	_ =	sdelay $0x2  }
0x167: {  	vm1 =	vlt.s32 v9, $0x1900  }
0x168: {  	v12 =	vnsel vm1, $0x61440, v1;
	vm1 =	vgt.s32 v10, $0x0  }
0x169: {  	v9 =	vadd.s32 v9, v12;
	v10 =	vnsel vm1, $0x0, v10;
	vm1 =	vgt.s32 v11, $0x0  }
0x16a: {  	[tilespmem:s5+$0x14160] =	vst v9;
	v9 =	vmin.u32 v10, $0x30D3F;
	v10 =	vnsel vm1, $0x0, v11  }
0x16b: {  	[tilespmem:s6+$0x13F50] =	vst v9;
	v9 =	vmin.u32 v10, $0x30D3F  }
0x16c: {  	[tilespmem:s5+$0x13F50] =	vst v9  }
0x16d: {  	[tilespmem:s4], [sflag:$0x1] =	stream.indirect.gather [hbm4b:s1+s13], $0x20, s0, s13, $0xb8;
	[tilespmem:$0x18360] =	vst v63  }
0x16e: {  	_ =	swait.ge [sflag:s30], $0x4000  }
0x16f: {  	[sflag:s30] =	ssyncset.done $0x0  }
0x170: {  	[sflag:s30] =	ssyncadd.s32 $0xFFFFC000  }
0x171: {  	[hbm4b:s19+s13] =	stream.indirect.scatter [tilespmem:s4], [sflag:$0x1], $0x20, s28, s13, $0xb8;
	[tilespmem:$0x18360] =	vst v63  }
0x172: {  	_ =	swait.ge [sflag:s30], $0x4000  }
0x173: {  	[sflag:s30] =	ssyncset.done $0x0  }
0x174: {  	s5 =	simm.s32 $0x0;
	[sflag:s30] =	ssyncadd.s32 $0xFFFFC000  }
0x175: {  	v9 =	vld [tilespmem:s5+$0x2A40];
	_ =	sdelay $0x1  }
0x176: {  	v10 =	vld [tilespmem:s5+$0x5C40];
	_ =	sdelay $0x2  }
0x177: {  	v9 =	vmul.u32 $0x168, v9;
	_ =	sdelay $0x1  }
0x178: {  	s6 =	simm.s32 $0x10;
	v9 =	vadd.s32 v9, v10  }
0x179: {  	v11 =	vadd.s32 $0xFFFFFFFF, v9;
	v9 =	vld [tilespmem:s6+$0x2A40];
	_ =	sdelay $0x1  }
0x17a: {  	v10 =	vld [tilespmem:s6+$0x5C40]  }
0x17b: {  	vm1 =	vgt.s32 v11, $0x0  }
0x17c: {  	s7 =	simm.s32 $0x80;
	v11 =	vnsel vm1, $0x0, v11  }
.LBB2_22:
0x17d: {  	s8 =	sshra.s32 s7, $0x2;
	p0 =	sne.s32 s7, $0x63C0;
	s7 =	sadd.s32 $0x40, s7;
	v12 =	vmul.u32 $0x168, v9;
	v11 =	vmin.u32 v11, $0x2A2FF  }
.Ltmp10:
0x17e: {  	v9 =	vld [tilespmem:s8+$0x2A40];
	[tilespmem:s5+$0xC040] =	vst v11;
	s5 =	smov.u32 s6;
	s6 =	smov.u32 s8;
	(pc) =	sbr.rel @p0 .LBB2_22-.Ltmp10, $4  }
0x17f: {  	v11 =	vadd.s32 v12, v10  }
0x180: {  	v10 =	vld [tilespmem:s6+$0x5C40];
	v11 =	vadd.s32 $0xFFFFFFFF, v11  }
0x181: {  	vm1 =	vgt.s32 v11, $0x0  }
0x182: {  	v11 =	vnsel vm1, $0x0, v11  }
0x183: {  	v9 =	vmul.u32 $0x168, v9;
	_ =	sdelay $0x1  }
0x184: {  	v9 =	vadd.s32 v9, v10  }
0x185: {  	v9 =	vadd.s32 $0xFFFFFFFF, v9  }
0x186: {  	vm1 =	vgt.s32 v9, $0x0  }
0x187: {  	v10 =	vmin.u32 v11, $0x2A2FF;
	v9 =	vnsel vm1, $0x0, v9  }
0x188: {  	[tilespmem:s5+$0xC040] =	vst v10;
	v9 =	vmin.u32 v9, $0x2A2FF  }
0x189: {  	s5 =	simm.s32 $0x1900;
	[tilespmem:s6+$0xC040] =	vst v9  }
0x18a: {  	[tilespmem:s29], [sflag:$0x1] =	stream.indirect.gather [spmem:s2], $0x1, s22, s5, $0xb8;
	[tilespmem:$0x18360] =	vst v63  }
0x18b: {  	_ =	swait.ge [sflag:s30], $0x1900  }
0x18c: {  	[sflag:s30] =	ssyncset.done $0x0  }
0x18d: {  	s7 =	simm.s32 $0x13F50;
	s6 =	simm.s32 $0x13D40;
	[sflag:s30] =	ssyncadd.s32 $0xFFFFE700  }
.LBB2_24:
0x18e: {  	p0 =	sne.s32 s5, $0x1B00  }
.Ltmp11:
0x18f: {  	_ = 	snop;
	(pc) =	sbr.rel @p0 .LBB2_24-.Ltmp11, $4  }
0x190: {  	_ = 	snop  }
0x191: {  	v9 =	vor.u32 s5, v8  }
0x192: {  	[tilespmem:s6+$0x0] =	vst v9  }
0x193: {  	s5 =	sadd.s32 $0x10, s5;
	s6 =	sadd.s32 $0x10, s6;
	[tilespmem:s7+$0x0] =	vst v6;
	s7 =	sadd.s32 $0x10, s7  }
0x194: {  	s5 =	simm.s32 $0x8E40  }
0x195: {  	v9 =	vld [tilespmem:s5+$0x0];
	_ =	sdelay $0x1  }
0x196: {  	s24 =	simm.s32 $0xF240  }
0x197: {  	s6 =	simm.s32 $0x5C40;
	v10 =	vld [tilespmem:s24+$0x0]  }
0x198: {  	v11 =	vld [tilespmem:s6+$0x0]  }
0x199: {  	vm1 =	vgt.s32 v9, $0x0  }
0x19a: {  	v9 =	vnsel vm1, $0x0, v9  }
0x19b: {  	v9 =	vmin.u32 v9, $0x1F  }
0x19c: {  	v10 =	vshrl.u32 v10, v9  }
0x19d: {  	s25 =	sadd.s32 $0x0, s17;
	v11 =	vadd.s32 $0xFFFFFFFF, v11;
	v10 =	vand.u32 $0x1, v10  }
0x19e: {  	vm3 =	vmmov vm0;
	p0 =	slt.u32 s25, $0x30D40;
	vm1 =	vlt.u32 v11, $0x168;
	vm2 =	veq.s32 v10, $0x1  }
0x19f: {  	vm3 =	vmneg @p0 vm3;
	vm1 =	vmand vm1, vm2  }
0x1a0: {  	vm1 =	vmand vm3, vm1  }
0x1a1: {  	s5 =	simm.s32 $0x12440;
	v10 =	vsel vm1, $0x3F800000, v6;
	v11 =	vmpcnt.ones.xlane vm1  }
0x1a2: {  	s7 =	simm.s32 $0x2A40;
	[tilespmem:s5+$0x0] =	vst v10  }
0x1a3: {  	v10 =	vld [tilespmem:s7+$0x0];
	v11 =	vxor.u32 $0x80000000, v11  }
0x1a4: {  	(xrf0) =	vmax.scan.msk.u32 $0xffff, v11  }
0x1a5: {  	v11 =	vld [tilespmem:s6+$0x0];
	_ =	sdelay $0x2  }
0x1a6: {  	v10 =	vmul.u32 $0x168, v10;
	_ =	sdelay $0x1  }
0x1a7: {  	v10 =	vadd.s32 v11, v10;
	v11, _, _ =	vpop (xrf0)  }
0x1a8: {  	s26 =	simm.s32 $0x0;
	v10 =	vshll.u32 v10, $0x5;
	(v2sf) =	vpush v11, $0xF  }
0x1a9: {  	v11 =	vor.u32 s26, v8;
	v9 =	vor.u32 v9, v10  }
0x1aa: {  	[tilespmem:s26+$0x13D40] =	vst.msk vm1, v11;
	v9 =	vadd.s32 $0xFFFFFFE0, v9  }
0x1ab: {  	s7 =	simm.s32 $0x8E50;
	[tilespmem:s26+$0x13F50] =	vst.msk vm1, v9  }
0x1ac: {  	v9 =	vld [tilespmem:s7+$0x0];
	_ =	sdelay $0x1  }
0x1ad: {  	s8 =	simm.s32 $0xF250  }
0x1ae: {  	s6 =	simm.s32 $0x5C50;
	v10 =	vld [tilespmem:s8+$0x0]  }
0x1af: {  	v11 =	vld [tilespmem:s6+$0x0]  }
0x1b0: {  	vm1 =	vgt.s32 v9, $0x0  }
0x1b1: {  	v9 =	vnsel vm1, $0x0, v9  }
0x1b2: {  	v9 =	vmin.u32 v9, $0x1F  }
0x1b3: {  	v10 =	vshrl.u32 v10, v9  }
0x1b4: {  	s9 =	sadd.s32 $0x10, s17;
	v11 =	vadd.s32 $0xFFFFFFFF, v11;
	v10 =	vand.u32 $0x1, v10  }
0x1b5: {  	p0 =	slt.u32 s9, $0x30D40;
	vm3 =	vmmov vm0;
	vm1 =	vlt.u32 v11, $0x168;
	vm2 =	veq.s32 v10, $0x1  }
0x1b6: {  	s11 =	simm.s32 $0x20;
	vm3 =	vmneg @p0 vm3;
	vm1 =	vmand vm1, vm2;
	s10 =	spop (v2sf)  }
0x1b7: {  	s9 =	simm.s32 $0x10;
	vm1 =	vmand vm3, vm1;
	s24 =	sadd.s32 $0x0, s10;
	s10 =	simm.s32 $0x2A50  }
.LBB2_26:
0x1b8: {  	s24 =	sadd.s32 $0x80000000, s24  }
0x1b9: {  	v10 =	vsel vm1, $0x3F800000, v6;
	v11 =	vmpcnt.ones.xlane vm1;
	s5 =	sadd.s32 $0x10, s5;
	s26 =	smov.u32 s11;
	s25 =	sadd.s32 $0x10, s11  }
0x1ba: {  	p0 =	sne.s32 s11, $0x18F0;
	[tilespmem:s5+$0x0] =	vst v10  }
0x1bb: {  	v10 =	vld [tilespmem:s10+$0x0];
	v11 =	vxor.u32 $0x80000000, v11  }
0x1bc: {  	(xrf0) =	vmax.scan.msk.u32 $0xffff, v11  }
0x1bd: {  	v12 =	vor.u32 s9, v8;
	s9 =	smov.u32 s26;
	v11 =	vld [tilespmem:s6+$0x0]  }
0x1be: {  	[tilespmem:s24+$0x13D40] =	vst.msk vm1, v12;
	_ =	sdelay $0x1  }
0x1bf: {  	v10 =	vmul.u32 $0x168, v10;
	_ =	sdelay $0x1  }
0x1c0: {  	v10 =	vadd.s32 v11, v10;
	v11, _, _ =	vpop (xrf0)  }
0x1c1: {  	v10 =	vshll.u32 v10, $0x5;
	(v2sf) =	vpush v11, $0xF  }
0x1c2: {  	v9 =	vor.u32 v9, v10  }
0x1c3: {  	v9 =	vadd.s32 $0xFFFFFFE0, v9  }
0x1c4: {  	s7 =	sadd.s32 $0x10, s7;
	[tilespmem:s24+$0x13F50] =	vst.msk vm1, v9  }
0x1c5: {  	v9 =	vld [tilespmem:s7+$0x0];
	_ =	sdelay $0x1  }
0x1c6: {  	s8 =	sadd.s32 $0x10, s8  }
0x1c7: {  	s6 =	sadd.s32 $0x10, s6;
	v10 =	vld [tilespmem:s8+$0x0]  }
0x1c8: {  	v11 =	vld [tilespmem:s6+$0x0]  }
0x1c9: {  	vm1 =	vgt.s32 v9, $0x0  }
0x1ca: {  	v9 =	vnsel vm1, $0x0, v9  }
0x1cb: {  	v9 =	vmin.u32 v9, $0x1F  }
.Ltmp12:
0x1cc: {  	v10 =	vshrl.u32 v10, v9;
	(pc) =	sbr.rel @p0 .LBB2_26-.Ltmp12, $4  }
0x1cd: {  	s11 =	sadd.s32 s9, s17;
	v11 =	vadd.s32 $0xFFFFFFFF, v11;
	v10 =	vand.u32 $0x1, v10  }
0x1ce: {  	vm3 =	vmmov vm0;
	p1 =	slt.u32 s11, $0x30D40;
	vm1 =	vlt.u32 v11, $0x168;
	vm2 =	veq.s32 v10, $0x1  }
0x1cf: {  	vm3 =	vmneg @p1 vm3;
	vm1 =	vmand vm1, vm2;
	s11 =	spop (v2sf)  }
0x1d0: {  	s10 =	sadd.s32 $0x10, s10;
	vm1 =	vmand vm3, vm1;
	s24 =	sadd.s32 s11, s24;
	s11 =	smov.u32 s25  }
0x1d1: {  	v10 =	vmpcnt.ones.xlane vm1;
	_ =	sdelay $0x1  }
0x1d2: {  	v10 =	vxor.u32 $0x80000000, v10  }
0x1d3: {  	(xrf0) =	vmax.scan.msk.u32 $0xffff, v10;
	_ =	sdelay $0x5  }
0x1d4: {  	v10, _, _ =	vpop (xrf0)  }
0x1d5: {  	s5 =	sadd.s32 $0x10, s5;
	(v2sf) =	vpush v10, $0xF;
	v10 =	vsel vm1, $0x3F800000, v6  }
0x1d6: {  	[tilespmem:s5+$0x0] =	vst v10  }
0x1d7: {  	v10 =	vld [tilespmem:s10+$0x0];
	_ =	sdelay $0x1  }
0x1d8: {  	v11 =	vld [tilespmem:s6+$0x0];
	_ =	sdelay $0x2  }
0x1d9: {  	v10 =	vmul.u32 $0x168, v10;
	_ =	sdelay $0x1  }
0x1da: {  	v10 =	vadd.s32 v11, v10  }
0x1db: {  	v10 =	vshll.u32 v10, $0x5  }
0x1dc: {  	s25 =	sadd.s32 $0x80000000, s24;
	v11 =	vor.u32 s9, v8;
	v9 =	vor.u32 v9, v10  }
0x1dd: {  	[tilespmem:s25+$0x13D40] =	vst.msk vm1, v11;
	v9 =	vadd.s32 $0xFFFFFFE0, v9  }
0x1de: {  	s5 =	simm.s32 $0x0;
	[tilespmem:s25+$0x13F50] =	vst.msk vm1, v9  }
0x1df: {  	[hbm4b:s12+s5] =	stream.linear.scatter [tilespmem:s31], [sflag:$0x2], $0x1900, $0x38;
	[tilespmem:$0x18360] =	vst v63  }
0x1e0: {  	s26 =	spop (v2sf)  }
0x1e1: {  	_ =	swait.ge [sflag:s23], $0x1900  }
0x1e2: {  	[sflag:s23] =	ssyncset.done $0x0  }
0x1e3: {  	[sflag:s23] =	ssyncadd.s32 $0xFFFFE700  }
0x1e4: {  	[tilespmem:s28], [sflag:$0x1] =	stream.indirect.gather [hbm4b:s18+s13], $0x1, s0, s13, $0xb8;
	[tilespmem:$0x18360] =	vst v63  }
0x1e5: {  	_ =	swait.ge [sflag:s30], $0x200  }
0x1e6: {  	[sflag:s30] =	ssyncset.done $0x0  }
0x1e7: {  	s6 =	simm.s32 $0x0;
	[sflag:s30] =	ssyncadd.s32 $0xFFFFFE00  }
0x1e8: {  	v10 =	vld [tilespmem:s6+$0x13D40];
	_ =	sdelay $0x3  }
0x1e9: {  	s5 =	simm.s32 $0x10  }
0x1ea: {  	v9 =	vld [tilespmem:s5+$0x13D40];
	vm1 =	vlt.s32 v10, $0x1900  }
0x1eb: {  	v11 =	vnsel vm1, $0x93440, v2  }
0x1ec: {  	v11 =	vadd.s32 v10, v11;
	v10 =	vld [tilespmem:s6+$0x14160];
	_ =	sdelay $0x1  }
0x1ed: {  	s7 =	simm.s32 $0x80;
	[tilespmem:s6+$0x14160] =	vst v11  }
.LBB2_28:
0x1ee: {  	s8 =	sshra.s32 s7, $0x2;
	p0 =	sne.s32 s7, $0x7C0;
	s7 =	sadd.s32 $0x40, s7;
	vm1 =	vlt.s32 v9, $0x1900;
	v11 =	vmov v9  }
.Ltmp13:
0x1ef: {  	v9 =	vld [tilespmem:s8+$0x13D40];
	v12 =	vnsel vm1, $0x93440, v2;
	(pc) =	sbr.rel @p0 .LBB2_28-.Ltmp13, $4  }
0x1f0: {  	v11 =	vadd.s32 v11, v12;
	vm1 =	vgt.s32 v10, $0x0  }
0x1f1: {  	[tilespmem:s5+$0x14160] =	vst v11;
	v11 =	vnsel vm1, $0x0, v10;
	v10 =	vld [tilespmem:s5+$0x14160]  }
0x1f2: {  	v11 =	vmin.u32 v11, $0x30D3F  }
0x1f3: {  	[tilespmem:s6+$0x13F50] =	vst v11;
	s6 =	smov.u32 s5;
	s5 =	smov.u32 s8  }
0x1f4: {  	v11 =	vld [tilespmem:s5+$0x14160];
	_ =	sdelay $0x2  }
0x1f5: {  	vm1 =	vlt.s32 v9, $0x1900  }
0x1f6: {  	v12 =	vnsel vm1, $0x93440, v2;
	vm1 =	vgt.s32 v10, $0x0  }
0x1f7: {  	v9 =	vadd.s32 v9, v12;
	v10 =	vnsel vm1, $0x0, v10;
	vm1 =	vgt.s32 v11, $0x0  }
0x1f8: {  	[tilespmem:s5+$0x14160] =	vst v9;
	v9 =	vmin.u32 v10, $0x30D3F;
	v10 =	vnsel vm1, $0x0, v11  }
0x1f9: {  	[tilespmem:s6+$0x13F50] =	vst v9;
	v9 =	vmin.u32 v10, $0x30D3F  }
0x1fa: {  	[tilespmem:s5+$0x13F50] =	vst v9  }
0x1fb: {  	[tilespmem:s4], [sflag:$0x1] =	stream.indirect.gather [hbm4b:s1+s13], $0x20, s0, s13, $0xb8;
	[tilespmem:$0x18360] =	vst v63  }
0x1fc: {  	_ =	swait.ge [sflag:s30], $0x4000  }
0x1fd: {  	[sflag:s30] =	ssyncset.done $0x0  }
0x1fe: {  	[sflag:s30] =	ssyncadd.s32 $0xFFFFC000  }
0x1ff: {  	[hbm4b:s19+s13] =	stream.indirect.scatter [tilespmem:s4], [sflag:$0x1], $0x20, s28, s13, $0xb8;
	[tilespmem:$0x18360] =	vst v63  }
0x200: {  	_ =	swait.ge [sflag:s30], $0x4000  }
0x201: {  	[sflag:s30] =	ssyncset.done $0x0  }
0x202: {  	s5 =	simm.s32 $0x0;
	[sflag:s30] =	ssyncadd.s32 $0xFFFFC000  }
0x203: {  	v9 =	vld [tilespmem:s5+$0x2A40];
	_ =	sdelay $0x1  }
0x204: {  	v10 =	vld [tilespmem:s5+$0x5C40];
	_ =	sdelay $0x2  }
0x205: {  	v9 =	vmul.u32 $0x168, v9;
	_ =	sdelay $0x1  }
0x206: {  	s6 =	simm.s32 $0x10;
	v9 =	vadd.s32 v9, v10  }
0x207: {  	v11 =	vadd.s32 $0x1, v9;
	v9 =	vld [tilespmem:s6+$0x2A40];
	_ =	sdelay $0x1  }
0x208: {  	v10 =	vld [tilespmem:s6+$0x5C40]  }
0x209: {  	vm1 =	vgt.s32 v11, $0x0  }
0x20a: {  	s7 =	simm.s32 $0x80;
	v11 =	vnsel vm1, $0x0, v11  }
.LBB2_30:
0x20b: {  	s8 =	sshra.s32 s7, $0x2;
	p0 =	sne.s32 s7, $0x63C0;
	s7 =	sadd.s32 $0x40, s7;
	v12 =	vmul.u32 $0x168, v9;
	v11 =	vmin.u32 v11, $0x2A2FF  }
.Ltmp14:
0x20c: {  	v9 =	vld [tilespmem:s8+$0x2A40];
	[tilespmem:s5+$0xC040] =	vst v11;
	s5 =	smov.u32 s6;
	s6 =	smov.u32 s8;
	(pc) =	sbr.rel @p0 .LBB2_30-.Ltmp14, $4  }
0x20d: {  	v11 =	vadd.s32 v12, v10  }
0x20e: {  	v10 =	vld [tilespmem:s6+$0x5C40];
	v11 =	vadd.s32 $0x1, v11  }
0x20f: {  	vm1 =	vgt.s32 v11, $0x0  }
0x210: {  	v11 =	vnsel vm1, $0x0, v11  }
0x211: {  	v9 =	vmul.u32 $0x168, v9;
	_ =	sdelay $0x1  }
0x212: {  	v9 =	vadd.s32 v9, v10  }
0x213: {  	v9 =	vadd.s32 $0x1, v9  }
0x214: {  	vm1 =	vgt.s32 v9, $0x0  }
0x215: {  	v10 =	vmin.u32 v11, $0x2A2FF;
	v9 =	vnsel vm1, $0x0, v9  }
0x216: {  	[tilespmem:s5+$0xC040] =	vst v10;
	v9 =	vmin.u32 v9, $0x2A2FF  }
0x217: {  	s5 =	simm.s32 $0x1900;
	[tilespmem:s6+$0xC040] =	vst v9  }
0x218: {  	[tilespmem:s29], [sflag:$0x1] =	stream.indirect.gather [spmem:s2], $0x1, s22, s5, $0xb8;
	[tilespmem:$0x18360] =	vst v63  }
0x219: {  	_ =	swait.ge [sflag:s30], $0x1900  }
0x21a: {  	[sflag:s30] =	ssyncset.done $0x0  }
0x21b: {  	s7 =	simm.s32 $0x13F50;
	s6 =	simm.s32 $0x13D40;
	[sflag:s30] =	ssyncadd.s32 $0xFFFFE700  }
.LBB2_32:
0x21c: {  	p0 =	sne.s32 s5, $0x1B00  }
.Ltmp15:
0x21d: {  	_ = 	snop;
	(pc) =	sbr.rel @p0 .LBB2_32-.Ltmp15, $4  }
0x21e: {  	_ = 	snop  }
0x21f: {  	v9 =	vor.u32 s5, v8  }
0x220: {  	[tilespmem:s6+$0x0] =	vst v9  }
0x221: {  	s5 =	sadd.s32 $0x10, s5;
	s6 =	sadd.s32 $0x10, s6;
	[tilespmem:s7+$0x0] =	vst v6;
	s7 =	sadd.s32 $0x10, s7  }
0x222: {  	s5 =	simm.s32 $0x8E40  }
0x223: {  	v9 =	vld [tilespmem:s5+$0x0];
	_ =	sdelay $0x1  }
0x224: {  	s24 =	simm.s32 $0xF240  }
0x225: {  	s6 =	simm.s32 $0x5C40;
	v10 =	vld [tilespmem:s24+$0x0]  }
0x226: {  	v11 =	vld [tilespmem:s6+$0x0]  }
0x227: {  	vm1 =	vgt.s32 v9, $0x0  }
0x228: {  	v9 =	vnsel vm1, $0x0, v9  }
0x229: {  	v9 =	vmin.u32 v9, $0x1F  }
0x22a: {  	v10 =	vshrl.u32 v10, v9  }
0x22b: {  	s25 =	sadd.s32 $0x0, s17;
	v11 =	vadd.s32 $0x1, v11;
	v10 =	vand.u32 $0x1, v10  }
0x22c: {  	vm3 =	vmmov vm0;
	p0 =	slt.u32 s25, $0x30D40;
	vm1 =	vlt.u32 v11, $0x168;
	vm2 =	veq.s32 v10, $0x1  }
0x22d: {  	vm3 =	vmneg @p0 vm3;
	vm1 =	vmand vm1, vm2  }
0x22e: {  	vm1 =	vmand vm3, vm1  }
0x22f: {  	s5 =	simm.s32 $0x12440;
	v10 =	vsel vm1, $0x3F800000, v6;
	v11 =	vmpcnt.ones.xlane vm1  }
0x230: {  	s7 =	simm.s32 $0x2A40;
	[tilespmem:s5+$0x0] =	vst v10  }
0x231: {  	v10 =	vld [tilespmem:s7+$0x0];
	v11 =	vxor.u32 $0x80000000, v11  }
0x232: {  	(xrf0) =	vmax.scan.msk.u32 $0xffff, v11  }
0x233: {  	v11 =	vld [tilespmem:s6+$0x0];
	_ =	sdelay $0x2  }
0x234: {  	v10 =	vmul.u32 $0x168, v10;
	_ =	sdelay $0x1  }
0x235: {  	v10 =	vadd.s32 v11, v10;
	v11, _, _ =	vpop (xrf0)  }
0x236: {  	s26 =	simm.s32 $0x0;
	v10 =	vshll.u32 v10, $0x5;
	(v2sf) =	vpush v11, $0xF  }
0x237: {  	v11 =	vor.u32 s26, v8;
	v9 =	vor.u32 v9, v10  }
0x238: {  	[tilespmem:s26+$0x13D40] =	vst.msk vm1, v11;
	v9 =	vadd.s32 $0x20, v9  }
0x239: {  	s7 =	simm.s32 $0x8E50;
	[tilespmem:s26+$0x13F50] =	vst.msk vm1, v9  }
0x23a: {  	v9 =	vld [tilespmem:s7+$0x0];
	_ =	sdelay $0x1  }
0x23b: {  	s8 =	simm.s32 $0xF250  }
0x23c: {  	s6 =	simm.s32 $0x5C50;
	v10 =	vld [tilespmem:s8+$0x0]  }
0x23d: {  	v11 =	vld [tilespmem:s6+$0x0]  }
0x23e: {  	vm1 =	vgt.s32 v9, $0x0  }
0x23f: {  	v9 =	vnsel vm1, $0x0, v9  }
0x240: {  	v9 =	vmin.u32 v9, $0x1F  }
0x241: {  	v10 =	vshrl.u32 v10, v9  }
0x242: {  	s9 =	sadd.s32 $0x10, s17;
	v11 =	vadd.s32 $0x1, v11;
	v10 =	vand.u32 $0x1, v10  }
0x243: {  	p0 =	slt.u32 s9, $0x30D40;
	vm3 =	vmmov vm0;
	vm1 =	vlt.u32 v11, $0x168;
	vm2 =	veq.s32 v10, $0x1  }
0x244: {  	s11 =	simm.s32 $0x20;
	vm3 =	vmneg @p0 vm3;
	vm1 =	vmand vm1, vm2;
	s10 =	spop (v2sf)  }
0x245: {  	s9 =	simm.s32 $0x10;
	vm1 =	vmand vm3, vm1;
	s24 =	sadd.s32 $0x0, s10;
	s10 =	simm.s32 $0x2A50  }
.LBB2_34:
0x246: {  	s24 =	sadd.s32 $0x80000000, s24  }
0x247: {  	v10 =	vsel vm1, $0x3F800000, v6;
	v11 =	vmpcnt.ones.xlane vm1;
	s5 =	sadd.s32 $0x10, s5;
	s26 =	smov.u32 s11;
	s25 =	sadd.s32 $0x10, s11  }
0x248: {  	p0 =	sne.s32 s11, $0x18F0;
	[tilespmem:s5+$0x0] =	vst v10  }
0x249: {  	v10 =	vld [tilespmem:s10+$0x0];
	v11 =	vxor.u32 $0x80000000, v11  }
0x24a: {  	(xrf0) =	vmax.scan.msk.u32 $0xffff, v11  }
0x24b: {  	v12 =	vor.u32 s9, v8;
	s9 =	smov.u32 s26;
	v11 =	vld [tilespmem:s6+$0x0]  }
0x24c: {  	[tilespmem:s24+$0x13D40] =	vst.msk vm1, v12;
	_ =	sdelay $0x1  }
0x24d: {  	v10 =	vmul.u32 $0x168, v10;
	_ =	sdelay $0x1  }
0x24e: {  	v10 =	vadd.s32 v11, v10;
	v11, _, _ =	vpop (xrf0)  }
0x24f: {  	v10 =	vshll.u32 v10, $0x5;
	(v2sf) =	vpush v11, $0xF  }
0x250: {  	v9 =	vor.u32 v9, v10  }
0x251: {  	v9 =	vadd.s32 $0x20, v9  }
0x252: {  	s7 =	sadd.s32 $0x10, s7;
	[tilespmem:s24+$0x13F50] =	vst.msk vm1, v9  }
0x253: {  	v9 =	vld [tilespmem:s7+$0x0];
	_ =	sdelay $0x1  }
0x254: {  	s8 =	sadd.s32 $0x10, s8  }
0x255: {  	s6 =	sadd.s32 $0x10, s6;
	v10 =	vld [tilespmem:s8+$0x0]  }
0x256: {  	v11 =	vld [tilespmem:s6+$0x0]  }
0x257: {  	vm1 =	vgt.s32 v9, $0x0  }
0x258: {  	v9 =	vnsel vm1, $0x0, v9  }
0x259: {  	v9 =	vmin.u32 v9, $0x1F  }
.Ltmp16:
0x25a: {  	v10 =	vshrl.u32 v10, v9;
	(pc) =	sbr.rel @p0 .LBB2_34-.Ltmp16, $4  }
0x25b: {  	s11 =	sadd.s32 s9, s17;
	v11 =	vadd.s32 $0x1, v11;
	v10 =	vand.u32 $0x1, v10  }
0x25c: {  	vm3 =	vmmov vm0;
	p1 =	slt.u32 s11, $0x30D40;
	vm1 =	vlt.u32 v11, $0x168;
	vm2 =	veq.s32 v10, $0x1  }
0x25d: {  	vm3 =	vmneg @p1 vm3;
	vm1 =	vmand vm1, vm2;
	s11 =	spop (v2sf)  }
0x25e: {  	s10 =	sadd.s32 $0x10, s10;
	vm1 =	vmand vm3, vm1;
	s24 =	sadd.s32 s11, s24;
	s11 =	smov.u32 s25  }
0x25f: {  	v10 =	vmpcnt.ones.xlane vm1;
	_ =	sdelay $0x1  }
0x260: {  	v10 =	vxor.u32 $0x80000000, v10  }
0x261: {  	(xrf0) =	vmax.scan.msk.u32 $0xffff, v10;
	_ =	sdelay $0x5  }
0x262: {  	v10, _, _ =	vpop (xrf0)  }
0x263: {  	s5 =	sadd.s32 $0x10, s5;
	(v2sf) =	vpush v10, $0xF;
	v10 =	vsel vm1, $0x3F800000, v6  }
0x264: {  	[tilespmem:s5+$0x0] =	vst v10  }
0x265: {  	v10 =	vld [tilespmem:s10+$0x0];
	_ =	sdelay $0x1  }
0x266: {  	v11 =	vld [tilespmem:s6+$0x0];
	_ =	sdelay $0x2  }
0x267: {  	v10 =	vmul.u32 $0x168, v10;
	_ =	sdelay $0x1  }
0x268: {  	v10 =	vadd.s32 v11, v10  }
0x269: {  	v10 =	vshll.u32 v10, $0x5  }
0x26a: {  	s25 =	sadd.s32 $0x80000000, s24;
	v11 =	vor.u32 s9, v8;
	v9 =	vor.u32 v9, v10  }
0x26b: {  	[tilespmem:s25+$0x13D40] =	vst.msk vm1, v11;
	v9 =	vadd.s32 $0x20, v9  }
0x26c: {  	s5 =	simm.s32 $0x0;
	[tilespmem:s25+$0x13F50] =	vst.msk vm1, v9  }
0x26d: {  	[hbm4b:s14+s5] =	stream.linear.scatter [tilespmem:s31], [sflag:$0x2], $0x1900, $0x38;
	[tilespmem:$0x18360] =	vst v63  }
0x26e: {  	s26 =	spop (v2sf)  }
0x26f: {  	_ =	swait.ge [sflag:s23], $0x1900  }
0x270: {  	[sflag:s23] =	ssyncset.done $0x0  }
0x271: {  	[sflag:s23] =	ssyncadd.s32 $0xFFFFE700  }
0x272: {  	[tilespmem:s28], [sflag:$0x1] =	stream.indirect.gather [hbm4b:s18+s13], $0x1, s0, s13, $0xb8;
	[tilespmem:$0x18360] =	vst v63  }
0x273: {  	_ =	swait.ge [sflag:s30], $0x200  }
0x274: {  	[sflag:s30] =	ssyncset.done $0x0  }
0x275: {  	s6 =	simm.s32 $0x0;
	[sflag:s30] =	ssyncadd.s32 $0xFFFFFE00  }
0x276: {  	v10 =	vld [tilespmem:s6+$0x13D40];
	_ =	sdelay $0x3  }
0x277: {  	s5 =	simm.s32 $0x10  }
0x278: {  	v9 =	vld [tilespmem:s5+$0x13D40];
	vm1 =	vlt.s32 v10, $0x1900  }
0x279: {  	v11 =	vnsel vm1, $0xC5440, v3  }
0x27a: {  	v11 =	vadd.s32 v10, v11;
	v10 =	vld [tilespmem:s6+$0x14160];
	_ =	sdelay $0x1  }
0x27b: {  	s7 =	simm.s32 $0x80;
	[tilespmem:s6+$0x14160] =	vst v11  }
.LBB2_36:
0x27c: {  	s8 =	sshra.s32 s7, $0x2;
	p0 =	sne.s32 s7, $0x7C0;
	s7 =	sadd.s32 $0x40, s7;
	vm1 =	vlt.s32 v9, $0x1900;
	v11 =	vmov v9  }
.Ltmp17:
0x27d: {  	v9 =	vld [tilespmem:s8+$0x13D40];
	v12 =	vnsel vm1, $0xC5440, v3;
	(pc) =	sbr.rel @p0 .LBB2_36-.Ltmp17, $4  }
0x27e: {  	v11 =	vadd.s32 v11, v12;
	vm1 =	vgt.s32 v10, $0x0  }
0x27f: {  	[tilespmem:s5+$0x14160] =	vst v11;
	v11 =	vnsel vm1, $0x0, v10;
	v10 =	vld [tilespmem:s5+$0x14160]  }
0x280: {  	v11 =	vmin.u32 v11, $0x30D3F  }
0x281: {  	[tilespmem:s6+$0x13F50] =	vst v11;
	s6 =	smov.u32 s5;
	s5 =	smov.u32 s8  }
0x282: {  	v11 =	vld [tilespmem:s5+$0x14160];
	_ =	sdelay $0x2  }
0x283: {  	vm1 =	vlt.s32 v9, $0x1900  }
0x284: {  	v12 =	vnsel vm1, $0xC5440, v3;
	vm1 =	vgt.s32 v10, $0x0  }
0x285: {  	v9 =	vadd.s32 v9, v12;
	v10 =	vnsel vm1, $0x0, v10;
	vm1 =	vgt.s32 v11, $0x0  }
0x286: {  	[tilespmem:s5+$0x14160] =	vst v9;
	v9 =	vmin.u32 v10, $0x30D3F;
	v10 =	vnsel vm1, $0x0, v11  }
0x287: {  	[tilespmem:s6+$0x13F50] =	vst v9;
	v9 =	vmin.u32 v10, $0x30D3F  }
0x288: {  	[tilespmem:s5+$0x13F50] =	vst v9  }
0x289: {  	[tilespmem:s4], [sflag:$0x1] =	stream.indirect.gather [hbm4b:s1+s13], $0x20, s0, s13, $0xb8;
	[tilespmem:$0x18360] =	vst v63  }
0x28a: {  	_ =	swait.ge [sflag:s30], $0x4000  }
0x28b: {  	[sflag:s30] =	ssyncset.done $0x0  }
0x28c: {  	[sflag:s30] =	ssyncadd.s32 $0xFFFFC000  }
0x28d: {  	[hbm4b:s19+s13] =	stream.indirect.scatter [tilespmem:s4], [sflag:$0x1], $0x20, s28, s13, $0xb8;
	[tilespmem:$0x18360] =	vst v63  }
0x28e: {  	_ =	swait.ge [sflag:s30], $0x4000  }
0x28f: {  	[sflag:s30] =	ssyncset.done $0x0  }
0x290: {  	s5 =	simm.s32 $0x0;
	[sflag:s30] =	ssyncadd.s32 $0xFFFFC000  }
0x291: {  	v9 =	vld [tilespmem:s5+$0x2A40];
	_ =	sdelay $0x1  }
0x292: {  	v10 =	vld [tilespmem:s5+$0x5C40];
	_ =	sdelay $0x2  }
0x293: {  	v9 =	vmul.u32 $0x168, v9  }
0x294: {  	s6 =	simm.s32 $0x10  }
0x295: {  	v10 =	vadd.s32 v10, v9;
	v9 =	vld [tilespmem:s6+$0x2A40]  }
0x296: {  	vm1 =	vgt.s32 v10, $0x0  }
0x297: {  	v11 =	vnsel vm1, $0x0, v10;
	v10 =	vld [tilespmem:s6+$0x5C40];
	_ =	sdelay $0x1  }
0x298: {  	s7 =	simm.s32 $0x80;
	v11 =	vmin.u32 v11, $0x2A2FF  }
.LBB2_38:
0x299: {  	s8 =	sshra.s32 s7, $0x2;
	p0 =	sne.s32 s7, $0x63C0;
	s7 =	sadd.s32 $0x40, s7;
	v12 =	vmul.u32 $0x168, v9;
	[tilespmem:s5+$0xC040] =	vst v11  }
.Ltmp18:
0x29a: {  	s5 =	smov.u32 s6;
	v9 =	vld [tilespmem:s8+$0x2A40];
	s6 =	smov.u32 s8;
	(pc) =	sbr.rel @p0 .LBB2_38-.Ltmp18, $4  }
0x29b: {  	v11 =	vadd.s32 v10, v12  }
0x29c: {  	v10 =	vld [tilespmem:s6+$0x5C40];
	vm1 =	vgt.s32 v11, $0x0  }
0x29d: {  	v11 =	vnsel vm1, $0x0, v11  }
0x29e: {  	v11 =	vmin.u32 v11, $0x2A2FF  }
0x29f: {  	v9 =	vmul.u32 $0x168, v9;
	_ =	sdelay $0x1  }
0x2a0: {  	v9 =	vadd.s32 v10, v9  }
0x2a1: {  	vm1 =	vgt.s32 v9, $0x0  }
0x2a2: {  	v9 =	vnsel vm1, $0x0, v9  }
0x2a3: {  	[tilespmem:s5+$0xC040] =	vst v11;
	v9 =	vmin.u32 v9, $0x2A2FF  }
0x2a4: {  	s5 =	simm.s32 $0x1900;
	[tilespmem:s6+$0xC040] =	vst v9  }
0x2a5: {  	[tilespmem:s29], [sflag:$0x1] =	stream.indirect.gather [spmem:s2], $0x1, s22, s5, $0xb8;
	[tilespmem:$0x18360] =	vst v63  }
0x2a6: {  	_ =	swait.ge [sflag:s30], $0x1900  }
0x2a7: {  	[sflag:s30] =	ssyncset.done $0x0  }
0x2a8: {  	s7 =	simm.s32 $0x13F50;
	s6 =	simm.s32 $0x13D40;
	[sflag:s30] =	ssyncadd.s32 $0xFFFFE700  }
.LBB2_40:
0x2a9: {  	p0 =	sne.s32 s5, $0x1B00  }
.Ltmp19:
0x2aa: {  	_ = 	snop;
	(pc) =	sbr.rel @p0 .LBB2_40-.Ltmp19, $4  }
0x2ab: {  	_ = 	snop  }
0x2ac: {  	v9 =	vor.u32 s5, v8  }
0x2ad: {  	[tilespmem:s6+$0x0] =	vst v9  }
0x2ae: {  	s5 =	sadd.s32 $0x10, s5;
	s6 =	sadd.s32 $0x10, s6;
	[tilespmem:s7+$0x0] =	vst v6;
	s7 =	sadd.s32 $0x10, s7  }
0x2af: {  	s5 =	simm.s32 $0x8E40  }
0x2b0: {  	v9 =	vld [tilespmem:s5+$0x0];
	_ =	sdelay $0x2  }
0x2b1: {  	s11 =	simm.s32 $0xF240  }
0x2b2: {  	v10 =	vld [tilespmem:s11+$0x0]  }
0x2b3: {  	v9 =	vadd.s32 $0xFFFFFFFF, v9  }
0x2b4: {  	vm1 =	vgt.s32 v9, $0x0  }
0x2b5: {  	v11 =	vnsel vm1, $0x0, v9  }
0x2b6: {  	v11 =	vmin.u32 v11, $0x1F  }
0x2b7: {  	v10 =	vshrl.u32 v10, v11  }
0x2b8: {  	s24 =	sadd.s32 $0x0, s17;
	v10 =	vand.u32 $0x1, v10  }
0x2b9: {  	vm3 =	vmmov vm0;
	p0 =	slt.u32 s24, $0x30D40;
	vm1 =	vlt.u32 v9, $0x20;
	vm2 =	veq.s32 v10, $0x1  }
0x2ba: {  	vm3 =	vmneg @p0 vm3;
	vm1 =	vmand vm1, vm2  }
0x2bb: {  	vm1 =	vmand vm3, vm1  }
0x2bc: {  	s5 =	simm.s32 $0x12440;
	v9 =	vsel vm1, $0x3F800000, v6;
	v10 =	vmpcnt.ones.xlane vm1  }
0x2bd: {  	s6 =	simm.s32 $0x2A40;
	[tilespmem:s5+$0x0] =	vst v9  }
0x2be: {  	v9 =	vld [tilespmem:s6+$0x0];
	v10 =	vxor.u32 $0x80000000, v10  }
0x2bf: {  	s25 =	simm.s32 $0x5C40;
	(xrf0) =	vmax.scan.msk.u32 $0xffff, v10  }
0x2c0: {  	v10 =	vld [tilespmem:s25+$0x0];
	_ =	sdelay $0x2  }
0x2c1: {  	v9 =	vmul.u32 $0x168, v9;
	_ =	sdelay $0x1  }
0x2c2: {  	s26 =	simm.s32 $0x0;
	v9 =	vadd.s32 v10, v9;
	v10, _, _ =	vpop (xrf0)  }
0x2c3: {  	v12 =	vor.u32 s26, v8;
	v9 =	vshll.u32 v9, $0x5;
	(v2sf) =	vpush v10, $0xF  }
0x2c4: {  	[tilespmem:s26+$0x13D40] =	vst.msk vm1, v12;
	v9 =	vor.u32 v11, v9  }
0x2c5: {  	s6 =	simm.s32 $0x8E50;
	[tilespmem:s26+$0x13F50] =	vst.msk vm1, v9  }
0x2c6: {  	v9 =	vld [tilespmem:s6+$0x0];
	_ =	sdelay $0x2  }
0x2c7: {  	s8 =	simm.s32 $0xF250  }
0x2c8: {  	v10 =	vld [tilespmem:s8+$0x0]  }
0x2c9: {  	v11 =	vadd.s32 $0xFFFFFFFF, v9  }
0x2ca: {  	vm1 =	vgt.s32 v11, $0x0  }
0x2cb: {  	v9 =	vnsel vm1, $0x0, v11  }
0x2cc: {  	v9 =	vmin.u32 v9, $0x1F  }
0x2cd: {  	v10 =	vshrl.u32 v10, v9  }
0x2ce: {  	s7 =	sadd.s32 $0x10, s17;
	v10 =	vand.u32 $0x1, v10  }
0x2cf: {  	p0 =	slt.u32 s7, $0x30D40;
	vm3 =	vmmov vm0;
	vm1 =	vlt.u32 v11, $0x20;
	vm2 =	veq.s32 v10, $0x1  }
0x2d0: {  	s10 =	simm.s32 $0x5C50;
	s7 =	simm.s32 $0x10;
	vm3 =	vmneg @p0 vm3;
	vm1 =	vmand vm1, vm2;
	s9 =	spop (v2sf)  }
0x2d1: {  	s25 =	simm.s32 $0x20;
	vm1 =	vmand vm3, vm1;
	s24 =	sadd.s32 $0x0, s9;
	s9 =	simm.s32 $0x2A50  }
.LBB2_42:
0x2d2: {  	s24 =	sadd.s32 $0x80000000, s24  }
0x2d3: {  	v10 =	vsel vm1, $0x3F800000, v6;
	v11 =	vmpcnt.ones.xlane vm1;
	s5 =	sadd.s32 $0x10, s5;
	s26 =	smov.u32 s25;
	s11 =	sadd.s32 $0x10, s25  }
0x2d4: {  	p0 =	sne.s32 s25, $0x18F0;
	[tilespmem:s5+$0x0] =	vst v10  }
0x2d5: {  	v10 =	vld [tilespmem:s9+$0x0];
	v11 =	vxor.u32 $0x80000000, v11  }
0x2d6: {  	(xrf0) =	vmax.scan.msk.u32 $0xffff, v11  }
0x2d7: {  	v12 =	vor.u32 s7, v8;
	s7 =	smov.u32 s26;
	v11 =	vld [tilespmem:s10+$0x0]  }
0x2d8: {  	[tilespmem:s24+$0x13D40] =	vst.msk vm1, v12;
	_ =	sdelay $0x1  }
0x2d9: {  	v10 =	vmul.u32 $0x168, v10;
	_ =	sdelay $0x1  }
0x2da: {  	v10 =	vadd.s32 v11, v10;
	v11, _, _ =	vpop (xrf0)  }
0x2db: {  	v10 =	vshll.u32 v10, $0x5;
	(v2sf) =	vpush v11, $0xF  }
0x2dc: {  	v9 =	vor.u32 v9, v10  }
0x2dd: {  	s6 =	sadd.s32 $0x10, s6;
	[tilespmem:s24+$0x13F50] =	vst.msk vm1, v9  }
0x2de: {  	v9 =	vld [tilespmem:s6+$0x0];
	_ =	sdelay $0x2  }
0x2df: {  	s8 =	sadd.s32 $0x10, s8  }
0x2e0: {  	v10 =	vld [tilespmem:s8+$0x0]  }
0x2e1: {  	v11 =	vadd.s32 $0xFFFFFFFF, v9  }
0x2e2: {  	vm1 =	vgt.s32 v11, $0x0  }
0x2e3: {  	v9 =	vnsel vm1, $0x0, v11  }
0x2e4: {  	v9 =	vmin.u32 v9, $0x1F  }
.Ltmp20:
0x2e5: {  	v10 =	vshrl.u32 v10, v9;
	(pc) =	sbr.rel @p0 .LBB2_42-.Ltmp20, $4  }
0x2e6: {  	s25 =	sadd.s32 s7, s17;
	v10 =	vand.u32 $0x1, v10  }
0x2e7: {  	vm3 =	vmmov vm0;
	p1 =	slt.u32 s25, $0x30D40;
	vm1 =	vlt.u32 v11, $0x20;
	vm2 =	veq.s32 v10, $0x1  }
0x2e8: {  	s9 =	sadd.s32 $0x10, s9;
	vm3 =	vmneg @p1 vm3;
	vm1 =	vmand vm1, vm2;
	s25 =	spop (v2sf)  }
0x2e9: {  	s10 =	sadd.s32 $0x10, s10;
	vm1 =	vmand vm3, vm1;
	s24 =	sadd.s32 s25, s24;
	s25 =	smov.u32 s11  }
0x2ea: {  	v10 =	vmpcnt.ones.xlane vm1;
	_ =	sdelay $0x1  }
0x2eb: {  	v10 =	vxor.u32 $0x80000000, v10  }
0x2ec: {  	(xrf0) =	vmax.scan.msk.u32 $0xffff, v10;
	_ =	sdelay $0x5  }
0x2ed: {  	v10, _, _ =	vpop (xrf0)  }
0x2ee: {  	(v2sf) =	vpush v10, $0xF  }
0x2ef: {  	s5 =	sadd.s32 $0x10, s5;
	v10 =	vsel vm1, $0x3F800000, v6  }
0x2f0: {  	[tilespmem:s5+$0x0] =	vst v10  }
0x2f1: {  	v10 =	vld [tilespmem:s9+$0x0];
	_ =	sdelay $0x1  }
0x2f2: {  	v11 =	vld [tilespmem:s10+$0x0];
	_ =	sdelay $0x2  }
0x2f3: {  	v10 =	vmul.u32 $0x168, v10;
	_ =	sdelay $0x1  }
0x2f4: {  	v10 =	vadd.s32 v11, v10  }
0x2f5: {  	s25 =	sadd.s32 $0x80000000, s24;
	v11 =	vor.u32 s7, v8;
	v10 =	vshll.u32 v10, $0x5  }
0x2f6: {  	[tilespmem:s25+$0x13D40] =	vst.msk vm1, v11;
	v9 =	vor.u32 v9, v10  }
0x2f7: {  	s5 =	simm.s32 $0x0;
	[tilespmem:s25+$0x13F50] =	vst.msk vm1, v9  }
0x2f8: {  	[hbm4b:s15+s5] =	stream.linear.scatter [tilespmem:s31], [sflag:$0x2], $0x1900, $0x38;
	[tilespmem:$0x18360] =	vst v63  }
0x2f9: {  	s26 =	spop (v2sf)  }
0x2fa: {  	_ =	swait.ge [sflag:s23], $0x1900  }
0x2fb: {  	[sflag:s23] =	ssyncset.done $0x0  }
0x2fc: {  	[sflag:s23] =	ssyncadd.s32 $0xFFFFE700  }
0x2fd: {  	[tilespmem:s28], [sflag:$0x1] =	stream.indirect.gather [hbm4b:s18+s13], $0x1, s0, s13, $0xb8;
	[tilespmem:$0x18360] =	vst v63  }
0x2fe: {  	_ =	swait.ge [sflag:s30], $0x200  }
0x2ff: {  	[sflag:s30] =	ssyncset.done $0x0  }
0x300: {  	s6 =	simm.s32 $0x0;
	[sflag:s30] =	ssyncadd.s32 $0xFFFFFE00  }
0x301: {  	v10 =	vld [tilespmem:s6+$0x13D40];
	_ =	sdelay $0x3  }
0x302: {  	s5 =	simm.s32 $0x10  }
0x303: {  	v9 =	vld [tilespmem:s5+$0x13D40];
	vm1 =	vlt.s32 v10, $0x1900  }
0x304: {  	v11 =	vnsel vm1, $0xF7440, v4  }
0x305: {  	v11 =	vadd.s32 v10, v11;
	v10 =	vld [tilespmem:s6+$0x14160];
	_ =	sdelay $0x1  }
0x306: {  	s7 =	simm.s32 $0x80;
	[tilespmem:s6+$0x14160] =	vst v11  }
.LBB2_44:
0x307: {  	s8 =	sshra.s32 s7, $0x2;
	p0 =	sne.s32 s7, $0x7C0;
	s7 =	sadd.s32 $0x40, s7;
	vm1 =	vlt.s32 v9, $0x1900;
	v11 =	vmov v9  }
.Ltmp21:
0x308: {  	v9 =	vld [tilespmem:s8+$0x13D40];
	v12 =	vnsel vm1, $0xF7440, v4;
	(pc) =	sbr.rel @p0 .LBB2_44-.Ltmp21, $4  }
0x309: {  	v11 =	vadd.s32 v11, v12;
	vm1 =	vgt.s32 v10, $0x0  }
0x30a: {  	[tilespmem:s5+$0x14160] =	vst v11;
	v11 =	vnsel vm1, $0x0, v10;
	v10 =	vld [tilespmem:s5+$0x14160]  }
0x30b: {  	v11 =	vmin.u32 v11, $0x30D3F  }
0x30c: {  	[tilespmem:s6+$0x13F50] =	vst v11;
	s6 =	smov.u32 s5;
	s5 =	smov.u32 s8  }
0x30d: {  	v11 =	vld [tilespmem:s5+$0x14160];
	_ =	sdelay $0x2  }
0x30e: {  	vm1 =	vlt.s32 v9, $0x1900  }
0x30f: {  	v12 =	vnsel vm1, $0xF7440, v4;
	vm1 =	vgt.s32 v10, $0x0  }
0x310: {  	v9 =	vadd.s32 v9, v12;
	v10 =	vnsel vm1, $0x0, v10;
	vm1 =	vgt.s32 v11, $0x0  }
0x311: {  	[tilespmem:s5+$0x14160] =	vst v9;
	v9 =	vmin.u32 v10, $0x30D3F;
	v10 =	vnsel vm1, $0x0, v11  }
0x312: {  	[tilespmem:s6+$0x13F50] =	vst v9;
	v9 =	vmin.u32 v10, $0x30D3F  }
0x313: {  	[tilespmem:s5+$0x13F50] =	vst v9  }
0x314: {  	[tilespmem:s4], [sflag:$0x1] =	stream.indirect.gather [hbm4b:s1+s13], $0x20, s0, s13, $0xb8;
	[tilespmem:$0x18360] =	vst v63  }
0x315: {  	_ =	swait.ge [sflag:s30], $0x4000  }
0x316: {  	[sflag:s30] =	ssyncset.done $0x0  }
0x317: {  	[sflag:s30] =	ssyncadd.s32 $0xFFFFC000  }
0x318: {  	[hbm4b:s19+s13] =	stream.indirect.scatter [tilespmem:s4], [sflag:$0x1], $0x20, s28, s13, $0xb8;
	[tilespmem:$0x18360] =	vst v63  }
0x319: {  	_ =	swait.ge [sflag:s30], $0x4000  }
0x31a: {  	[sflag:s30] =	ssyncset.done $0x0  }
0x31b: {  	s5 =	simm.s32 $0x0;
	[sflag:s30] =	ssyncadd.s32 $0xFFFFC000  }
0x31c: {  	v9 =	vld [tilespmem:s5+$0x2A40];
	_ =	sdelay $0x1  }
0x31d: {  	v10 =	vld [tilespmem:s5+$0x5C40];
	_ =	sdelay $0x2  }
0x31e: {  	v9 =	vmul.u32 $0x168, v9  }
0x31f: {  	s6 =	simm.s32 $0x10  }
0x320: {  	v10 =	vadd.s32 v10, v9;
	v9 =	vld [tilespmem:s6+$0x2A40]  }
0x321: {  	vm1 =	vgt.s32 v10, $0x0  }
0x322: {  	v11 =	vnsel vm1, $0x0, v10;
	v10 =	vld [tilespmem:s6+$0x5C40];
	_ =	sdelay $0x1  }
0x323: {  	s7 =	simm.s32 $0x80;
	v11 =	vmin.u32 v11, $0x2A2FF  }
.LBB2_46:
0x324: {  	s8 =	sshra.s32 s7, $0x2;
	p0 =	sne.s32 s7, $0x63C0;
	s7 =	sadd.s32 $0x40, s7;
	v12 =	vmul.u32 $0x168, v9;
	[tilespmem:s5+$0xC040] =	vst v11  }
.Ltmp22:
0x325: {  	s5 =	smov.u32 s6;
	v9 =	vld [tilespmem:s8+$0x2A40];
	s6 =	smov.u32 s8;
	(pc) =	sbr.rel @p0 .LBB2_46-.Ltmp22, $4  }
0x326: {  	v11 =	vadd.s32 v10, v12  }
0x327: {  	v10 =	vld [tilespmem:s6+$0x5C40];
	vm1 =	vgt.s32 v11, $0x0  }
0x328: {  	v11 =	vnsel vm1, $0x0, v11  }
0x329: {  	v11 =	vmin.u32 v11, $0x2A2FF  }
0x32a: {  	v9 =	vmul.u32 $0x168, v9;
	_ =	sdelay $0x1  }
0x32b: {  	v9 =	vadd.s32 v10, v9  }
0x32c: {  	vm1 =	vgt.s32 v9, $0x0  }
0x32d: {  	v9 =	vnsel vm1, $0x0, v9  }
0x32e: {  	[tilespmem:s5+$0xC040] =	vst v11;
	v9 =	vmin.u32 v9, $0x2A2FF  }
0x32f: {  	s5 =	simm.s32 $0x1900;
	[tilespmem:s6+$0xC040] =	vst v9  }
0x330: {  	[tilespmem:s29], [sflag:$0x1] =	stream.indirect.gather [spmem:s2], $0x1, s22, s5, $0xb8;
	[tilespmem:$0x18360] =	vst v63  }
0x331: {  	_ =	swait.ge [sflag:s30], $0x1900  }
0x332: {  	[sflag:s30] =	ssyncset.done $0x0  }
0x333: {  	s7 =	simm.s32 $0x13F50;
	s6 =	simm.s32 $0x13D40;
	[sflag:s30] =	ssyncadd.s32 $0xFFFFE700  }
.LBB2_48:
0x334: {  	p0 =	sne.s32 s5, $0x1B00  }
.Ltmp23:
0x335: {  	_ = 	snop;
	(pc) =	sbr.rel @p0 .LBB2_48-.Ltmp23, $4  }
0x336: {  	_ = 	snop  }
0x337: {  	v9 =	vor.u32 s5, v8  }
0x338: {  	[tilespmem:s6+$0x0] =	vst v9  }
0x339: {  	s5 =	sadd.s32 $0x10, s5;
	s6 =	sadd.s32 $0x10, s6;
	[tilespmem:s7+$0x0] =	vst v6;
	s7 =	sadd.s32 $0x10, s7  }
0x33a: {  	s5 =	simm.s32 $0x8E40  }
0x33b: {  	v9 =	vld [tilespmem:s5+$0x0];
	_ =	sdelay $0x2  }
0x33c: {  	s11 =	simm.s32 $0xF240  }
0x33d: {  	v10 =	vld [tilespmem:s11+$0x0]  }
0x33e: {  	v9 =	vadd.s32 $0x1, v9  }
0x33f: {  	vm1 =	vgt.s32 v9, $0x0  }
0x340: {  	v11 =	vnsel vm1, $0x0, v9  }
0x341: {  	v11 =	vmin.u32 v11, $0x1F  }
0x342: {  	v10 =	vshrl.u32 v10, v11  }
0x343: {  	s24 =	sadd.s32 $0x0, s17;
	v10 =	vand.u32 $0x1, v10  }
0x344: {  	vm3 =	vmmov vm0;
	p0 =	slt.u32 s24, $0x30D40;
	vm1 =	vlt.u32 v9, $0x20;
	vm2 =	veq.s32 v10, $0x1  }
0x345: {  	vm3 =	vmneg @p0 vm3;
	vm1 =	vmand vm1, vm2  }
0x346: {  	vm1 =	vmand vm3, vm1  }
0x347: {  	s5 =	simm.s32 $0x12440;
	v9 =	vsel vm1, $0x3F800000, v6;
	v10 =	vmpcnt.ones.xlane vm1  }
0x348: {  	s6 =	simm.s32 $0x2A40;
	[tilespmem:s5+$0x0] =	vst v9  }
0x349: {  	v9 =	vld [tilespmem:s6+$0x0];
	v10 =	vxor.u32 $0x80000000, v10  }
0x34a: {  	s25 =	simm.s32 $0x5C40;
	(xrf0) =	vmax.scan.msk.u32 $0xffff, v10  }
0x34b: {  	v10 =	vld [tilespmem:s25+$0x0];
	_ =	sdelay $0x2  }
0x34c: {  	v9 =	vmul.u32 $0x168, v9;
	_ =	sdelay $0x1  }
0x34d: {  	s26 =	simm.s32 $0x0;
	v9 =	vadd.s32 v10, v9;
	v10, _, _ =	vpop (xrf0)  }
0x34e: {  	v12 =	vor.u32 s26, v8;
	v9 =	vshll.u32 v9, $0x5;
	(v2sf) =	vpush v10, $0xF  }
0x34f: {  	[tilespmem:s26+$0x13D40] =	vst.msk vm1, v12;
	v9 =	vor.u32 v11, v9  }
0x350: {  	s6 =	simm.s32 $0x8E50;
	[tilespmem:s26+$0x13F50] =	vst.msk vm1, v9  }
0x351: {  	v9 =	vld [tilespmem:s6+$0x0];
	_ =	sdelay $0x2  }
0x352: {  	s8 =	simm.s32 $0xF250  }
0x353: {  	v10 =	vld [tilespmem:s8+$0x0]  }
0x354: {  	v11 =	vadd.s32 $0x1, v9  }
0x355: {  	vm1 =	vgt.s32 v11, $0x0  }
0x356: {  	v9 =	vnsel vm1, $0x0, v11  }
0x357: {  	v9 =	vmin.u32 v9, $0x1F  }
0x358: {  	v10 =	vshrl.u32 v10, v9  }
0x359: {  	s7 =	sadd.s32 $0x10, s17;
	v10 =	vand.u32 $0x1, v10  }
0x35a: {  	p0 =	slt.u32 s7, $0x30D40;
	vm3 =	vmmov vm0;
	vm1 =	vlt.u32 v11, $0x20;
	vm2 =	veq.s32 v10, $0x1  }
0x35b: {  	s10 =	simm.s32 $0x5C50;
	s11 =	simm.s32 $0x20;
	vm3 =	vmneg @p0 vm3;
	vm1 =	vmand vm1, vm2;
	s9 =	spop (v2sf)  }
0x35c: {  	s7 =	simm.s32 $0x10;
	vm1 =	vmand vm3, vm1;
	s24 =	sadd.s32 $0x0, s9;
	s9 =	simm.s32 $0x2A50  }
.LBB2_50:
0x35d: {  	s24 =	sadd.s32 $0x80000000, s24  }
0x35e: {  	v10 =	vsel vm1, $0x3F800000, v6;
	v11 =	vmpcnt.ones.xlane vm1;
	s5 =	sadd.s32 $0x10, s5;
	s26 =	smov.u32 s11;
	s25 =	sadd.s32 $0x10, s11  }
0x35f: {  	p0 =	sne.s32 s11, $0x18F0;
	[tilespmem:s5+$0x0] =	vst v10  }
0x360: {  	v10 =	vld [tilespmem:s9+$0x0];
	v11 =	vxor.u32 $0x80000000, v11  }
0x361: {  	(xrf0) =	vmax.scan.msk.u32 $0xffff, v11  }
0x362: {  	v12 =	vor.u32 s7, v8;
	s7 =	smov.u32 s26;
	v11 =	vld [tilespmem:s10+$0x0]  }
0x363: {  	[tilespmem:s24+$0x13D40] =	vst.msk vm1, v12;
	_ =	sdelay $0x1  }
0x364: {  	v10 =	vmul.u32 $0x168, v10;
	_ =	sdelay $0x1  }
0x365: {  	v10 =	vadd.s32 v11, v10;
	v11, _, _ =	vpop (xrf0)  }
0x366: {  	v10 =	vshll.u32 v10, $0x5;
	(v2sf) =	vpush v11, $0xF  }
0x367: {  	v9 =	vor.u32 v9, v10  }
0x368: {  	s6 =	sadd.s32 $0x10, s6;
	[tilespmem:s24+$0x13F50] =	vst.msk vm1, v9  }
0x369: {  	v9 =	vld [tilespmem:s6+$0x0];
	_ =	sdelay $0x2  }
0x36a: {  	s8 =	sadd.s32 $0x10, s8  }
0x36b: {  	v10 =	vld [tilespmem:s8+$0x0]  }
0x36c: {  	v11 =	vadd.s32 $0x1, v9  }
0x36d: {  	vm1 =	vgt.s32 v11, $0x0  }
0x36e: {  	v9 =	vnsel vm1, $0x0, v11  }
0x36f: {  	v9 =	vmin.u32 v9, $0x1F  }
.Ltmp24:
0x370: {  	v10 =	vshrl.u32 v10, v9;
	(pc) =	sbr.rel @p0 .LBB2_50-.Ltmp24, $4  }
0x371: {  	s11 =	sadd.s32 s7, s17;
	v10 =	vand.u32 $0x1, v10  }
0x372: {  	vm3 =	vmmov vm0;
	p1 =	slt.u32 s11, $0x30D40;
	vm1 =	vlt.u32 v11, $0x20;
	vm2 =	veq.s32 v10, $0x1  }
0x373: {  	s9 =	sadd.s32 $0x10, s9;
	vm3 =	vmneg @p1 vm3;
	vm1 =	vmand vm1, vm2;
	s11 =	spop (v2sf)  }
0x374: {  	s10 =	sadd.s32 $0x10, s10;
	vm1 =	vmand vm3, vm1;
	s24 =	sadd.s32 s11, s24;
	s11 =	smov.u32 s25  }
0x375: {  	v10 =	vmpcnt.ones.xlane vm1;
	_ =	sdelay $0x1  }
0x376: {  	v10 =	vxor.u32 $0x80000000, v10  }
0x377: {  	(xrf0) =	vmax.scan.msk.u32 $0xffff, v10;
	_ =	sdelay $0x5  }
0x378: {  	v10, _, _ =	vpop (xrf0)  }
0x379: {  	(v2sf) =	vpush v10, $0xF  }
0x37a: {  	s5 =	sadd.s32 $0x10, s5;
	v10 =	vsel vm1, $0x3F800000, v6  }
0x37b: {  	[tilespmem:s5+$0x0] =	vst v10  }
0x37c: {  	v10 =	vld [tilespmem:s9+$0x0];
	_ =	sdelay $0x1  }
0x37d: {  	v11 =	vld [tilespmem:s10+$0x0];
	_ =	sdelay $0x2  }
0x37e: {  	v10 =	vmul.u32 $0x168, v10;
	_ =	sdelay $0x1  }
0x37f: {  	v10 =	vadd.s32 v11, v10  }
0x380: {  	s25 =	sadd.s32 $0x80000000, s24;
	v11 =	vor.u32 s7, v8;
	v10 =	vshll.u32 v10, $0x5  }
0x381: {  	[tilespmem:s25+$0x13D40] =	vst.msk vm1, v11;
	v9 =	vor.u32 v9, v10  }
0x382: {  	s5 =	simm.s32 $0x0;
	[tilespmem:s25+$0x13F50] =	vst.msk vm1, v9  }
0x383: {  	[hbm4b:s16+s5] =	stream.linear.scatter [tilespmem:s31], [sflag:$0x2], $0x1900, $0x38;
	[tilespmem:$0x18360] =	vst v63  }
0x384: {  	s26 =	spop (v2sf)  }
0x385: {  	_ =	swait.ge [sflag:s23], $0x1900  }
0x386: {  	[sflag:s23] =	ssyncset.done $0x0  }
0x387: {  	[sflag:s23] =	ssyncadd.s32 $0xFFFFE700  }
0x388: {  	[tilespmem:s28], [sflag:$0x1] =	stream.indirect.gather [hbm4b:s18+s13], $0x1, s0, s13, $0xb8;
	[tilespmem:$0x18360] =	vst v63  }
0x389: {  	_ =	swait.ge [sflag:s30], $0x200  }
0x38a: {  	[sflag:s30] =	ssyncset.done $0x0  }
0x38b: {  	s6 =	simm.s32 $0x0;
	[sflag:s30] =	ssyncadd.s32 $0xFFFFFE00  }
0x38c: {  	v10 =	vld [tilespmem:s6+$0x13D40];
	_ =	sdelay $0x3  }
0x38d: {  	s5 =	simm.s32 $0x10  }
0x38e: {  	v9 =	vld [tilespmem:s5+$0x13D40];
	vm1 =	vlt.s32 v10, $0x1900  }
0x38f: {  	v11 =	vnsel vm1, $0x129440, v5  }
0x390: {  	v11 =	vadd.s32 v10, v11;
	v10 =	vld [tilespmem:s6+$0x14160];
	_ =	sdelay $0x1  }
0x391: {  	s7 =	simm.s32 $0x80;
	[tilespmem:s6+$0x14160] =	vst v11  }
.LBB2_52:
0x392: {  	s8 =	sshra.s32 s7, $0x2;
	p0 =	sne.s32 s7, $0x7C0;
	s7 =	sadd.s32 $0x40, s7;
	vm1 =	vlt.s32 v9, $0x1900;
	v11 =	vmov v9  }
.Ltmp25:
0x393: {  	v9 =	vld [tilespmem:s8+$0x13D40];
	v12 =	vnsel vm1, $0x129440, v5;
	(pc) =	sbr.rel @p0 .LBB2_52-.Ltmp25, $4  }
0x394: {  	v11 =	vadd.s32 v11, v12;
	vm1 =	vgt.s32 v10, $0x0  }
0x395: {  	[tilespmem:s5+$0x14160] =	vst v11;
	v11 =	vnsel vm1, $0x0, v10;
	v10 =	vld [tilespmem:s5+$0x14160]  }
0x396: {  	v11 =	vmin.u32 v11, $0x30D3F  }
0x397: {  	[tilespmem:s6+$0x13F50] =	vst v11;
	s6 =	smov.u32 s5;
	s5 =	smov.u32 s8  }
0x398: {  	v11 =	vld [tilespmem:s5+$0x14160];
	_ =	sdelay $0x2  }
0x399: {  	vm1 =	vlt.s32 v9, $0x1900  }
0x39a: {  	v12 =	vnsel vm1, $0x129440, v5;
	vm1 =	vgt.s32 v10, $0x0  }
0x39b: {  	v9 =	vadd.s32 v9, v12;
	v10 =	vnsel vm1, $0x0, v10;
	vm1 =	vgt.s32 v11, $0x0  }
0x39c: {  	[tilespmem:s5+$0x14160] =	vst v9;
	v9 =	vmin.u32 v10, $0x30D3F;
	v10 =	vnsel vm1, $0x0, v11  }
0x39d: {  	[tilespmem:s6+$0x13F50] =	vst v9;
	v9 =	vmin.u32 v10, $0x30D3F  }
0x39e: {  	[tilespmem:s5+$0x13F50] =	vst v9  }
0x39f: {  	[tilespmem:s4], [sflag:$0x1] =	stream.indirect.gather [hbm4b:s1+s13], $0x20, s0, s13, $0xb8;
	[tilespmem:$0x18360] =	vst v63  }
0x3a0: {  	s3 =	sadd.s32 $0x1, s3;
	_ =	swait.ge [sflag:s30], $0x4000  }
0x3a1: {  	p0 =	sne.s32 s3, s21;
	[sflag:s30] =	ssyncset.done $0x0  }
.Ltmp26:
0x3a2: {  	[sflag:s30] =	ssyncadd.s32 $0xFFFFC000;
	(pc) =	sbr.rel @p0 .LBB2_1-.Ltmp26, $4  }
0x3a3: {  	[hbm4b:s19+s13] =	stream.indirect.scatter [tilespmem:s4], [sflag:$0x1], $0x20, s28, s13, $0xb8;
	[tilespmem:$0x18360] =	vst v63  }
0x3a4: {  	_ =	swait.ge [sflag:s30], $0x4000  }
0x3a5: {  	s11 =	simm.s32 $0x2A40;
	[sflag:s30] =	ssyncset.done $0x0  }
0x3a6: {  	s24 =	simm.s32 $0x5C40;
	s9 =	simm.s32 $0x8E40;
	[sflag:s30] =	ssyncadd.s32 $0xFFFFC000  }
0x3a7: {  	_ =	sfence.sel $0x180000  }
0x3a8: {  	[bflag:$0x0] =	sbarrier.arrive $0xFFFF  }
0x3a9: {  	_ =	strace $0x9000004A  }
0x3aa: {  	s0 =	stileid.u32;
	[bflag:$0x2] =	sbarrier.arrive $0xFFFF  }
0x3ab: {  	p0 =	sne.s32 s0, $0x0;
	s0 =	rddreg [dreg:$0x3]  }
0x3ac: {  	s0 =	sadd.s32 @!p0 $0x100000, s0  }
0x3ad: {  	[sflag:s0] =	ssyncadd.tile.s32 @!p0 $0x1;
	_ =	shalt  }
.Lfunc_end2:
_tile_overlayer_lowered:
.L_overlay_start_2:
0x3ae: {  	(tag) =	ssettag $0x2  }
0x3af: {  	s0 =	rddreg [dreg:$0x0];
	s2 =	stileid.u32  }
0x3b0: {  	s1 =	rddreg [dreg:$0x1];
	p0 =	sne.s32 s2, $0x0  }
0x3b1: {  	s3 =	rddreg [dreg:$0x2];
	[bflag:$0x3] =	sbarrier.arrive $0xFFFF;
	s2 =	simm.s32 @!p0 $0x1C02  }
0x3b2: {  	[timem:s3], [sflag:s2] =	dma.local @!p0 [hbm:s0], s1  }
0x3b3: {  	s0 =	simm.s32 @!p0 $0x2  }
0x3b4: {  	_ =	swait.ge @!p0 [sflag:s0], s1  }
0x3b5: {  	s1 =	ssub.s32 @!p0 $0x0, s1;
	[sflag:s0] =	ssyncset.done @!p0 $0x0  }
0x3b6: {  	[sflag:s0] =	ssyncadd.s32 @!p0 s1  }
0x3b7: {  	[bflag:$0x3] =	sbarrier.arrive $0xFFFF  }
0x3b8: {  	_ =	shalt  }

</sc_bundles>
